<compile_context>
chip_gen: v7x
topology: tpu7x:2x2x1
jax: 0.10.2.dev20260603
libtpu: 0.0.44.dev20260713+nightly
codegen_flags: <defaults>
</compile_context>

<pallas_src>
import functools

import jax
import jax.numpy as jnp
from jax import lax
from jax.experimental import pallas as pl
from jax.experimental.pallas import tpu as pltpu
from jax.experimental.pallas import tpu_sc as plsc

_B = 16384
_NC = 2
_NS = 16
_NW = _NC * _NS
_BPW = _B // _NW
_CH = 256
_NCHUNK = _BPW // _CH
_NF = 17


_mesh = plsc.VectorSubcoreMesh(core_axis_name="c", subcore_axis_name="s")

_F32 = functools.partial(jax.ShapeDtypeStruct, dtype=jnp.float32)


@functools.partial(
    pl.kernel,
    out_type=tuple(_F32((_B, 128)) for _ in range(_NF)),
    mesh=_mesh,
    scratch_types=[
        pltpu.VMEM((_CH,), jnp.int32),
        pltpu.VMEM((_CH,), jnp.int32),
        pltpu.VMEM((_CH,), jnp.int32),
        pltpu.VMEM((_CH, 128), jnp.float32),
        pltpu.VMEM((_CH, 128), jnp.float32),
        pltpu.VMEM((_CH, 128), jnp.float32),
        pltpu.SemaphoreType.DMA,
        pltpu.SemaphoreType.DMA,
        pltpu.SemaphoreType.DMA,
        pltpu.SemaphoreType.DMA,
        pltpu.SemaphoreType.DMA,
        pltpu.SemaphoreType.DMA,
    ],
)
def _sc_gather(idx_all, *rest):
    tables = rest[:_NF]
    outs = rest[_NF:2 * _NF]
    scratch = rest[2 * _NF:]
    idxb = scratch[0:3]
    tmp = scratch[3:6]
    gsem = scratch[6:9]
    wsem = scratch[9:12]

    sid = lax.axis_index("s")
    wid = sid * _NC + lax.axis_index("c")
    base = wid * _BPW

    for c in range(_NCHUNK):
        rb = base + c * _CH
        gh = [None, None, None]
        wh = [None, None, None]
        for f in range(_NF):
            i = f % 3
            if wh[i] is not None:
                wh[i].wait()
                wh[i] = None
            pltpu.sync_copy(idx_all.at[pl.ds(f * _B + rb, _CH)], idxb[i])
            gh[i] = pltpu.async_copy(tables[f].at[idxb[i]], tmp[i], gsem[i])
            if f >= 1:
                j = (f - 1) % 3
                gh[j].wait()
                wh[j] = pltpu.async_copy(tmp[j], outs[f - 1].at[pl.ds(rb, _CH)],
                                         wsem[j])
        j = (_NF - 1) % 3
        gh[j].wait()
        wh[j] = pltpu.async_copy(tmp[j], outs[_NF - 1].at[pl.ds(rb, _CH)],
                                 wsem[j])
        for j in range(3):
            if wh[j] is not None:
                wh[j].wait()


_R = 1024
_GRID = _B // _R

_dot = functools.partial(lax.dot_general,
                         dimension_numbers=(((1,), (1,)), ((), ())),
                         preferred_element_type=jnp.float32)


def _addr_embed(slabs, wref, bref):
    es = [s[:, 0:32] for s in slabs]
    n = len(es)
    tot = es[0]
    for e in es[1:]:
        tot = tot + e
    w = wref[...]
    wa = w[0] + w[1] + w[2]
    m = _dot(tot, wa) - _dot(es[0], w[2]) - _dot(es[-1], w[0])
    return m * (1.0 / n) + bref[...]


def _sel_block(slab, low, width, nblk):
    res = slab[:, 0:width]
    for j in range(1, nblk):
        res = jnp.where(low == j, slab[:, width * j:width * (j + 1)], res)
    return res


def _tc_body(*refs):
    octs = [r[...] for r in refs[:14]]
    (osp, odp, oapp, spl, dpl, appl, pkt,
     w1, b1, w2, b2, w3, b3, lwT, lb, out) = refs[14:]
    e1 = _addr_embed(octs[0:4], w1, b1)
    e2 = _addr_embed(octs[4:8], w2, b2)
    e3 = _addr_embed(octs[8:14], w3, b3)
    esp = _sel_block(osp[...], spl[...], 32, 4)
    edp = _sel_block(odp[...], dpl[...], 32, 4)
    eapp = _sel_block(oapp[...], appl[...], 16, 8)
    enum = pkt[...] * lwT[...] + lb[...]
    out[...] = jnp.concatenate([e1, e2, e3, esp, edp, eapp, enum], axis=1)


def _tc_final(slabs, spl, dpl, appl, pkt, w1, b1, w2, b2, w3, b3, lwT, lb):
    row = pl.BlockSpec((_R, 128), lambda i: (i, 0))
    col = pl.BlockSpec((_R, 1), lambda i: (i, 0))
    full = lambda s: pl.BlockSpec(s, lambda i: tuple(0 for _ in s))
    return pl.pallas_call(
        _tc_body,
        grid=(_GRID,),
        in_specs=[row] * _NF + [col] * 4 + [full((3, 32, 32)), full((1, 32)),
                                            full((3, 32, 32)), full((1, 32)),
                                            full((3, 32, 32)), full((1, 32)),
                                            full((1, 16)), full((1, 16))],
        out_specs=pl.BlockSpec((_R, 192), lambda i: (i, 0)),
        out_shape=jax.ShapeDtypeStruct((_B, 192), jnp.float32),
    )(*slabs, spl, dpl, appl, pkt, w1, b1, w2, b2, w3, b3, lwT, lb)


def kernel(ip_src, ip_dst, mac_src, src_port, dst_port, app_id, pkt_len,
           ip_src_tables, ip_src_conv_w, ip_src_conv_b,
           ip_dst_tables, ip_dst_conv_w, ip_dst_conv_b,
           mac_src_tables, mac_src_conv_w, mac_src_conv_b,
           src_port_table, dst_port_table, app_id_table, lin_w, lin_b):
    ip_src = ip_src.astype(jnp.int32)
    ip_dst = ip_dst.astype(jnp.int32)
    mac_src = mac_src.astype(jnp.int32)
    sp = src_port.astype(jnp.int32)
    dp = dst_port.astype(jnp.int32)
    app = app_id.astype(jnp.int32)

    idx_all = jnp.concatenate(
        [ip_src.T.reshape(-1), ip_dst.T.reshape(-1), mac_src.T.reshape(-1),
         sp >> 2, dp >> 2, app >> 3], axis=0)

    pad = lambda t: jnp.pad(t, ((0, 0), (0, 96)))
    tables = ([pad(ip_src_tables[q]) for q in range(4)]
              + [pad(ip_dst_tables[q]) for q in range(4)]
              + [pad(mac_src_tables[q]) for q in range(6)]
              + [src_port_table.reshape(16384, 128),
                 dst_port_table.reshape(16384, 128),
                 app_id_table.reshape(125000, 128)])

    slabs = _sc_gather(idx_all, *tables)
    return _tc_final(
        slabs,
        (sp & 3).reshape(_B, 1), (dp & 3).reshape(_B, 1),
        (app & 7).reshape(_B, 1),
        pkt_len.reshape(_B, 1).astype(jnp.float32),
        jnp.transpose(ip_src_conv_w, (2, 0, 1)), ip_src_conv_b.reshape(1, 32),
        jnp.transpose(ip_dst_conv_w, (2, 0, 1)), ip_dst_conv_b.reshape(1, 32),
        jnp.transpose(mac_src_conv_w, (2, 0, 1)), mac_src_conv_b.reshape(1, 32),
        lin_w.reshape(1, 16), lin_b.reshape(1, 16))

# --- scband reference (transcript-rebuilt; emitter-appended) ---
"""Pipeline reference for scband-field-embedding-89335319757521 (READ-ONLY COPY).

The authoritative reference and input builder live on the scoring server;
editing this copy changes nothing except your own understanding.
"""

import jax, jax.numpy as jnp
import numpy as np


def _address_embed(x, tables, conv_w, conv_b):
    # x: [B, n_octets] int; tables: [n_octets, 256, d]; conv_w: [d, d, 3]; conv_b: [d]
    n = tables.shape[0]
    embs = jnp.stack([jnp.take(tables[i], x[:, i], axis=0) for i in range(n)], axis=1)  # [B, n, d]
    h = jnp.transpose(embs, (0, 2, 1))  # [B, d, n]  (NCW)
    h = jax.lax.conv_general_dilated(
        h, conv_w, window_strides=(1,), padding=[(1, 1)],
        dimension_numbers=('NCW', 'OIW', 'NCW'))
    h = h + conv_b[None, :, None]
    return jnp.mean(h, axis=2)  # [B, d]


def setup_inputs(seed: int = 0):
    key = jax.random.key(seed)
    ks = jax.random.split(key, 24)
    B = 16384
    inp = {}
    inp['ip_src'] = jax.random.randint(ks[0], (B, 4), 0, 256)
    inp['ip_dst'] = jax.random.randint(ks[1], (B, 4), 0, 256)
    inp['mac_src'] = jax.random.randint(ks[2], (B, 6), 0, 256)
    inp['src_port'] = jax.random.randint(ks[3], (B,), 0, 65536)
    inp['dst_port'] = jax.random.randint(ks[4], (B,), 0, 65536)
    inp['app_id'] = jax.random.randint(ks[5], (B,), 0, 1000000)
    inp['pkt_len'] = jax.random.normal(ks[6], (B,), dtype=jnp.float32)
    # parameters (per config: ip_src/ip_dst address_ipv4 dim32 cnn; mac_src address_mac dim32 cnn;
    # src_port/dst_port categorical vocab 65536 dim 32; app_id categorical vocab 1000000 dim 16;
    # pkt_len numerical dim 16)
    inp['ip_src_tables'] = jax.random.normal(ks[7], (4, 256, 32), dtype=jnp.float32) * 0.02
    inp['ip_src_conv_w'] = jax.random.normal(ks[8], (32, 32, 3), dtype=jnp.float32) * 0.05
    inp['ip_src_conv_b'] = jnp.zeros((32,), dtype=jnp.float32)
    inp['ip_dst_tables'] = jax.random.normal(ks[9], (4, 256, 32), dtype=jnp.float32) * 0.02
    inp['ip_dst_conv_w'] = jax.random.normal(ks[10], (32, 32, 3), dtype=jnp.float32) * 0.05
    inp['ip_dst_conv_b'] = jnp.zeros((32,), dtype=jnp.float32)
    inp['mac_src_tables'] = jax.random.normal(ks[11], (6, 256, 32), dtype=jnp.float32) * 0.02
    inp['mac_src_conv_w'] = jax.random.normal(ks[12], (32, 32, 3), dtype=jnp.float32) * 0.05
    inp['mac_src_conv_b'] = jnp.zeros((32,), dtype=jnp.float32)
    inp['src_port_table'] = jax.random.normal(ks[13], (65536, 32), dtype=jnp.float32) * 0.02
    inp['dst_port_table'] = jax.random.normal(ks[14], (65536, 32), dtype=jnp.float32) * 0.02
    inp['app_id_table'] = jax.random.normal(ks[15], (1000000, 16), dtype=jnp.float32) * 0.02
    inp['lin_w'] = jax.random.normal(ks[16], (16, 1), dtype=jnp.float32) * 0.1
    inp['lin_b'] = jnp.zeros((16,), dtype=jnp.float32)
    return inp


def reference(ip_src, ip_dst, mac_src, src_port, dst_port, app_id, pkt_len,
              ip_src_tables, ip_src_conv_w, ip_src_conv_b,
              ip_dst_tables, ip_dst_conv_w, ip_dst_conv_b,
              mac_src_tables, mac_src_conv_w, mac_src_conv_b,
              src_port_table, dst_port_table, app_id_table, lin_w, lin_b):
    e_ip_src = _address_embed(ip_src, ip_src_tables, ip_src_conv_w, ip_src_conv_b)
    e_ip_dst = _address_embed(ip_dst, ip_dst_tables, ip_dst_conv_w, ip_dst_conv_b)
    e_mac = _address_embed(mac_src, mac_src_tables, mac_src_conv_w, mac_src_conv_b)
    e_sp = jnp.take(src_port_table, src_port, axis=0)
    e_dp = jnp.take(dst_port_table, dst_port, axis=0)
    e_app = jnp.take(app_id_table, app_id, axis=0)
    num = pkt_len.reshape(-1, 1).astype(jnp.float32)
    e_num = num @ lin_w.T + lin_b
    return jnp.concatenate([e_ip_src, e_ip_dst, e_mac, e_sp, e_dp, e_app, e_num], axis=-1)

if __name__ == "__main__":
    import jax
    _d = setup_inputs()
    print(jax.jit(kernel)(*tuple(_d.values())))

</pallas_src>

<mosaic_0001>
#map = affine_map<(d0, d1) -> (0)>
#map1 = affine_map<(d0, d1) -> (0, 0)>
module attributes {stable_mosaic.version = 14 : i64} {
  func.func @_sc_gather(%arg0: i32, %arg1: i32, %arg2: memref<278528xi32, #tpu.memory_space<hbm>>, %arg3: memref<256x128xf32, #tpu.memory_space<hbm>>, %arg4: memref<256x128xf32, #tpu.memory_space<hbm>>, %arg5: memref<256x128xf32, #tpu.memory_space<hbm>>, %arg6: memref<256x128xf32, #tpu.memory_space<hbm>>, %arg7: memref<256x128xf32, #tpu.memory_space<hbm>>, %arg8: memref<256x128xf32, #tpu.memory_space<hbm>>, %arg9: memref<256x128xf32, #tpu.memory_space<hbm>>, %arg10: memref<256x128xf32, #tpu.memory_space<hbm>>, %arg11: memref<256x128xf32, #tpu.memory_space<hbm>>, %arg12: memref<256x128xf32, #tpu.memory_space<hbm>>, %arg13: memref<256x128xf32, #tpu.memory_space<hbm>>, %arg14: memref<256x128xf32, #tpu.memory_space<hbm>>, %arg15: memref<256x128xf32, #tpu.memory_space<hbm>>, %arg16: memref<256x128xf32, #tpu.memory_space<hbm>>, %arg17: memref<16384x128xf32, #tpu.memory_space<hbm>>, %arg18: memref<16384x128xf32, #tpu.memory_space<hbm>>, %arg19: memref<125000x128xf32, #tpu.memory_space<hbm>>, %arg20: memref<16384x128xf32, #tpu.memory_space<hbm>>, %arg21: memref<16384x128xf32, #tpu.memory_space<hbm>>, %arg22: memref<16384x128xf32, #tpu.memory_space<hbm>>, %arg23: memref<16384x128xf32, #tpu.memory_space<hbm>>, %arg24: memref<16384x128xf32, #tpu.memory_space<hbm>>, %arg25: memref<16384x128xf32, #tpu.memory_space<hbm>>, %arg26: memref<16384x128xf32, #tpu.memory_space<hbm>>, %arg27: memref<16384x128xf32, #tpu.memory_space<hbm>>, %arg28: memref<16384x128xf32, #tpu.memory_space<hbm>>, %arg29: memref<16384x128xf32, #tpu.memory_space<hbm>>, %arg30: memref<16384x128xf32, #tpu.memory_space<hbm>>, %arg31: memref<16384x128xf32, #tpu.memory_space<hbm>>, %arg32: memref<16384x128xf32, #tpu.memory_space<hbm>>, %arg33: memref<16384x128xf32, #tpu.memory_space<hbm>>, %arg34: memref<16384x128xf32, #tpu.memory_space<hbm>>, %arg35: memref<16384x128xf32, #tpu.memory_space<hbm>>, %arg36: memref<16384x128xf32, #tpu.memory_space<hbm>>, %arg37: memref<256xi32, #tpu.memory_space<vmem>>, %arg38: memref<256xi32, #tpu.memory_space<vmem>>, %arg39: memref<256xi32, #tpu.memory_space<vmem>>, %arg40: memref<256x128xf32, #tpu.memory_space<vmem>>, %arg41: memref<256x128xf32, #tpu.memory_space<vmem>>, %arg42: memref<256x128xf32, #tpu.memory_space<vmem>>, %arg43: memref<!tpu.dma_semaphore, #tpu.memory_space<semaphore_mem>>, %arg44: memref<!tpu.dma_semaphore, #tpu.memory_space<semaphore_mem>>, %arg45: memref<!tpu.dma_semaphore, #tpu.memory_space<semaphore_mem>>, %arg46: memref<!tpu.dma_semaphore, #tpu.memory_space<semaphore_mem>>, %arg47: memref<!tpu.dma_semaphore, #tpu.memory_space<semaphore_mem>>, %arg48: memref<!tpu.dma_semaphore, #tpu.memory_space<semaphore_mem>>) attributes {dimension_semantics = [#tpu.dimension_semantics<core_parallel>, #tpu.dimension_semantics<subcore_parallel>], iteration_bounds = array<i64: 2, 16>, scalar_prefetch = 0 : i64, scratch_operands = 12 : i64, tpu.core_type = #tpu.core_type<sc_vector_subcore>, window_params = [{transform_indices = #map}, {transform_indices = #map1}, {transform_indices = #map1}, {transform_indices = #map1}, {transform_indices = #map1}, {transform_indices = #map1}, {transform_indices = #map1}, {transform_indices = #map1}, {transform_indices = #map1}, {transform_indices = #map1}, {transform_indices = #map1}, {transform_indices = #map1}, {transform_indices = #map1}, {transform_indices = #map1}, {transform_indices = #map1}, {transform_indices = #map1}, {transform_indices = #map1}, {transform_indices = #map1}, {transform_indices = #map1}, {transform_indices = #map1}, {transform_indices = #map1}, {transform_indices = #map1}, {transform_indices = #map1}, {transform_indices = #map1}, {transform_indices = #map1}, {transform_indices = #map1}, {transform_indices = #map1}, {transform_indices = #map1}, {transform_indices = #map1}, {transform_indices = #map1}, {transform_indices = #map1}, {transform_indices = #map1}, {transform_indices = #map1}, {transform_indices = #map1}, {transform_indices = #map1}]} {
    %mul3A = arith.constant 2 : i32
    %mul3A_0 = arith.muli %arg1, %mul3A : i32
    %add3A = arith.addi %mul3A_0, %arg0 : i32
    %mul3A_1 = arith.constant 512 : i32
    %mul3A_2 = arith.muli %add3A, %mul3A_1 : i32
    %add3A_3 = arith.constant 0 : i32
    %add3A_4 = arith.addi %mul3A_2, %add3A_3 : i32
    %add3A_5 = arith.constant 0 : i32
    %add3A_6 = arith.addi %add3A_5, %add3A_4 : i32
    "tpu.region"() ({
      %run_scoped3A = tpu.sem_alloc : memref<!tpu.dma_semaphore, #tpu.memory_space<semaphore_mem>>
      %dma_start3A_549 = tpu.memref_slice %arg2[%add3A_6] : memref<278528xi32, #tpu.memory_space<hbm>> -> memref<256xi32, #tpu.memory_space<hbm>>
      %dma_start3A_550 = tpu.memref_slice %arg2[%add3A_6] : memref<278528xi32, #tpu.memory_space<hbm>> -> memref<256xi32, #tpu.memory_space<hbm>>
      tpu.enqueue_dma source(%dma_start3A_550 : memref<256xi32, #tpu.memory_space<hbm>>) target(%arg37 : memref<256xi32, #tpu.memory_space<vmem>>) target_semaphore(%run_scoped3A : memref<!tpu.dma_semaphore, #tpu.memory_space<semaphore_mem>>)
      %dma_wait3A_551 = tpu.memref_slice %arg2[%add3A_6] : memref<278528xi32, #tpu.memory_space<hbm>> -> memref<256xi32, #tpu.memory_space<hbm>>
      %dma_wait3A_552 = tpu.memref_slice %arg2[%add3A_6] : memref<278528xi32, #tpu.memory_space<hbm>> -> memref<256xi32, #tpu.memory_space<hbm>>
      tpu.wait_dma2 semaphore(%run_scoped3A : memref<!tpu.dma_semaphore, #tpu.memory_space<semaphore_mem>>) src(%dma_wait3A_552 : memref<256xi32, #tpu.memory_space<hbm>>) dst(%arg37 : memref<256xi32, #tpu.memory_space<vmem>>)
      tpu.yield
    }) : () -> ()
    %dma_start3A = arith.constant 0 : i32
    %dma_start3A_7 = arith.constant 0 : i32
    %dma_start3A_8 = tpu.memref_slice %arg3[%dma_start3A, %dma_start3A_7] : memref<256x128xf32, #tpu.memory_space<hbm>> -> memref<256x128xf32, #tpu.memory_space<hbm>>
    tpu.enqueue_indirect_dma source(%dma_start3A_8 : memref<256x128xf32, #tpu.memory_space<hbm>>) target(%arg40 : memref<256x128xf32, #tpu.memory_space<vmem>>) offsets(%arg37 : memref<256xi32, #tpu.memory_space<vmem>>) semaphore(%arg43 : memref<!tpu.dma_semaphore, #tpu.memory_space<semaphore_mem>>)
    %add3A_9 = arith.constant 16384 : i32
    %add3A_10 = arith.addi %add3A_9, %add3A_4 : i32
    "tpu.region"() ({
      %run_scoped3A = tpu.sem_alloc : memref<!tpu.dma_semaphore, #tpu.memory_space<semaphore_mem>>
      %dma_start3A_549 = tpu.memref_slice %arg2[%add3A_10] : memref<278528xi32, #tpu.memory_space<hbm>> -> memref<256xi32, #tpu.memory_space<hbm>>
      %dma_start3A_550 = tpu.memref_slice %arg2[%add3A_10] : memref<278528xi32, #tpu.memory_space<hbm>> -> memref<256xi32, #tpu.memory_space<hbm>>
      tpu.enqueue_dma source(%dma_start3A_550 : memref<256xi32, #tpu.memory_space<hbm>>) target(%arg38 : memref<256xi32, #tpu.memory_space<vmem>>) target_semaphore(%run_scoped3A : memref<!tpu.dma_semaphore, #tpu.memory_space<semaphore_mem>>)
      %dma_wait3A_551 = tpu.memref_slice %arg2[%add3A_10] : memref<278528xi32, #tpu.memory_space<hbm>> -> memref<256xi32, #tpu.memory_space<hbm>>
      %dma_wait3A_552 = tpu.memref_slice %arg2[%add3A_10] : memref<278528xi32, #tpu.memory_space<hbm>> -> memref<256xi32, #tpu.memory_space<hbm>>
      tpu.wait_dma2 semaphore(%run_scoped3A : memref<!tpu.dma_semaphore, #tpu.memory_space<semaphore_mem>>) src(%dma_wait3A_552 : memref<256xi32, #tpu.memory_space<hbm>>) dst(%arg38 : memref<256xi32, #tpu.memory_space<vmem>>)
      tpu.yield
    }) : () -> ()
    %dma_start3A_11 = arith.constant 0 : i32
    %dma_start3A_12 = arith.constant 0 : i32
    %dma_start3A_13 = tpu.memref_slice %arg4[%dma_start3A_11, %dma_start3A_12] : memref<256x128xf32, #tpu.memory_space<hbm>> -> memref<256x128xf32, #tpu.memory_space<hbm>>
    tpu.enqueue_indirect_dma source(%dma_start3A_13 : memref<256x128xf32, #tpu.memory_space<hbm>>) target(%arg41 : memref<256x128xf32, #tpu.memory_space<vmem>>) offsets(%arg38 : memref<256xi32, #tpu.memory_space<vmem>>) semaphore(%arg44 : memref<!tpu.dma_semaphore, #tpu.memory_space<semaphore_mem>>)
    %dma_wait3A = arith.constant 0 : i32
    %dma_wait3A_14 = arith.constant 0 : i32
    %dma_wait3A_15 = tpu.memref_slice %arg3[%dma_wait3A, %dma_wait3A_14] : memref<256x128xf32, #tpu.memory_space<hbm>> -> memref<256x128xf32, #tpu.memory_space<hbm>>
    tpu.wait_indirect_dma semaphore(%arg43 : memref<!tpu.dma_semaphore, #tpu.memory_space<semaphore_mem>>) src(%dma_wait3A_15 : memref<256x128xf32, #tpu.memory_space<hbm>>) dst(%arg40 : memref<256x128xf32, #tpu.memory_space<vmem>>)
    %dma_start3A_16 = arith.constant 0 : i32
    %dma_start3A_17 = tpu.memref_slice %arg20[%add3A_4, %dma_start3A_16] : memref<16384x128xf32, #tpu.memory_space<hbm>> -> memref<256x128xf32, #tpu.memory_space<hbm>>
    %dma_start3A_18 = arith.constant 0 : i32
    %dma_start3A_19 = tpu.memref_slice %arg20[%add3A_4, %dma_start3A_18] : memref<16384x128xf32, #tpu.memory_space<hbm>> -> memref<256x128xf32, #tpu.memory_space<hbm>>
    tpu.enqueue_dma source(%arg40 : memref<256x128xf32, #tpu.memory_space<vmem>>) target(%dma_start3A_19 : memref<256x128xf32, #tpu.memory_space<hbm>>) target_semaphore(%arg46 : memref<!tpu.dma_semaphore, #tpu.memory_space<semaphore_mem>>)
    %add3A_20 = arith.constant 32768 : i32
    %add3A_21 = arith.addi %add3A_20, %add3A_4 : i32
    "tpu.region"() ({
      %run_scoped3A = tpu.sem_alloc : memref<!tpu.dma_semaphore, #tpu.memory_space<semaphore_mem>>
      %dma_start3A_549 = tpu.memref_slice %arg2[%add3A_21] : memref<278528xi32, #tpu.memory_space<hbm>> -> memref<256xi32, #tpu.memory_space<hbm>>
      %dma_start3A_550 = tpu.memref_slice %arg2[%add3A_21] : memref<278528xi32, #tpu.memory_space<hbm>> -> memref<256xi32, #tpu.memory_space<hbm>>
      tpu.enqueue_dma source(%dma_start3A_550 : memref<256xi32, #tpu.memory_space<hbm>>) target(%arg39 : memref<256xi32, #tpu.memory_space<vmem>>) target_semaphore(%run_scoped3A : memref<!tpu.dma_semaphore, #tpu.memory_space<semaphore_mem>>)
      %dma_wait3A_551 = tpu.memref_slice %arg2[%add3A_21] : memref<278528xi32, #tpu.memory_space<hbm>> -> memref<256xi32, #tpu.memory_space<hbm>>
      %dma_wait3A_552 = tpu.memref_slice %arg2[%add3A_21] : memref<278528xi32, #tpu.memory_space<hbm>> -> memref<256xi32, #tpu.memory_space<hbm>>
      tpu.wait_dma2 semaphore(%run_scoped3A : memref<!tpu.dma_semaphore, #tpu.memory_space<semaphore_mem>>) src(%dma_wait3A_552 : memref<256xi32, #tpu.memory_space<hbm>>) dst(%arg39 : memref<256xi32, #tpu.memory_space<vmem>>)
      tpu.yield
    }) : () -> ()
    %dma_start3A_22 = arith.constant 0 : i32
    %dma_start3A_23 = arith.constant 0 : i32
    %dma_start3A_24 = tpu.memref_slice %arg5[%dma_start3A_22, %dma_start3A_23] : memref<256x128xf32, #tpu.memory_space<hbm>> -> memref<256x128xf32, #tpu.memory_space<hbm>>
    tpu.enqueue_indirect_dma source(%dma_start3A_24 : memref<256x128xf32, #tpu.memory_space<hbm>>) target(%arg42 : memref<256x128xf32, #tpu.memory_space<vmem>>) offsets(%arg39 : memref<256xi32, #tpu.memory_space<vmem>>) semaphore(%arg45 : memref<!tpu.dma_semaphore, #tpu.memory_space<semaphore_mem>>)
    %dma_wait3A_25 = arith.constant 0 : i32
    %dma_wait3A_26 = arith.constant 0 : i32
    %dma_wait3A_27 = tpu.memref_slice %arg4[%dma_wait3A_25, %dma_wait3A_26] : memref<256x128xf32, #tpu.memory_space<hbm>> -> memref<256x128xf32, #tpu.memory_space<hbm>>
    tpu.wait_indirect_dma semaphore(%arg44 : memref<!tpu.dma_semaphore, #tpu.memory_space<semaphore_mem>>) src(%dma_wait3A_27 : memref<256x128xf32, #tpu.memory_space<hbm>>) dst(%arg41 : memref<256x128xf32, #tpu.memory_space<vmem>>)
    %dma_start3A_28 = arith.constant 0 : i32
    %dma_start3A_29 = tpu.memref_slice %arg21[%add3A_4, %dma_start3A_28] : memref<16384x128xf32, #tpu.memory_space<hbm>> -> memref<256x128xf32, #tpu.memory_space<hbm>>
    %dma_start3A_30 = arith.constant 0 : i32
    %dma_start3A_31 = tpu.memref_slice %arg21[%add3A_4, %dma_start3A_30] : memref<16384x128xf32, #tpu.memory_space<hbm>> -> memref<256x128xf32, #tpu.memory_space<hbm>>
    tpu.enqueue_dma source(%arg41 : memref<256x128xf32, #tpu.memory_space<vmem>>) target(%dma_start3A_31 : memref<256x128xf32, #tpu.memory_space<hbm>>) target_semaphore(%arg47 : memref<!tpu.dma_semaphore, #tpu.memory_space<semaphore_mem>>)
    %dma_wait3A_32 = arith.constant 0 : i32
    %dma_wait3A_33 = tpu.memref_slice %arg20[%add3A_4, %dma_wait3A_32] : memref<16384x128xf32, #tpu.memory_space<hbm>> -> memref<256x128xf32, #tpu.memory_space<hbm>>
    %dma_wait3A_34 = arith.constant 0 : i32
    %dma_wait3A_35 = tpu.memref_slice %arg20[%add3A_4, %dma_wait3A_34] : memref<16384x128xf32, #tpu.memory_space<hbm>> -> memref<256x128xf32, #tpu.memory_space<hbm>>
    tpu.wait_dma2 semaphore(%arg46 : memref<!tpu.dma_semaphore, #tpu.memory_space<semaphore_mem>>) src(%arg40 : memref<256x128xf32, #tpu.memory_space<vmem>>) dst(%dma_wait3A_35 : memref<256x128xf32, #tpu.memory_space<hbm>>)
    %add3A_36 = arith.constant 49152 : i32
    %add3A_37 = arith.addi %add3A_36, %add3A_4 : i32
    "tpu.region"() ({
      %run_scoped3A = tpu.sem_alloc : memref<!tpu.dma_semaphore, #tpu.memory_space<semaphore_mem>>
      %dma_start3A_549 = tpu.memref_slice %arg2[%add3A_37] : memref<278528xi32, #tpu.memory_space<hbm>> -> memref<256xi32, #tpu.memory_space<hbm>>
      %dma_start3A_550 = tpu.memref_slice %arg2[%add3A_37] : memref<278528xi32, #tpu.memory_space<hbm>> -> memref<256xi32, #tpu.memory_space<hbm>>
      tpu.enqueue_dma source(%dma_start3A_550 : memref<256xi32, #tpu.memory_space<hbm>>) target(%arg37 : memref<256xi32, #tpu.memory_space<vmem>>) target_semaphore(%run_scoped3A : memref<!tpu.dma_semaphore, #tpu.memory_space<semaphore_mem>>)
      %dma_wait3A_551 = tpu.memref_slice %arg2[%add3A_37] : memref<278528xi32, #tpu.memory_space<hbm>> -> memref<256xi32, #tpu.memory_space<hbm>>
      %dma_wait3A_552 = tpu.memref_slice %arg2[%add3A_37] : memref<278528xi32, #tpu.memory_space<hbm>> -> memref<256xi32, #tpu.memory_space<hbm>>
      tpu.wait_dma2 semaphore(%run_scoped3A : memref<!tpu.dma_semaphore, #tpu.memory_space<semaphore_mem>>) src(%dma_wait3A_552 : memref<256xi32, #tpu.memory_space<hbm>>) dst(%arg37 : memref<256xi32, #tpu.memory_space<vmem>>)
      tpu.yield
    }) : () -> ()
    %dma_start3A_38 = arith.constant 0 : i32
    %dma_start3A_39 = arith.constant 0 : i32
    %dma_start3A_40 = tpu.memref_slice %arg6[%dma_start3A_38, %dma_start3A_39] : memref<256x128xf32, #tpu.memory_space<hbm>> -> memref<256x128xf32, #tpu.memory_space<hbm>>
    tpu.enqueue_indirect_dma source(%dma_start3A_40 : memref<256x128xf32, #tpu.memory_space<hbm>>) target(%arg40 : memref<256x128xf32, #tpu.memory_space<vmem>>) offsets(%arg37 : memref<256xi32, #tpu.memory_space<vmem>>) semaphore(%arg43 : memref<!tpu.dma_semaphore, #tpu.memory_space<semaphore_mem>>)
    %dma_wait3A_41 = arith.constant 0 : i32
    %dma_wait3A_42 = arith.constant 0 : i32
    %dma_wait3A_43 = tpu.memref_slice %arg5[%dma_wait3A_41, %dma_wait3A_42] : memref<256x128xf32, #tpu.memory_space<hbm>> -> memref<256x128xf32, #tpu.memory_space<hbm>>
    tpu.wait_indirect_dma semaphore(%arg45 : memref<!tpu.dma_semaphore, #tpu.memory_space<semaphore_mem>>) src(%dma_wait3A_43 : memref<256x128xf32, #tpu.memory_space<hbm>>) dst(%arg42 : memref<256x128xf32, #tpu.memory_space<vmem>>)
    %dma_start3A_44 = arith.constant 0 : i32
    %dma_start3A_45 = tpu.memref_slice %arg22[%add3A_4, %dma_start3A_44] : memref<16384x128xf32, #tpu.memory_space<hbm>> -> memref<256x128xf32, #tpu.memory_space<hbm>>
    %dma_start3A_46 = arith.constant 0 : i32
    %dma_start3A_47 = tpu.memref_slice %arg22[%add3A_4, %dma_start3A_46] : memref<16384x128xf32, #tpu.memory_space<hbm>> -> memref<256x128xf32, #tpu.memory_space<hbm>>
    tpu.enqueue_dma source(%arg42 : memref<256x128xf32, #tpu.memory_space<vmem>>) target(%dma_start3A_47 : memref<256x128xf32, #tpu.memory_space<hbm>>) target_semaphore(%arg48 : memref<!tpu.dma_semaphore, #tpu.memory_space<semaphore_mem>>)
    %dma_wait3A_48 = arith.constant 0 : i32
    %dma_wait3A_49 = tpu.memref_slice %arg21[%add3A_4, %dma_wait3A_48] : memref<16384x128xf32, #tpu.memory_space<hbm>> -> memref<256x128xf32, #tpu.memory_space<hbm>>
    %dma_wait3A_50 = arith.constant 0 : i32
    %dma_wait3A_51 = tpu.memref_slice %arg21[%add3A_4, %dma_wait3A_50] : memref<16384x128xf32, #tpu.memory_space<hbm>> -> memref<256x128xf32, #tpu.memory_space<hbm>>
    tpu.wait_dma2 semaphore(%arg47 : memref<!tpu.dma_semaphore, #tpu.memory_space<semaphore_mem>>) src(%arg41 : memref<256x128xf32, #tpu.memory_space<vmem>>) dst(%dma_wait3A_51 : memref<256x128xf32, #tpu.memory_space<hbm>>)
    %add3A_52 = arith.constant 65536 : i32
    %add3A_53 = arith.addi %add3A_52, %add3A_4 : i32
    "tpu.region"() ({
      %run_scoped3A = tpu.sem_alloc : memref<!tpu.dma_semaphore, #tpu.memory_space<semaphore_mem>>
      %dma_start3A_549 = tpu.memref_slice %arg2[%add3A_53] : memref<278528xi32, #tpu.memory_space<hbm>> -> memref<256xi32, #tpu.memory_space<hbm>>
      %dma_start3A_550 = tpu.memref_slice %arg2[%add3A_53] : memref<278528xi32, #tpu.memory_space<hbm>> -> memref<256xi32, #tpu.memory_space<hbm>>
      tpu.enqueue_dma source(%dma_start3A_550 : memref<256xi32, #tpu.memory_space<hbm>>) target(%arg38 : memref<256xi32, #tpu.memory_space<vmem>>) target_semaphore(%run_scoped3A : memref<!tpu.dma_semaphore, #tpu.memory_space<semaphore_mem>>)
      %dma_wait3A_551 = tpu.memref_slice %arg2[%add3A_53] : memref<278528xi32, #tpu.memory_space<hbm>> -> memref<256xi32, #tpu.memory_space<hbm>>
      %dma_wait3A_552 = tpu.memref_slice %arg2[%add3A_53] : memref<278528xi32, #tpu.memory_space<hbm>> -> memref<256xi32, #tpu.memory_space<hbm>>
      tpu.wait_dma2 semaphore(%run_scoped3A : memref<!tpu.dma_semaphore, #tpu.memory_space<semaphore_mem>>) src(%dma_wait3A_552 : memref<256xi32, #tpu.memory_space<hbm>>) dst(%arg38 : memref<256xi32, #tpu.memory_space<vmem>>)
      tpu.yield
    }) : () -> ()
    %dma_start3A_54 = arith.constant 0 : i32
    %dma_start3A_55 = arith.constant 0 : i32
    %dma_start3A_56 = tpu.memref_slice %arg7[%dma_start3A_54, %dma_start3A_55] : memref<256x128xf32, #tpu.memory_space<hbm>> -> memref<256x128xf32, #tpu.memory_space<hbm>>
    tpu.enqueue_indirect_dma source(%dma_start3A_56 : memref<256x128xf32, #tpu.memory_space<hbm>>) target(%arg41 : memref<256x128xf32, #tpu.memory_space<vmem>>) offsets(%arg38 : memref<256xi32, #tpu.memory_space<vmem>>) semaphore(%arg44 : memref<!tpu.dma_semaphore, #tpu.memory_space<semaphore_mem>>)
    %dma_wait3A_57 = arith.constant 0 : i32
    %dma_wait3A_58 = arith.constant 0 : i32
    %dma_wait3A_59 = tpu.memref_slice %arg6[%dma_wait3A_57, %dma_wait3A_58] : memref<256x128xf32, #tpu.memory_space<hbm>> -> memref<256x128xf32, #tpu.memory_space<hbm>>
    tpu.wait_indirect_dma semaphore(%arg43 : memref<!tpu.dma_semaphore, #tpu.memory_space<semaphore_mem>>) src(%dma_wait3A_59 : memref<256x128xf32, #tpu.memory_space<hbm>>) dst(%arg40 : memref<256x128xf32, #tpu.memory_space<vmem>>)
    %dma_start3A_60 = arith.constant 0 : i32
    %dma_start3A_61 = tpu.memref_slice %arg23[%add3A_4, %dma_start3A_60] : memref<16384x128xf32, #tpu.memory_space<hbm>> -> memref<256x128xf32, #tpu.memory_space<hbm>>
    %dma_start3A_62 = arith.constant 0 : i32
    %dma_start3A_63 = tpu.memref_slice %arg23[%add3A_4, %dma_start3A_62] : memref<16384x128xf32, #tpu.memory_space<hbm>> -> memref<256x128xf32, #tpu.memory_space<hbm>>
    tpu.enqueue_dma source(%arg40 : memref<256x128xf32, #tpu.memory_space<vmem>>) target(%dma_start3A_63 : memref<256x128xf32, #tpu.memory_space<hbm>>) target_semaphore(%arg46 : memref<!tpu.dma_semaphore, #tpu.memory_space<semaphore_mem>>)
    %dma_wait3A_64 = arith.constant 0 : i32
    %dma_wait3A_65 = tpu.memref_slice %arg22[%add3A_4, %dma_wait3A_64] : memref<16384x128xf32, #tpu.memory_space<hbm>> -> memref<256x128xf32, #tpu.memory_space<hbm>>
    %dma_wait3A_66 = arith.constant 0 : i32
    %dma_wait3A_67 = tpu.memref_slice %arg22[%add3A_4, %dma_wait3A_66] : memref<16384x128xf32, #tpu.memory_space<hbm>> -> memref<256x128xf32, #tpu.memory_space<hbm>>
    tpu.wait_dma2 semaphore(%arg48 : memref<!tpu.dma_semaphore, #tpu.memory_space<semaphore_mem>>) src(%arg42 : memref<256x128xf32, #tpu.memory_space<vmem>>) dst(%dma_wait3A_67 : memref<256x128xf32, #tpu.memory_space<hbm>>)
    %add3A_68 = arith.constant 81920 : i32
    %add3A_69 = arith.addi %add3A_68, %add3A_4 : i32
    "tpu.region"() ({
      %run_scoped3A = tpu.sem_alloc : memref<!tpu.dma_semaphore, #tpu.memory_space<semaphore_mem>>
      %dma_start3A_549 = tpu.memref_slice %arg2[%add3A_69] : memref<278528xi32, #tpu.memory_space<hbm>> -> memref<256xi32, #tpu.memory_space<hbm>>
      %dma_start3A_550 = tpu.memref_slice %arg2[%add3A_69] : memref<278528xi32, #tpu.memory_space<hbm>> -> memref<256xi32, #tpu.memory_space<hbm>>
      tpu.enqueue_dma source(%dma_start3A_550 : memref<256xi32, #tpu.memory_space<hbm>>) target(%arg39 : memref<256xi32, #tpu.memory_space<vmem>>) target_semaphore(%run_scoped3A : memref<!tpu.dma_semaphore, #tpu.memory_space<semaphore_mem>>)
      %dma_wait3A_551 = tpu.memref_slice %arg2[%add3A_69] : memref<278528xi32, #tpu.memory_space<hbm>> -> memref<256xi32, #tpu.memory_space<hbm>>
      %dma_wait3A_552 = tpu.memref_slice %arg2[%add3A_69] : memref<278528xi32, #tpu.memory_space<hbm>> -> memref<256xi32, #tpu.memory_space<hbm>>
      tpu.wait_dma2 semaphore(%run_scoped3A : memref<!tpu.dma_semaphore, #tpu.memory_space<semaphore_mem>>) src(%dma_wait3A_552 : memref<256xi32, #tpu.memory_space<hbm>>) dst(%arg39 : memref<256xi32, #tpu.memory_space<vmem>>)
      tpu.yield
    }) : () -> ()
    %dma_start3A_70 = arith.constant 0 : i32
    %dma_start3A_71 = arith.constant 0 : i32
    %dma_start3A_72 = tpu.memref_slice %arg8[%dma_start3A_70, %dma_start3A_71] : memref<256x128xf32, #tpu.memory_space<hbm>> -> memref<256x128xf32, #tpu.memory_space<hbm>>
    tpu.enqueue_indirect_dma source(%dma_start3A_72 : memref<256x128xf32, #tpu.memory_space<hbm>>) target(%arg42 : memref<256x128xf32, #tpu.memory_space<vmem>>) offsets(%arg39 : memref<256xi32, #tpu.memory_space<vmem>>) semaphore(%arg45 : memref<!tpu.dma_semaphore, #tpu.memory_space<semaphore_mem>>)
    %dma_wait3A_73 = arith.constant 0 : i32
    %dma_wait3A_74 = arith.constant 0 : i32
    %dma_wait3A_75 = tpu.memref_slice %arg7[%dma_wait3A_73, %dma_wait3A_74] : memref<256x128xf32, #tpu.memory_space<hbm>> -> memref<256x128xf32, #tpu.memory_space<hbm>>
    tpu.wait_indirect_dma semaphore(%arg44 : memref<!tpu.dma_semaphore, #tpu.memory_space<semaphore_mem>>) src(%dma_wait3A_75 : memref<256x128xf32, #tpu.memory_space<hbm>>) dst(%arg41 : memref<256x128xf32, #tpu.memory_space<vmem>>)
    %dma_start3A_76 = arith.constant 0 : i32
    %dma_start3A_77 = tpu.memref_slice %arg24[%add3A_4, %dma_start3A_76] : memref<16384x128xf32, #tpu.memory_space<hbm>> -> memref<256x128xf32, #tpu.memory_space<hbm>>
    %dma_start3A_78 = arith.constant 0 : i32
    %dma_start3A_79 = tpu.memref_slice %arg24[%add3A_4, %dma_start3A_78] : memref<16384x128xf32, #tpu.memory_space<hbm>> -> memref<256x128xf32, #tpu.memory_space<hbm>>
    tpu.enqueue_dma source(%arg41 : memref<256x128xf32, #tpu.memory_space<vmem>>) target(%dma_start3A_79 : memref<256x128xf32, #tpu.memory_space<hbm>>) target_semaphore(%arg47 : memref<!tpu.dma_semaphore, #tpu.memory_space<semaphore_mem>>)
    %dma_wait3A_80 = arith.constant 0 : i32
    %dma_wait3A_81 = tpu.memref_slice %arg23[%add3A_4, %dma_wait3A_80] : memref<16384x128xf32, #tpu.memory_space<hbm>> -> memref<256x128xf32, #tpu.memory_space<hbm>>
    %dma_wait3A_82 = arith.constant 0 : i32
    %dma_wait3A_83 = tpu.memref_slice %arg23[%add3A_4, %dma_wait3A_82] : memref<16384x128xf32, #tpu.memory_space<hbm>> -> memref<256x128xf32, #tpu.memory_space<hbm>>
    tpu.wait_dma2 semaphore(%arg46 : memref<!tpu.dma_semaphore, #tpu.memory_space<semaphore_mem>>) src(%arg40 : memref<256x128xf32, #tpu.memory_space<vmem>>) dst(%dma_wait3A_83 : memref<256x128xf32, #tpu.memory_space<hbm>>)
    %add3A_84 = arith.constant 98304 : i32
    %add3A_85 = arith.addi %add3A_84, %add3A_4 : i32
    "tpu.region"() ({
      %run_scoped3A = tpu.sem_alloc : memref<!tpu.dma_semaphore, #tpu.memory_space<semaphore_mem>>
      %dma_start3A_549 = tpu.memref_slice %arg2[%add3A_85] : memref<278528xi32, #tpu.memory_space<hbm>> -> memref<256xi32, #tpu.memory_space<hbm>>
      %dma_start3A_550 = tpu.memref_slice %arg2[%add3A_85] : memref<278528xi32, #tpu.memory_space<hbm>> -> memref<256xi32, #tpu.memory_space<hbm>>
      tpu.enqueue_dma source(%dma_start3A_550 : memref<256xi32, #tpu.memory_space<hbm>>) target(%arg37 : memref<256xi32, #tpu.memory_space<vmem>>) target_semaphore(%run_scoped3A : memref<!tpu.dma_semaphore, #tpu.memory_space<semaphore_mem>>)
      %dma_wait3A_551 = tpu.memref_slice %arg2[%add3A_85] : memref<278528xi32, #tpu.memory_space<hbm>> -> memref<256xi32, #tpu.memory_space<hbm>>
      %dma_wait3A_552 = tpu.memref_slice %arg2[%add3A_85] : memref<278528xi32, #tpu.memory_space<hbm>> -> memref<256xi32, #tpu.memory_space<hbm>>
      tpu.wait_dma2 semaphore(%run_scoped3A : memref<!tpu.dma_semaphore, #tpu.memory_space<semaphore_mem>>) src(%dma_wait3A_552 : memref<256xi32, #tpu.memory_space<hbm>>) dst(%arg37 : memref<256xi32, #tpu.memory_space<vmem>>)
      tpu.yield
    }) : () -> ()
    %dma_start3A_86 = arith.constant 0 : i32
    %dma_start3A_87 = arith.constant 0 : i32
    %dma_start3A_88 = tpu.memref_slice %arg9[%dma_start3A_86, %dma_start3A_87] : memref<256x128xf32, #tpu.memory_space<hbm>> -> memref<256x128xf32, #tpu.memory_space<hbm>>
    tpu.enqueue_indirect_dma source(%dma_start3A_88 : memref<256x128xf32, #tpu.memory_space<hbm>>) target(%arg40 : memref<256x128xf32, #tpu.memory_space<vmem>>) offsets(%arg37 : memref<256xi32, #tpu.memory_space<vmem>>) semaphore(%arg43 : memref<!tpu.dma_semaphore, #tpu.memory_space<semaphore_mem>>)
    %dma_wait3A_89 = arith.constant 0 : i32
    %dma_wait3A_90 = arith.constant 0 : i32
    %dma_wait3A_91 = tpu.memref_slice %arg8[%dma_wait3A_89, %dma_wait3A_90] : memref<256x128xf32, #tpu.memory_space<hbm>> -> memref<256x128xf32, #tpu.memory_space<hbm>>
    tpu.wait_indirect_dma semaphore(%arg45 : memref<!tpu.dma_semaphore, #tpu.memory_space<semaphore_mem>>) src(%dma_wait3A_91 : memref<256x128xf32, #tpu.memory_space<hbm>>) dst(%arg42 : memref<256x128xf32, #tpu.memory_space<vmem>>)
    %dma_start3A_92 = arith.constant 0 : i32
    %dma_start3A_93 = tpu.memref_slice %arg25[%add3A_4, %dma_start3A_92] : memref<16384x128xf32, #tpu.memory_space<hbm>> -> memref<256x128xf32, #tpu.memory_space<hbm>>
    %dma_start3A_94 = arith.constant 0 : i32
    %dma_start3A_95 = tpu.memref_slice %arg25[%add3A_4, %dma_start3A_94] : memref<16384x128xf32, #tpu.memory_space<hbm>> -> memref<256x128xf32, #tpu.memory_space<hbm>>
    tpu.enqueue_dma source(%arg42 : memref<256x128xf32, #tpu.memory_space<vmem>>) target(%dma_start3A_95 : memref<256x128xf32, #tpu.memory_space<hbm>>) target_semaphore(%arg48 : memref<!tpu.dma_semaphore, #tpu.memory_space<semaphore_mem>>)
    %dma_wait3A_96 = arith.constant 0 : i32
    %dma_wait3A_97 = tpu.memref_slice %arg24[%add3A_4, %dma_wait3A_96] : memref<16384x128xf32, #tpu.memory_space<hbm>> -> memref<256x128xf32, #tpu.memory_space<hbm>>
    %dma_wait3A_98 = arith.constant 0 : i32
    %dma_wait3A_99 = tpu.memref_slice %arg24[%add3A_4, %dma_wait3A_98] : memref<16384x128xf32, #tpu.memory_space<hbm>> -> memref<256x128xf32, #tpu.memory_space<hbm>>
    tpu.wait_dma2 semaphore(%arg47 : memref<!tpu.dma_semaphore, #tpu.memory_space<semaphore_mem>>) src(%arg41 : memref<256x128xf32, #tpu.memory_space<vmem>>) dst(%dma_wait3A_99 : memref<256x128xf32, #tpu.memory_space<hbm>>)
    %add3A_100 = arith.constant 114688 : i32
    %add3A_101 = arith.addi %add3A_100, %add3A_4 : i32
    "tpu.region"() ({
      %run_scoped3A = tpu.sem_alloc : memref<!tpu.dma_semaphore, #tpu.memory_space<semaphore_mem>>
      %dma_start3A_549 = tpu.memref_slice %arg2[%add3A_101] : memref<278528xi32, #tpu.memory_space<hbm>> -> memref<256xi32, #tpu.memory_space<hbm>>
      %dma_start3A_550 = tpu.memref_slice %arg2[%add3A_101] : memref<278528xi32, #tpu.memory_space<hbm>> -> memref<256xi32, #tpu.memory_space<hbm>>
      tpu.enqueue_dma source(%dma_start3A_550 : memref<256xi32, #tpu.memory_space<hbm>>) target(%arg38 : memref<256xi32, #tpu.memory_space<vmem>>) target_semaphore(%run_scoped3A : memref<!tpu.dma_semaphore, #tpu.memory_space<semaphore_mem>>)
      %dma_wait3A_551 = tpu.memref_slice %arg2[%add3A_101] : memref<278528xi32, #tpu.memory_space<hbm>> -> memref<256xi32, #tpu.memory_space<hbm>>
      %dma_wait3A_552 = tpu.memref_slice %arg2[%add3A_101] : memref<278528xi32, #tpu.memory_space<hbm>> -> memref<256xi32, #tpu.memory_space<hbm>>
      tpu.wait_dma2 semaphore(%run_scoped3A : memref<!tpu.dma_semaphore, #tpu.memory_space<semaphore_mem>>) src(%dma_wait3A_552 : memref<256xi32, #tpu.memory_space<hbm>>) dst(%arg38 : memref<256xi32, #tpu.memory_space<vmem>>)
      tpu.yield
    }) : () -> ()
    %dma_start3A_102 = arith.constant 0 : i32
    %dma_start3A_103 = arith.constant 0 : i32
    %dma_start3A_104 = tpu.memref_slice %arg10[%dma_start3A_102, %dma_start3A_103] : memref<256x128xf32, #tpu.memory_space<hbm>> -> memref<256x128xf32, #tpu.memory_space<hbm>>
    tpu.enqueue_indirect_dma source(%dma_start3A_104 : memref<256x128xf32, #tpu.memory_space<hbm>>) target(%arg41 : memref<256x128xf32, #tpu.memory_space<vmem>>) offsets(%arg38 : memref<256xi32, #tpu.memory_space<vmem>>) semaphore(%arg44 : memref<!tpu.dma_semaphore, #tpu.memory_space<semaphore_mem>>)
    %dma_wait3A_105 = arith.constant 0 : i32
    %dma_wait3A_106 = arith.constant 0 : i32
    %dma_wait3A_107 = tpu.memref_slice %arg9[%dma_wait3A_105, %dma_wait3A_106] : memref<256x128xf32, #tpu.memory_space<hbm>> -> memref<256x128xf32, #tpu.memory_space<hbm>>
    tpu.wait_indirect_dma semaphore(%arg43 : memref<!tpu.dma_semaphore, #tpu.memory_space<semaphore_mem>>) src(%dma_wait3A_107 : memref<256x128xf32, #tpu.memory_space<hbm>>) dst(%arg40 : memref<256x128xf32, #tpu.memory_space<vmem>>)
    %dma_start3A_108 = arith.constant 0 : i32
    %dma_start3A_109 = tpu.memref_slice %arg26[%add3A_4, %dma_start3A_108] : memref<16384x128xf32, #tpu.memory_space<hbm>> -> memref<256x128xf32, #tpu.memory_space<hbm>>
    %dma_start3A_110 = arith.constant 0 : i32
    %dma_start3A_111 = tpu.memref_slice %arg26[%add3A_4, %dma_start3A_110] : memref<16384x128xf32, #tpu.memory_space<hbm>> -> memref<256x128xf32, #tpu.memory_space<hbm>>
    tpu.enqueue_dma source(%arg40 : memref<256x128xf32, #tpu.memory_space<vmem>>) target(%dma_start3A_111 : memref<256x128xf32, #tpu.memory_space<hbm>>) target_semaphore(%arg46 : memref<!tpu.dma_semaphore, #tpu.memory_space<semaphore_mem>>)
    %dma_wait3A_112 = arith.constant 0 : i32
    %dma_wait3A_113 = tpu.memref_slice %arg25[%add3A_4, %dma_wait3A_112] : memref<16384x128xf32, #tpu.memory_space<hbm>> -> memref<256x128xf32, #tpu.memory_space<hbm>>
    %dma_wait3A_114 = arith.constant 0 : i32
    %dma_wait3A_115 = tpu.memref_slice %arg25[%add3A_4, %dma_wait3A_114] : memref<16384x128xf32, #tpu.memory_space<hbm>> -> memref<256x128xf32, #tpu.memory_space<hbm>>
    tpu.wait_dma2 semaphore(%arg48 : memref<!tpu.dma_semaphore, #tpu.memory_space<semaphore_mem>>) src(%arg42 : memref<256x128xf32, #tpu.memory_space<vmem>>) dst(%dma_wait3A_115 : memref<256x128xf32, #tpu.memory_space<hbm>>)
    %add3A_116 = arith.constant 131072 : i32
    %add3A_117 = arith.addi %add3A_116, %add3A_4 : i32
    "tpu.region"() ({
      %run_scoped3A = tpu.sem_alloc : memref<!tpu.dma_semaphore, #tpu.memory_space<semaphore_mem>>
      %dma_start3A_549 = tpu.memref_slice %arg2[%add3A_117] : memref<278528xi32, #tpu.memory_space<hbm>> -> memref<256xi32, #tpu.memory_space<hbm>>
      %dma_start3A_550 = tpu.memref_slice %arg2[%add3A_117] : memref<278528xi32, #tpu.memory_space<hbm>> -> memref<256xi32, #tpu.memory_space<hbm>>
      tpu.enqueue_dma source(%dma_start3A_550 : memref<256xi32, #tpu.memory_space<hbm>>) target(%arg39 : memref<256xi32, #tpu.memory_space<vmem>>) target_semaphore(%run_scoped3A : memref<!tpu.dma_semaphore, #tpu.memory_space<semaphore_mem>>)
      %dma_wait3A_551 = tpu.memref_slice %arg2[%add3A_117] : memref<278528xi32, #tpu.memory_space<hbm>> -> memref<256xi32, #tpu.memory_space<hbm>>
      %dma_wait3A_552 = tpu.memref_slice %arg2[%add3A_117] : memref<278528xi32, #tpu.memory_space<hbm>> -> memref<256xi32, #tpu.memory_space<hbm>>
      tpu.wait_dma2 semaphore(%run_scoped3A : memref<!tpu.dma_semaphore, #tpu.memory_space<semaphore_mem>>) src(%dma_wait3A_552 : memref<256xi32, #tpu.memory_space<hbm>>) dst(%arg39 : memref<256xi32, #tpu.memory_space<vmem>>)
      tpu.yield
    }) : () -> ()
    %dma_start3A_118 = arith.constant 0 : i32
    %dma_start3A_119 = arith.constant 0 : i32
    %dma_start3A_120 = tpu.memref_slice %arg11[%dma_start3A_118, %dma_start3A_119] : memref<256x128xf32, #tpu.memory_space<hbm>> -> memref<256x128xf32, #tpu.memory_space<hbm>>
    tpu.enqueue_indirect_dma source(%dma_start3A_120 : memref<256x128xf32, #tpu.memory_space<hbm>>) target(%arg42 : memref<256x128xf32, #tpu.memory_space<vmem>>) offsets(%arg39 : memref<256xi32, #tpu.memory_space<vmem>>) semaphore(%arg45 : memref<!tpu.dma_semaphore, #tpu.memory_space<semaphore_mem>>)
    %dma_wait3A_121 = arith.constant 0 : i32
    %dma_wait3A_122 = arith.constant 0 : i32
    %dma_wait3A_123 = tpu.memref_slice %arg10[%dma_wait3A_121, %dma_wait3A_122] : memref<256x128xf32, #tpu.memory_space<hbm>> -> memref<256x128xf32, #tpu.memory_space<hbm>>
    tpu.wait_indirect_dma semaphore(%arg44 : memref<!tpu.dma_semaphore, #tpu.memory_space<semaphore_mem>>) src(%dma_wait3A_123 : memref<256x128xf32, #tpu.memory_space<hbm>>) dst(%arg41 : memref<256x128xf32, #tpu.memory_space<vmem>>)
    %dma_start3A_124 = arith.constant 0 : i32
    %dma_start3A_125 = tpu.memref_slice %arg27[%add3A_4, %dma_start3A_124] : memref<16384x128xf32, #tpu.memory_space<hbm>> -> memref<256x128xf32, #tpu.memory_space<hbm>>
    %dma_start3A_126 = arith.constant 0 : i32
    %dma_start3A_127 = tpu.memref_slice %arg27[%add3A_4, %dma_start3A_126] : memref<16384x128xf32, #tpu.memory_space<hbm>> -> memref<256x128xf32, #tpu.memory_space<hbm>>
    tpu.enqueue_dma source(%arg41 : memref<256x128xf32, #tpu.memory_space<vmem>>) target(%dma_start3A_127 : memref<256x128xf32, #tpu.memory_space<hbm>>) target_semaphore(%arg47 : memref<!tpu.dma_semaphore, #tpu.memory_space<semaphore_mem>>)
    %dma_wait3A_128 = arith.constant 0 : i32
    %dma_wait3A_129 = tpu.memref_slice %arg26[%add3A_4, %dma_wait3A_128] : memref<16384x128xf32, #tpu.memory_space<hbm>> -> memref<256x128xf32, #tpu.memory_space<hbm>>
    %dma_wait3A_130 = arith.constant 0 : i32
    %dma_wait3A_131 = tpu.memref_slice %arg26[%add3A_4, %dma_wait3A_130] : memref<16384x128xf32, #tpu.memory_space<hbm>> -> memref<256x128xf32, #tpu.memory_space<hbm>>
    tpu.wait_dma2 semaphore(%arg46 : memref<!tpu.dma_semaphore, #tpu.memory_space<semaphore_mem>>) src(%arg40 : memref<256x128xf32, #tpu.memory_space<vmem>>) dst(%dma_wait3A_131 : memref<256x128xf32, #tpu.memory_space<hbm>>)
    %add3A_132 = arith.constant 147456 : i32
    %add3A_133 = arith.addi %add3A_132, %add3A_4 : i32
    "tpu.region"() ({
      %run_scoped3A = tpu.sem_alloc : memref<!tpu.dma_semaphore, #tpu.memory_space<semaphore_mem>>
      %dma_start3A_549 = tpu.memref_slice %arg2[%add3A_133] : memref<278528xi32, #tpu.memory_space<hbm>> -> memref<256xi32, #tpu.memory_space<hbm>>
      %dma_start3A_550 = tpu.memref_slice %arg2[%add3A_133] : memref<278528xi32, #tpu.memory_space<hbm>> -> memref<256xi32, #tpu.memory_space<hbm>>
      tpu.enqueue_dma source(%dma_start3A_550 : memref<256xi32, #tpu.memory_space<hbm>>) target(%arg37 : memref<256xi32, #tpu.memory_space<vmem>>) target_semaphore(%run_scoped3A : memref<!tpu.dma_semaphore, #tpu.memory_space<semaphore_mem>>)
      %dma_wait3A_551 = tpu.memref_slice %arg2[%add3A_133] : memref<278528xi32, #tpu.memory_space<hbm>> -> memref<256xi32, #tpu.memory_space<hbm>>
      %dma_wait3A_552 = tpu.memref_slice %arg2[%add3A_133] : memref<278528xi32, #tpu.memory_space<hbm>> -> memref<256xi32, #tpu.memory_space<hbm>>
      tpu.wait_dma2 semaphore(%run_scoped3A : memref<!tpu.dma_semaphore, #tpu.memory_space<semaphore_mem>>) src(%dma_wait3A_552 : memref<256xi32, #tpu.memory_space<hbm>>) dst(%arg37 : memref<256xi32, #tpu.memory_space<vmem>>)
      tpu.yield
    }) : () -> ()
    %dma_start3A_134 = arith.constant 0 : i32
    %dma_start3A_135 = arith.constant 0 : i32
    %dma_start3A_136 = tpu.memref_slice %arg12[%dma_start3A_134, %dma_start3A_135] : memref<256x128xf32, #tpu.memory_space<hbm>> -> memref<256x128xf32, #tpu.memory_space<hbm>>
    tpu.enqueue_indirect_dma source(%dma_start3A_136 : memref<256x128xf32, #tpu.memory_space<hbm>>) target(%arg40 : memref<256x128xf32, #tpu.memory_space<vmem>>) offsets(%arg37 : memref<256xi32, #tpu.memory_space<vmem>>) semaphore(%arg43 : memref<!tpu.dma_semaphore, #tpu.memory_space<semaphore_mem>>)
    %dma_wait3A_137 = arith.constant 0 : i32
    %dma_wait3A_138 = arith.constant 0 : i32
    %dma_wait3A_139 = tpu.memref_slice %arg11[%dma_wait3A_137, %dma_wait3A_138] : memref<256x128xf32, #tpu.memory_space<hbm>> -> memref<256x128xf32, #tpu.memory_space<hbm>>
    tpu.wait_indirect_dma semaphore(%arg45 : memref<!tpu.dma_semaphore, #tpu.memory_space<semaphore_mem>>) src(%dma_wait3A_139 : memref<256x128xf32, #tpu.memory_space<hbm>>) dst(%arg42 : memref<256x128xf32, #tpu.memory_space<vmem>>)
    %dma_start3A_140 = arith.constant 0 : i32
    %dma_start3A_141 = tpu.memref_slice %arg28[%add3A_4, %dma_start3A_140] : memref<16384x128xf32, #tpu.memory_space<hbm>> -> memref<256x128xf32, #tpu.memory_space<hbm>>
    %dma_start3A_142 = arith.constant 0 : i32
    %dma_start3A_143 = tpu.memref_slice %arg28[%add3A_4, %dma_start3A_142] : memref<16384x128xf32, #tpu.memory_space<hbm>> -> memref<256x128xf32, #tpu.memory_space<hbm>>
    tpu.enqueue_dma source(%arg42 : memref<256x128xf32, #tpu.memory_space<vmem>>) target(%dma_start3A_143 : memref<256x128xf32, #tpu.memory_space<hbm>>) target_semaphore(%arg48 : memref<!tpu.dma_semaphore, #tpu.memory_space<semaphore_mem>>)
    %dma_wait3A_144 = arith.constant 0 : i32
    %dma_wait3A_145 = tpu.memref_slice %arg27[%add3A_4, %dma_wait3A_144] : memref<16384x128xf32, #tpu.memory_space<hbm>> -> memref<256x128xf32, #tpu.memory_space<hbm>>
    %dma_wait3A_146 = arith.constant 0 : i32
    %dma_wait3A_147 = tpu.memref_slice %arg27[%add3A_4, %dma_wait3A_146] : memref<16384x128xf32, #tpu.memory_space<hbm>> -> memref<256x128xf32, #tpu.memory_space<hbm>>
    tpu.wait_dma2 semaphore(%arg47 : memref<!tpu.dma_semaphore, #tpu.memory_space<semaphore_mem>>) src(%arg41 : memref<256x128xf32, #tpu.memory_space<vmem>>) dst(%dma_wait3A_147 : memref<256x128xf32, #tpu.memory_space<hbm>>)
    %add3A_148 = arith.constant 163840 : i32
    %add3A_149 = arith.addi %add3A_148, %add3A_4 : i32
    "tpu.region"() ({
      %run_scoped3A = tpu.sem_alloc : memref<!tpu.dma_semaphore, #tpu.memory_space<semaphore_mem>>
      %dma_start3A_549 = tpu.memref_slice %arg2[%add3A_149] : memref<278528xi32, #tpu.memory_space<hbm>> -> memref<256xi32, #tpu.memory_space<hbm>>
      %dma_start3A_550 = tpu.memref_slice %arg2[%add3A_149] : memref<278528xi32, #tpu.memory_space<hbm>> -> memref<256xi32, #tpu.memory_space<hbm>>
      tpu.enqueue_dma source(%dma_start3A_550 : memref<256xi32, #tpu.memory_space<hbm>>) target(%arg38 : memref<256xi32, #tpu.memory_space<vmem>>) target_semaphore(%run_scoped3A : memref<!tpu.dma_semaphore, #tpu.memory_space<semaphore_mem>>)
      %dma_wait3A_551 = tpu.memref_slice %arg2[%add3A_149] : memref<278528xi32, #tpu.memory_space<hbm>> -> memref<256xi32, #tpu.memory_space<hbm>>
      %dma_wait3A_552 = tpu.memref_slice %arg2[%add3A_149] : memref<278528xi32, #tpu.memory_space<hbm>> -> memref<256xi32, #tpu.memory_space<hbm>>
      tpu.wait_dma2 semaphore(%run_scoped3A : memref<!tpu.dma_semaphore, #tpu.memory_space<semaphore_mem>>) src(%dma_wait3A_552 : memref<256xi32, #tpu.memory_space<hbm>>) dst(%arg38 : memref<256xi32, #tpu.memory_space<vmem>>)
      tpu.yield
    }) : () -> ()
    %dma_start3A_150 = arith.constant 0 : i32
    %dma_start3A_151 = arith.constant 0 : i32
    %dma_start3A_152 = tpu.memref_slice %arg13[%dma_start3A_150, %dma_start3A_151] : memref<256x128xf32, #tpu.memory_space<hbm>> -> memref<256x128xf32, #tpu.memory_space<hbm>>
    tpu.enqueue_indirect_dma source(%dma_start3A_152 : memref<256x128xf32, #tpu.memory_space<hbm>>) target(%arg41 : memref<256x128xf32, #tpu.memory_space<vmem>>) offsets(%arg38 : memref<256xi32, #tpu.memory_space<vmem>>) semaphore(%arg44 : memref<!tpu.dma_semaphore, #tpu.memory_space<semaphore_mem>>)
    %dma_wait3A_153 = arith.constant 0 : i32
    %dma_wait3A_154 = arith.constant 0 : i32
    %dma_wait3A_155 = tpu.memref_slice %arg12[%dma_wait3A_153, %dma_wait3A_154] : memref<256x128xf32, #tpu.memory_space<hbm>> -> memref<256x128xf32, #tpu.memory_space<hbm>>
    tpu.wait_indirect_dma semaphore(%arg43 : memref<!tpu.dma_semaphore, #tpu.memory_space<semaphore_mem>>) src(%dma_wait3A_155 : memref<256x128xf32, #tpu.memory_space<hbm>>) dst(%arg40 : memref<256x128xf32, #tpu.memory_space<vmem>>)
    %dma_start3A_156 = arith.constant 0 : i32
    %dma_start3A_157 = tpu.memref_slice %arg29[%add3A_4, %dma_start3A_156] : memref<16384x128xf32, #tpu.memory_space<hbm>> -> memref<256x128xf32, #tpu.memory_space<hbm>>
    %dma_start3A_158 = arith.constant 0 : i32
    %dma_start3A_159 = tpu.memref_slice %arg29[%add3A_4, %dma_start3A_158] : memref<16384x128xf32, #tpu.memory_space<hbm>> -> memref<256x128xf32, #tpu.memory_space<hbm>>
    tpu.enqueue_dma source(%arg40 : memref<256x128xf32, #tpu.memory_space<vmem>>) target(%dma_start3A_159 : memref<256x128xf32, #tpu.memory_space<hbm>>) target_semaphore(%arg46 : memref<!tpu.dma_semaphore, #tpu.memory_space<semaphore_mem>>)
    %dma_wait3A_160 = arith.constant 0 : i32
    %dma_wait3A_161 = tpu.memref_slice %arg28[%add3A_4, %dma_wait3A_160] : memref<16384x128xf32, #tpu.memory_space<hbm>> -> memref<256x128xf32, #tpu.memory_space<hbm>>
    %dma_wait3A_162 = arith.constant 0 : i32
    %dma_wait3A_163 = tpu.memref_slice %arg28[%add3A_4, %dma_wait3A_162] : memref<16384x128xf32, #tpu.memory_space<hbm>> -> memref<256x128xf32, #tpu.memory_space<hbm>>
    tpu.wait_dma2 semaphore(%arg48 : memref<!tpu.dma_semaphore, #tpu.memory_space<semaphore_mem>>) src(%arg42 : memref<256x128xf32, #tpu.memory_space<vmem>>) dst(%dma_wait3A_163 : memref<256x128xf32, #tpu.memory_space<hbm>>)
    %add3A_164 = arith.constant 180224 : i32
    %add3A_165 = arith.addi %add3A_164, %add3A_4 : i32
    "tpu.region"() ({
      %run_scoped3A = tpu.sem_alloc : memref<!tpu.dma_semaphore, #tpu.memory_space<semaphore_mem>>
      %dma_start3A_549 = tpu.memref_slice %arg2[%add3A_165] : memref<278528xi32, #tpu.memory_space<hbm>> -> memref<256xi32, #tpu.memory_space<hbm>>
      %dma_start3A_550 = tpu.memref_slice %arg2[%add3A_165] : memref<278528xi32, #tpu.memory_space<hbm>> -> memref<256xi32, #tpu.memory_space<hbm>>
      tpu.enqueue_dma source(%dma_start3A_550 : memref<256xi32, #tpu.memory_space<hbm>>) target(%arg39 : memref<256xi32, #tpu.memory_space<vmem>>) target_semaphore(%run_scoped3A : memref<!tpu.dma_semaphore, #tpu.memory_space<semaphore_mem>>)
      %dma_wait3A_551 = tpu.memref_slice %arg2[%add3A_165] : memref<278528xi32, #tpu.memory_space<hbm>> -> memref<256xi32, #tpu.memory_space<hbm>>
      %dma_wait3A_552 = tpu.memref_slice %arg2[%add3A_165] : memref<278528xi32, #tpu.memory_space<hbm>> -> memref<256xi32, #tpu.memory_space<hbm>>
      tpu.wait_dma2 semaphore(%run_scoped3A : memref<!tpu.dma_semaphore, #tpu.memory_space<semaphore_mem>>) src(%dma_wait3A_552 : memref<256xi32, #tpu.memory_space<hbm>>) dst(%arg39 : memref<256xi32, #tpu.memory_space<vmem>>)
      tpu.yield
    }) : () -> ()
    %dma_start3A_166 = arith.constant 0 : i32
    %dma_start3A_167 = arith.constant 0 : i32
    %dma_start3A_168 = tpu.memref_slice %arg14[%dma_start3A_166, %dma_start3A_167] : memref<256x128xf32, #tpu.memory_space<hbm>> -> memref<256x128xf32, #tpu.memory_space<hbm>>
    tpu.enqueue_indirect_dma source(%dma_start3A_168 : memref<256x128xf32, #tpu.memory_space<hbm>>) target(%arg42 : memref<256x128xf32, #tpu.memory_space<vmem>>) offsets(%arg39 : memref<256xi32, #tpu.memory_space<vmem>>) semaphore(%arg45 : memref<!tpu.dma_semaphore, #tpu.memory_space<semaphore_mem>>)
    %dma_wait3A_169 = arith.constant 0 : i32
    %dma_wait3A_170 = arith.constant 0 : i32
    %dma_wait3A_171 = tpu.memref_slice %arg13[%dma_wait3A_169, %dma_wait3A_170] : memref<256x128xf32, #tpu.memory_space<hbm>> -> memref<256x128xf32, #tpu.memory_space<hbm>>
    tpu.wait_indirect_dma semaphore(%arg44 : memref<!tpu.dma_semaphore, #tpu.memory_space<semaphore_mem>>) src(%dma_wait3A_171 : memref<256x128xf32, #tpu.memory_space<hbm>>) dst(%arg41 : memref<256x128xf32, #tpu.memory_space<vmem>>)
    %dma_start3A_172 = arith.constant 0 : i32
    %dma_start3A_173 = tpu.memref_slice %arg30[%add3A_4, %dma_start3A_172] : memref<16384x128xf32, #tpu.memory_space<hbm>> -> memref<256x128xf32, #tpu.memory_space<hbm>>
    %dma_start3A_174 = arith.constant 0 : i32
    %dma_start3A_175 = tpu.memref_slice %arg30[%add3A_4, %dma_start3A_174] : memref<16384x128xf32, #tpu.memory_space<hbm>> -> memref<256x128xf32, #tpu.memory_space<hbm>>
    tpu.enqueue_dma source(%arg41 : memref<256x128xf32, #tpu.memory_space<vmem>>) target(%dma_start3A_175 : memref<256x128xf32, #tpu.memory_space<hbm>>) target_semaphore(%arg47 : memref<!tpu.dma_semaphore, #tpu.memory_space<semaphore_mem>>)
    %dma_wait3A_176 = arith.constant 0 : i32
    %dma_wait3A_177 = tpu.memref_slice %arg29[%add3A_4, %dma_wait3A_176] : memref<16384x128xf32, #tpu.memory_space<hbm>> -> memref<256x128xf32, #tpu.memory_space<hbm>>
    %dma_wait3A_178 = arith.constant 0 : i32
    %dma_wait3A_179 = tpu.memref_slice %arg29[%add3A_4, %dma_wait3A_178] : memref<16384x128xf32, #tpu.memory_space<hbm>> -> memref<256x128xf32, #tpu.memory_space<hbm>>
    tpu.wait_dma2 semaphore(%arg46 : memref<!tpu.dma_semaphore, #tpu.memory_space<semaphore_mem>>) src(%arg40 : memref<256x128xf32, #tpu.memory_space<vmem>>) dst(%dma_wait3A_179 : memref<256x128xf32, #tpu.memory_space<hbm>>)
    %add3A_180 = arith.constant 196608 : i32
    %add3A_181 = arith.addi %add3A_180, %add3A_4 : i32
    "tpu.region"() ({
      %run_scoped3A = tpu.sem_alloc : memref<!tpu.dma_semaphore, #tpu.memory_space<semaphore_mem>>
      %dma_start3A_549 = tpu.memref_slice %arg2[%add3A_181] : memref<278528xi32, #tpu.memory_space<hbm>> -> memref<256xi32, #tpu.memory_space<hbm>>
      %dma_start3A_550 = tpu.memref_slice %arg2[%add3A_181] : memref<278528xi32, #tpu.memory_space<hbm>> -> memref<256xi32, #tpu.memory_space<hbm>>
      tpu.enqueue_dma source(%dma_start3A_550 : memref<256xi32, #tpu.memory_space<hbm>>) target(%arg37 : memref<256xi32, #tpu.memory_space<vmem>>) target_semaphore(%run_scoped3A : memref<!tpu.dma_semaphore, #tpu.memory_space<semaphore_mem>>)
      %dma_wait3A_551 = tpu.memref_slice %arg2[%add3A_181] : memref<278528xi32, #tpu.memory_space<hbm>> -> memref<256xi32, #tpu.memory_space<hbm>>
      %dma_wait3A_552 = tpu.memref_slice %arg2[%add3A_181] : memref<278528xi32, #tpu.memory_space<hbm>> -> memref<256xi32, #tpu.memory_space<hbm>>
      tpu.wait_dma2 semaphore(%run_scoped3A : memref<!tpu.dma_semaphore, #tpu.memory_space<semaphore_mem>>) src(%dma_wait3A_552 : memref<256xi32, #tpu.memory_space<hbm>>) dst(%arg37 : memref<256xi32, #tpu.memory_space<vmem>>)
      tpu.yield
    }) : () -> ()
    %dma_start3A_182 = arith.constant 0 : i32
    %dma_start3A_183 = arith.constant 0 : i32
    %dma_start3A_184 = tpu.memref_slice %arg15[%dma_start3A_182, %dma_start3A_183] : memref<256x128xf32, #tpu.memory_space<hbm>> -> memref<256x128xf32, #tpu.memory_space<hbm>>
    tpu.enqueue_indirect_dma source(%dma_start3A_184 : memref<256x128xf32, #tpu.memory_space<hbm>>) target(%arg40 : memref<256x128xf32, #tpu.memory_space<vmem>>) offsets(%arg37 : memref<256xi32, #tpu.memory_space<vmem>>) semaphore(%arg43 : memref<!tpu.dma_semaphore, #tpu.memory_space<semaphore_mem>>)
    %dma_wait3A_185 = arith.constant 0 : i32
    %dma_wait3A_186 = arith.constant 0 : i32
    %dma_wait3A_187 = tpu.memref_slice %arg14[%dma_wait3A_185, %dma_wait3A_186] : memref<256x128xf32, #tpu.memory_space<hbm>> -> memref<256x128xf32, #tpu.memory_space<hbm>>
    tpu.wait_indirect_dma semaphore(%arg45 : memref<!tpu.dma_semaphore, #tpu.memory_space<semaphore_mem>>) src(%dma_wait3A_187 : memref<256x128xf32, #tpu.memory_space<hbm>>) dst(%arg42 : memref<256x128xf32, #tpu.memory_space<vmem>>)
    %dma_start3A_188 = arith.constant 0 : i32
    %dma_start3A_189 = tpu.memref_slice %arg31[%add3A_4, %dma_start3A_188] : memref<16384x128xf32, #tpu.memory_space<hbm>> -> memref<256x128xf32, #tpu.memory_space<hbm>>
    %dma_start3A_190 = arith.constant 0 : i32
    %dma_start3A_191 = tpu.memref_slice %arg31[%add3A_4, %dma_start3A_190] : memref<16384x128xf32, #tpu.memory_space<hbm>> -> memref<256x128xf32, #tpu.memory_space<hbm>>
    tpu.enqueue_dma source(%arg42 : memref<256x128xf32, #tpu.memory_space<vmem>>) target(%dma_start3A_191 : memref<256x128xf32, #tpu.memory_space<hbm>>) target_semaphore(%arg48 : memref<!tpu.dma_semaphore, #tpu.memory_space<semaphore_mem>>)
    %dma_wait3A_192 = arith.constant 0 : i32
    %dma_wait3A_193 = tpu.memref_slice %arg30[%add3A_4, %dma_wait3A_192] : memref<16384x128xf32, #tpu.memory_space<hbm>> -> memref<256x128xf32, #tpu.memory_space<hbm>>
    %dma_wait3A_194 = arith.constant 0 : i32
    %dma_wait3A_195 = tpu.memref_slice %arg30[%add3A_4, %dma_wait3A_194] : memref<16384x128xf32, #tpu.memory_space<hbm>> -> memref<256x128xf32, #tpu.memory_space<hbm>>
    tpu.wait_dma2 semaphore(%arg47 : memref<!tpu.dma_semaphore, #tpu.memory_space<semaphore_mem>>) src(%arg41 : memref<256x128xf32, #tpu.memory_space<vmem>>) dst(%dma_wait3A_195 : memref<256x128xf32, #tpu.memory_space<hbm>>)
    %add3A_196 = arith.constant 212992 : i32
    %add3A_197 = arith.addi %add3A_196, %add3A_4 : i32
    "tpu.region"() ({
      %run_scoped3A = tpu.sem_alloc : memref<!tpu.dma_semaphore, #tpu.memory_space<semaphore_mem>>
      %dma_start3A_549 = tpu.memref_slice %arg2[%add3A_197] : memref<278528xi32, #tpu.memory_space<hbm>> -> memref<256xi32, #tpu.memory_space<hbm>>
      %dma_start3A_550 = tpu.memref_slice %arg2[%add3A_197] : memref<278528xi32, #tpu.memory_space<hbm>> -> memref<256xi32, #tpu.memory_space<hbm>>
      tpu.enqueue_dma source(%dma_start3A_550 : memref<256xi32, #tpu.memory_space<hbm>>) target(%arg38 : memref<256xi32, #tpu.memory_space<vmem>>) target_semaphore(%run_scoped3A : memref<!tpu.dma_semaphore, #tpu.memory_space<semaphore_mem>>)
      %dma_wait3A_551 = tpu.memref_slice %arg2[%add3A_197] : memref<278528xi32, #tpu.memory_space<hbm>> -> memref<256xi32, #tpu.memory_space<hbm>>
      %dma_wait3A_552 = tpu.memref_slice %arg2[%add3A_197] : memref<278528xi32, #tpu.memory_space<hbm>> -> memref<256xi32, #tpu.memory_space<hbm>>
      tpu.wait_dma2 semaphore(%run_scoped3A : memref<!tpu.dma_semaphore, #tpu.memory_space<semaphore_mem>>) src(%dma_wait3A_552 : memref<256xi32, #tpu.memory_space<hbm>>) dst(%arg38 : memref<256xi32, #tpu.memory_space<vmem>>)
      tpu.yield
    }) : () -> ()
    %dma_start3A_198 = arith.constant 0 : i32
    %dma_start3A_199 = arith.constant 0 : i32
    %dma_start3A_200 = tpu.memref_slice %arg16[%dma_start3A_198, %dma_start3A_199] : memref<256x128xf32, #tpu.memory_space<hbm>> -> memref<256x128xf32, #tpu.memory_space<hbm>>
    tpu.enqueue_indirect_dma source(%dma_start3A_200 : memref<256x128xf32, #tpu.memory_space<hbm>>) target(%arg41 : memref<256x128xf32, #tpu.memory_space<vmem>>) offsets(%arg38 : memref<256xi32, #tpu.memory_space<vmem>>) semaphore(%arg44 : memref<!tpu.dma_semaphore, #tpu.memory_space<semaphore_mem>>)
    %dma_wait3A_201 = arith.constant 0 : i32
    %dma_wait3A_202 = arith.constant 0 : i32
    %dma_wait3A_203 = tpu.memref_slice %arg15[%dma_wait3A_201, %dma_wait3A_202] : memref<256x128xf32, #tpu.memory_space<hbm>> -> memref<256x128xf32, #tpu.memory_space<hbm>>
    tpu.wait_indirect_dma semaphore(%arg43 : memref<!tpu.dma_semaphore, #tpu.memory_space<semaphore_mem>>) src(%dma_wait3A_203 : memref<256x128xf32, #tpu.memory_space<hbm>>) dst(%arg40 : memref<256x128xf32, #tpu.memory_space<vmem>>)
    %dma_start3A_204 = arith.constant 0 : i32
    %dma_start3A_205 = tpu.memref_slice %arg32[%add3A_4, %dma_start3A_204] : memref<16384x128xf32, #tpu.memory_space<hbm>> -> memref<256x128xf32, #tpu.memory_space<hbm>>
    %dma_start3A_206 = arith.constant 0 : i32
    %dma_start3A_207 = tpu.memref_slice %arg32[%add3A_4, %dma_start3A_206] : memref<16384x128xf32, #tpu.memory_space<hbm>> -> memref<256x128xf32, #tpu.memory_space<hbm>>
    tpu.enqueue_dma source(%arg40 : memref<256x128xf32, #tpu.memory_space<vmem>>) target(%dma_start3A_207 : memref<256x128xf32, #tpu.memory_space<hbm>>) target_semaphore(%arg46 : memref<!tpu.dma_semaphore, #tpu.memory_space<semaphore_mem>>)
    %dma_wait3A_208 = arith.constant 0 : i32
    %dma_wait3A_209 = tpu.memref_slice %arg31[%add3A_4, %dma_wait3A_208] : memref<16384x128xf32, #tpu.memory_space<hbm>> -> memref<256x128xf32, #tpu.memory_space<hbm>>
    %dma_wait3A_210 = arith.constant 0 : i32
    %dma_wait3A_211 = tpu.memref_slice %arg31[%add3A_4, %dma_wait3A_210] : memref<16384x128xf32, #tpu.memory_space<hbm>> -> memref<256x128xf32, #tpu.memory_space<hbm>>
    tpu.wait_dma2 semaphore(%arg48 : memref<!tpu.dma_semaphore, #tpu.memory_space<semaphore_mem>>) src(%arg42 : memref<256x128xf32, #tpu.memory_space<vmem>>) dst(%dma_wait3A_211 : memref<256x128xf32, #tpu.memory_space<hbm>>)
    %add3A_212 = arith.constant 229376 : i32
    %add3A_213 = arith.addi %add3A_212, %add3A_4 : i32
    "tpu.region"() ({
      %run_scoped3A = tpu.sem_alloc : memref<!tpu.dma_semaphore, #tpu.memory_space<semaphore_mem>>
      %dma_start3A_549 = tpu.memref_slice %arg2[%add3A_213] : memref<278528xi32, #tpu.memory_space<hbm>> -> memref<256xi32, #tpu.memory_space<hbm>>
      %dma_start3A_550 = tpu.memref_slice %arg2[%add3A_213] : memref<278528xi32, #tpu.memory_space<hbm>> -> memref<256xi32, #tpu.memory_space<hbm>>
      tpu.enqueue_dma source(%dma_start3A_550 : memref<256xi32, #tpu.memory_space<hbm>>) target(%arg39 : memref<256xi32, #tpu.memory_space<vmem>>) target_semaphore(%run_scoped3A : memref<!tpu.dma_semaphore, #tpu.memory_space<semaphore_mem>>)
      %dma_wait3A_551 = tpu.memref_slice %arg2[%add3A_213] : memref<278528xi32, #tpu.memory_space<hbm>> -> memref<256xi32, #tpu.memory_space<hbm>>
      %dma_wait3A_552 = tpu.memref_slice %arg2[%add3A_213] : memref<278528xi32, #tpu.memory_space<hbm>> -> memref<256xi32, #tpu.memory_space<hbm>>
      tpu.wait_dma2 semaphore(%run_scoped3A : memref<!tpu.dma_semaphore, #tpu.memory_space<semaphore_mem>>) src(%dma_wait3A_552 : memref<256xi32, #tpu.memory_space<hbm>>) dst(%arg39 : memref<256xi32, #tpu.memory_space<vmem>>)
      tpu.yield
    }) : () -> ()
    %dma_start3A_214 = arith.constant 0 : i32
    %dma_start3A_215 = arith.constant 0 : i32
    %dma_start3A_216 = tpu.memref_slice %arg17[%dma_start3A_214, %dma_start3A_215] : memref<16384x128xf32, #tpu.memory_space<hbm>> -> memref<16384x128xf32, #tpu.memory_space<hbm>>
    tpu.enqueue_indirect_dma source(%dma_start3A_216 : memref<16384x128xf32, #tpu.memory_space<hbm>>) target(%arg42 : memref<256x128xf32, #tpu.memory_space<vmem>>) offsets(%arg39 : memref<256xi32, #tpu.memory_space<vmem>>) semaphore(%arg45 : memref<!tpu.dma_semaphore, #tpu.memory_space<semaphore_mem>>)
    %dma_wait3A_217 = arith.constant 0 : i32
    %dma_wait3A_218 = arith.constant 0 : i32
    %dma_wait3A_219 = tpu.memref_slice %arg16[%dma_wait3A_217, %dma_wait3A_218] : memref<256x128xf32, #tpu.memory_space<hbm>> -> memref<256x128xf32, #tpu.memory_space<hbm>>
    tpu.wait_indirect_dma semaphore(%arg44 : memref<!tpu.dma_semaphore, #tpu.memory_space<semaphore_mem>>) src(%dma_wait3A_219 : memref<256x128xf32, #tpu.memory_space<hbm>>) dst(%arg41 : memref<256x128xf32, #tpu.memory_space<vmem>>)
    %dma_start3A_220 = arith.constant 0 : i32
    %dma_start3A_221 = tpu.memref_slice %arg33[%add3A_4, %dma_start3A_220] : memref<16384x128xf32, #tpu.memory_space<hbm>> -> memref<256x128xf32, #tpu.memory_space<hbm>>
    %dma_start3A_222 = arith.constant 0 : i32
    %dma_start3A_223 = tpu.memref_slice %arg33[%add3A_4, %dma_start3A_222] : memref<16384x128xf32, #tpu.memory_space<hbm>> -> memref<256x128xf32, #tpu.memory_space<hbm>>
    tpu.enqueue_dma source(%arg41 : memref<256x128xf32, #tpu.memory_space<vmem>>) target(%dma_start3A_223 : memref<256x128xf32, #tpu.memory_space<hbm>>) target_semaphore(%arg47 : memref<!tpu.dma_semaphore, #tpu.memory_space<semaphore_mem>>)
    %dma_wait3A_224 = arith.constant 0 : i32
    %dma_wait3A_225 = tpu.memref_slice %arg32[%add3A_4, %dma_wait3A_224] : memref<16384x128xf32, #tpu.memory_space<hbm>> -> memref<256x128xf32, #tpu.memory_space<hbm>>
    %dma_wait3A_226 = arith.constant 0 : i32
    %dma_wait3A_227 = tpu.memref_slice %arg32[%add3A_4, %dma_wait3A_226] : memref<16384x128xf32, #tpu.memory_space<hbm>> -> memref<256x128xf32, #tpu.memory_space<hbm>>
    tpu.wait_dma2 semaphore(%arg46 : memref<!tpu.dma_semaphore, #tpu.memory_space<semaphore_mem>>) src(%arg40 : memref<256x128xf32, #tpu.memory_space<vmem>>) dst(%dma_wait3A_227 : memref<256x128xf32, #tpu.memory_space<hbm>>)
    %add3A_228 = arith.constant 245760 : i32
    %add3A_229 = arith.addi %add3A_228, %add3A_4 : i32
    "tpu.region"() ({
      %run_scoped3A = tpu.sem_alloc : memref<!tpu.dma_semaphore, #tpu.memory_space<semaphore_mem>>
      %dma_start3A_549 = tpu.memref_slice %arg2[%add3A_229] : memref<278528xi32, #tpu.memory_space<hbm>> -> memref<256xi32, #tpu.memory_space<hbm>>
      %dma_start3A_550 = tpu.memref_slice %arg2[%add3A_229] : memref<278528xi32, #tpu.memory_space<hbm>> -> memref<256xi32, #tpu.memory_space<hbm>>
      tpu.enqueue_dma source(%dma_start3A_550 : memref<256xi32, #tpu.memory_space<hbm>>) target(%arg37 : memref<256xi32, #tpu.memory_space<vmem>>) target_semaphore(%run_scoped3A : memref<!tpu.dma_semaphore, #tpu.memory_space<semaphore_mem>>)
      %dma_wait3A_551 = tpu.memref_slice %arg2[%add3A_229] : memref<278528xi32, #tpu.memory_space<hbm>> -> memref<256xi32, #tpu.memory_space<hbm>>
      %dma_wait3A_552 = tpu.memref_slice %arg2[%add3A_229] : memref<278528xi32, #tpu.memory_space<hbm>> -> memref<256xi32, #tpu.memory_space<hbm>>
      tpu.wait_dma2 semaphore(%run_scoped3A : memref<!tpu.dma_semaphore, #tpu.memory_space<semaphore_mem>>) src(%dma_wait3A_552 : memref<256xi32, #tpu.memory_space<hbm>>) dst(%arg37 : memref<256xi32, #tpu.memory_space<vmem>>)
      tpu.yield
    }) : () -> ()
    %dma_start3A_230 = arith.constant 0 : i32
    %dma_start3A_231 = arith.constant 0 : i32
    %dma_start3A_232 = tpu.memref_slice %arg18[%dma_start3A_230, %dma_start3A_231] : memref<16384x128xf32, #tpu.memory_space<hbm>> -> memref<16384x128xf32, #tpu.memory_space<hbm>>
    tpu.enqueue_indirect_dma source(%dma_start3A_232 : memref<16384x128xf32, #tpu.memory_space<hbm>>) target(%arg40 : memref<256x128xf32, #tpu.memory_space<vmem>>) offsets(%arg37 : memref<256xi32, #tpu.memory_space<vmem>>) semaphore(%arg43 : memref<!tpu.dma_semaphore, #tpu.memory_space<semaphore_mem>>)
    %dma_wait3A_233 = arith.constant 0 : i32
    %dma_wait3A_234 = arith.constant 0 : i32
    %dma_wait3A_235 = tpu.memref_slice %arg17[%dma_wait3A_233, %dma_wait3A_234] : memref<16384x128xf32, #tpu.memory_space<hbm>> -> memref<16384x128xf32, #tpu.memory_space<hbm>>
    tpu.wait_indirect_dma semaphore(%arg45 : memref<!tpu.dma_semaphore, #tpu.memory_space<semaphore_mem>>) src(%dma_wait3A_235 : memref<16384x128xf32, #tpu.memory_space<hbm>>) dst(%arg42 : memref<256x128xf32, #tpu.memory_space<vmem>>)
    %dma_start3A_236 = arith.constant 0 : i32
    %dma_start3A_237 = tpu.memref_slice %arg34[%add3A_4, %dma_start3A_236] : memref<16384x128xf32, #tpu.memory_space<hbm>> -> memref<256x128xf32, #tpu.memory_space<hbm>>
    %dma_start3A_238 = arith.constant 0 : i32
    %dma_start3A_239 = tpu.memref_slice %arg34[%add3A_4, %dma_start3A_238] : memref<16384x128xf32, #tpu.memory_space<hbm>> -> memref<256x128xf32, #tpu.memory_space<hbm>>
    tpu.enqueue_dma source(%arg42 : memref<256x128xf32, #tpu.memory_space<vmem>>) target(%dma_start3A_239 : memref<256x128xf32, #tpu.memory_space<hbm>>) target_semaphore(%arg48 : memref<!tpu.dma_semaphore, #tpu.memory_space<semaphore_mem>>)
    %dma_wait3A_240 = arith.constant 0 : i32
    %dma_wait3A_241 = tpu.memref_slice %arg33[%add3A_4, %dma_wait3A_240] : memref<16384x128xf32, #tpu.memory_space<hbm>> -> memref<256x128xf32, #tpu.memory_space<hbm>>
    %dma_wait3A_242 = arith.constant 0 : i32
    %dma_wait3A_243 = tpu.memref_slice %arg33[%add3A_4, %dma_wait3A_242] : memref<16384x128xf32, #tpu.memory_space<hbm>> -> memref<256x128xf32, #tpu.memory_space<hbm>>
    tpu.wait_dma2 semaphore(%arg47 : memref<!tpu.dma_semaphore, #tpu.memory_space<semaphore_mem>>) src(%arg41 : memref<256x128xf32, #tpu.memory_space<vmem>>) dst(%dma_wait3A_243 : memref<256x128xf32, #tpu.memory_space<hbm>>)
    %add3A_244 = arith.constant 262144 : i32
    %add3A_245 = arith.addi %add3A_244, %add3A_4 : i32
    "tpu.region"() ({
      %run_scoped3A = tpu.sem_alloc : memref<!tpu.dma_semaphore, #tpu.memory_space<semaphore_mem>>
      %dma_start3A_549 = tpu.memref_slice %arg2[%add3A_245] : memref<278528xi32, #tpu.memory_space<hbm>> -> memref<256xi32, #tpu.memory_space<hbm>>
      %dma_start3A_550 = tpu.memref_slice %arg2[%add3A_245] : memref<278528xi32, #tpu.memory_space<hbm>> -> memref<256xi32, #tpu.memory_space<hbm>>
      tpu.enqueue_dma source(%dma_start3A_550 : memref<256xi32, #tpu.memory_space<hbm>>) target(%arg38 : memref<256xi32, #tpu.memory_space<vmem>>) target_semaphore(%run_scoped3A : memref<!tpu.dma_semaphore, #tpu.memory_space<semaphore_mem>>)
      %dma_wait3A_551 = tpu.memref_slice %arg2[%add3A_245] : memref<278528xi32, #tpu.memory_space<hbm>> -> memref<256xi32, #tpu.memory_space<hbm>>
      %dma_wait3A_552 = tpu.memref_slice %arg2[%add3A_245] : memref<278528xi32, #tpu.memory_space<hbm>> -> memref<256xi32, #tpu.memory_space<hbm>>
      tpu.wait_dma2 semaphore(%run_scoped3A : memref<!tpu.dma_semaphore, #tpu.memory_space<semaphore_mem>>) src(%dma_wait3A_552 : memref<256xi32, #tpu.memory_space<hbm>>) dst(%arg38 : memref<256xi32, #tpu.memory_space<vmem>>)
      tpu.yield
    }) : () -> ()
    %dma_start3A_246 = arith.constant 0 : i32
    %dma_start3A_247 = arith.constant 0 : i32
    %dma_start3A_248 = tpu.memref_slice %arg19[%dma_start3A_246, %dma_start3A_247] : memref<125000x128xf32, #tpu.memory_space<hbm>> -> memref<125000x128xf32, #tpu.memory_space<hbm>>
    tpu.enqueue_indirect_dma source(%dma_start3A_248 : memref<125000x128xf32, #tpu.memory_space<hbm>>) target(%arg41 : memref<256x128xf32, #tpu.memory_space<vmem>>) offsets(%arg38 : memref<256xi32, #tpu.memory_space<vmem>>) semaphore(%arg44 : memref<!tpu.dma_semaphore, #tpu.memory_space<semaphore_mem>>)
    %dma_wait3A_249 = arith.constant 0 : i32
    %dma_wait3A_250 = arith.constant 0 : i32
    %dma_wait3A_251 = tpu.memref_slice %arg18[%dma_wait3A_249, %dma_wait3A_250] : memref<16384x128xf32, #tpu.memory_space<hbm>> -> memref<16384x128xf32, #tpu.memory_space<hbm>>
    tpu.wait_indirect_dma semaphore(%arg43 : memref<!tpu.dma_semaphore, #tpu.memory_space<semaphore_mem>>) src(%dma_wait3A_251 : memref<16384x128xf32, #tpu.memory_space<hbm>>) dst(%arg40 : memref<256x128xf32, #tpu.memory_space<vmem>>)
    %dma_start3A_252 = arith.constant 0 : i32
    %dma_start3A_253 = tpu.memref_slice %arg35[%add3A_4, %dma_start3A_252] : memref<16384x128xf32, #tpu.memory_space<hbm>> -> memref<256x128xf32, #tpu.memory_space<hbm>>
    %dma_start3A_254 = arith.constant 0 : i32
    %dma_start3A_255 = tpu.memref_slice %arg35[%add3A_4, %dma_start3A_254] : memref<16384x128xf32, #tpu.memory_space<hbm>> -> memref<256x128xf32, #tpu.memory_space<hbm>>
    tpu.enqueue_dma source(%arg40 : memref<256x128xf32, #tpu.memory_space<vmem>>) target(%dma_start3A_255 : memref<256x128xf32, #tpu.memory_space<hbm>>) target_semaphore(%arg46 : memref<!tpu.dma_semaphore, #tpu.memory_space<semaphore_mem>>)
    %dma_wait3A_256 = arith.constant 0 : i32
    %dma_wait3A_257 = arith.constant 0 : i32
    %dma_wait3A_258 = tpu.memref_slice %arg19[%dma_wait3A_256, %dma_wait3A_257] : memref<125000x128xf32, #tpu.memory_space<hbm>> -> memref<125000x128xf32, #tpu.memory_space<hbm>>
    tpu.wait_indirect_dma semaphore(%arg44 : memref<!tpu.dma_semaphore, #tpu.memory_space<semaphore_mem>>) src(%dma_wait3A_258 : memref<125000x128xf32, #tpu.memory_space<hbm>>) dst(%arg41 : memref<256x128xf32, #tpu.memory_space<vmem>>)
    %dma_start3A_259 = arith.constant 0 : i32
    %dma_start3A_260 = tpu.memref_slice %arg36[%add3A_4, %dma_start3A_259] : memref<16384x128xf32, #tpu.memory_space<hbm>> -> memref<256x128xf32, #tpu.memory_space<hbm>>
    %dma_start3A_261 = arith.constant 0 : i32
    %dma_start3A_262 = tpu.memref_slice %arg36[%add3A_4, %dma_start3A_261] : memref<16384x128xf32, #tpu.memory_space<hbm>> -> memref<256x128xf32, #tpu.memory_space<hbm>>
    tpu.enqueue_dma source(%arg41 : memref<256x128xf32, #tpu.memory_space<vmem>>) target(%dma_start3A_262 : memref<256x128xf32, #tpu.memory_space<hbm>>) target_semaphore(%arg47 : memref<!tpu.dma_semaphore, #tpu.memory_space<semaphore_mem>>)
    %dma_wait3A_263 = arith.constant 0 : i32
    %dma_wait3A_264 = tpu.memref_slice %arg35[%add3A_4, %dma_wait3A_263] : memref<16384x128xf32, #tpu.memory_space<hbm>> -> memref<256x128xf32, #tpu.memory_space<hbm>>
    %dma_wait3A_265 = arith.constant 0 : i32
    %dma_wait3A_266 = tpu.memref_slice %arg35[%add3A_4, %dma_wait3A_265] : memref<16384x128xf32, #tpu.memory_space<hbm>> -> memref<256x128xf32, #tpu.memory_space<hbm>>
    tpu.wait_dma2 semaphore(%arg46 : memref<!tpu.dma_semaphore, #tpu.memory_space<semaphore_mem>>) src(%arg40 : memref<256x128xf32, #tpu.memory_space<vmem>>) dst(%dma_wait3A_266 : memref<256x128xf32, #tpu.memory_space<hbm>>)
    %dma_wait3A_267 = arith.constant 0 : i32
    %dma_wait3A_268 = tpu.memref_slice %arg36[%add3A_4, %dma_wait3A_267] : memref<16384x128xf32, #tpu.memory_space<hbm>> -> memref<256x128xf32, #tpu.memory_space<hbm>>
    %dma_wait3A_269 = arith.constant 0 : i32
    %dma_wait3A_270 = tpu.memref_slice %arg36[%add3A_4, %dma_wait3A_269] : memref<16384x128xf32, #tpu.memory_space<hbm>> -> memref<256x128xf32, #tpu.memory_space<hbm>>
    tpu.wait_dma2 semaphore(%arg47 : memref<!tpu.dma_semaphore, #tpu.memory_space<semaphore_mem>>) src(%arg41 : memref<256x128xf32, #tpu.memory_space<vmem>>) dst(%dma_wait3A_270 : memref<256x128xf32, #tpu.memory_space<hbm>>)
    %dma_wait3A_271 = arith.constant 0 : i32
    %dma_wait3A_272 = tpu.memref_slice %arg34[%add3A_4, %dma_wait3A_271] : memref<16384x128xf32, #tpu.memory_space<hbm>> -> memref<256x128xf32, #tpu.memory_space<hbm>>
    %dma_wait3A_273 = arith.constant 0 : i32
    %dma_wait3A_274 = tpu.memref_slice %arg34[%add3A_4, %dma_wait3A_273] : memref<16384x128xf32, #tpu.memory_space<hbm>> -> memref<256x128xf32, #tpu.memory_space<hbm>>
    tpu.wait_dma2 semaphore(%arg48 : memref<!tpu.dma_semaphore, #tpu.memory_space<semaphore_mem>>) src(%arg42 : memref<256x128xf32, #tpu.memory_space<vmem>>) dst(%dma_wait3A_274 : memref<256x128xf32, #tpu.memory_space<hbm>>)
    %add3A_275 = arith.constant 256 : i32
    %add3A_276 = arith.addi %mul3A_2, %add3A_275 : i32
    %add3A_277 = arith.constant 0 : i32
    %add3A_278 = arith.addi %add3A_277, %add3A_276 : i32
    "tpu.region"() ({
      %run_scoped3A = tpu.sem_alloc : memref<!tpu.dma_semaphore, #tpu.memory_space<semaphore_mem>>
      %dma_start3A_549 = tpu.memref_slice %arg2[%add3A_278] : memref<278528xi32, #tpu.memory_space<hbm>> -> memref<256xi32, #tpu.memory_space<hbm>>
      %dma_start3A_550 = tpu.memref_slice %arg2[%add3A_278] : memref<278528xi32, #tpu.memory_space<hbm>> -> memref<256xi32, #tpu.memory_space<hbm>>
      tpu.enqueue_dma source(%dma_start3A_550 : memref<256xi32, #tpu.memory_space<hbm>>) target(%arg37 : memref<256xi32, #tpu.memory_space<vmem>>) target_semaphore(%run_scoped3A : memref<!tpu.dma_semaphore, #tpu.memory_space<semaphore_mem>>)
      %dma_wait3A_551 = tpu.memref_slice %arg2[%add3A_278] : memref<278528xi32, #tpu.memory_space<hbm>> -> memref<256xi32, #tpu.memory_space<hbm>>
      %dma_wait3A_552 = tpu.memref_slice %arg2[%add3A_278] : memref<278528xi32, #tpu.memory_space<hbm>> -> memref<256xi32, #tpu.memory_space<hbm>>
      tpu.wait_dma2 semaphore(%run_scoped3A : memref<!tpu.dma_semaphore, #tpu.memory_space<semaphore_mem>>) src(%dma_wait3A_552 : memref<256xi32, #tpu.memory_space<hbm>>) dst(%arg37 : memref<256xi32, #tpu.memory_space<vmem>>)
      tpu.yield
    }) : () -> ()
    %dma_start3A_279 = arith.constant 0 : i32
    %dma_start3A_280 = arith.constant 0 : i32
    %dma_start3A_281 = tpu.memref_slice %arg3[%dma_start3A_279, %dma_start3A_280] : memref<256x128xf32, #tpu.memory_space<hbm>> -> memref<256x128xf32, #tpu.memory_space<hbm>>
    tpu.enqueue_indirect_dma source(%dma_start3A_281 : memref<256x128xf32, #tpu.memory_space<hbm>>) target(%arg40 : memref<256x128xf32, #tpu.memory_space<vmem>>) offsets(%arg37 : memref<256xi32, #tpu.memory_space<vmem>>) semaphore(%arg43 : memref<!tpu.dma_semaphore, #tpu.memory_space<semaphore_mem>>)
    %add3A_282 = arith.constant 16384 : i32
    %add3A_283 = arith.addi %add3A_282, %add3A_276 : i32
    "tpu.region"() ({
      %run_scoped3A = tpu.sem_alloc : memref<!tpu.dma_semaphore, #tpu.memory_space<semaphore_mem>>
      %dma_start3A_549 = tpu.memref_slice %arg2[%add3A_283] : memref<278528xi32, #tpu.memory_space<hbm>> -> memref<256xi32, #tpu.memory_space<hbm>>
      %dma_start3A_550 = tpu.memref_slice %arg2[%add3A_283] : memref<278528xi32, #tpu.memory_space<hbm>> -> memref<256xi32, #tpu.memory_space<hbm>>
      tpu.enqueue_dma source(%dma_start3A_550 : memref<256xi32, #tpu.memory_space<hbm>>) target(%arg38 : memref<256xi32, #tpu.memory_space<vmem>>) target_semaphore(%run_scoped3A : memref<!tpu.dma_semaphore, #tpu.memory_space<semaphore_mem>>)
      %dma_wait3A_551 = tpu.memref_slice %arg2[%add3A_283] : memref<278528xi32, #tpu.memory_space<hbm>> -> memref<256xi32, #tpu.memory_space<hbm>>
      %dma_wait3A_552 = tpu.memref_slice %arg2[%add3A_283] : memref<278528xi32, #tpu.memory_space<hbm>> -> memref<256xi32, #tpu.memory_space<hbm>>
      tpu.wait_dma2 semaphore(%run_scoped3A : memref<!tpu.dma_semaphore, #tpu.memory_space<semaphore_mem>>) src(%dma_wait3A_552 : memref<256xi32, #tpu.memory_space<hbm>>) dst(%arg38 : memref<256xi32, #tpu.memory_space<vmem>>)
      tpu.yield
    }) : () -> ()
    %dma_start3A_284 = arith.constant 0 : i32
    %dma_start3A_285 = arith.constant 0 : i32
    %dma_start3A_286 = tpu.memref_slice %arg4[%dma_start3A_284, %dma_start3A_285] : memref<256x128xf32, #tpu.memory_space<hbm>> -> memref<256x128xf32, #tpu.memory_space<hbm>>
    tpu.enqueue_indirect_dma source(%dma_start3A_286 : memref<256x128xf32, #tpu.memory_space<hbm>>) target(%arg41 : memref<256x128xf32, #tpu.memory_space<vmem>>) offsets(%arg38 : memref<256xi32, #tpu.memory_space<vmem>>) semaphore(%arg44 : memref<!tpu.dma_semaphore, #tpu.memory_space<semaphore_mem>>)
    %dma_wait3A_287 = arith.constant 0 : i32
    %dma_wait3A_288 = arith.constant 0 : i32
    %dma_wait3A_289 = tpu.memref_slice %arg3[%dma_wait3A_287, %dma_wait3A_288] : memref<256x128xf32, #tpu.memory_space<hbm>> -> memref<256x128xf32, #tpu.memory_space<hbm>>
    tpu.wait_indirect_dma semaphore(%arg43 : memref<!tpu.dma_semaphore, #tpu.memory_space<semaphore_mem>>) src(%dma_wait3A_289 : memref<256x128xf32, #tpu.memory_space<hbm>>) dst(%arg40 : memref<256x128xf32, #tpu.memory_space<vmem>>)
    %dma_start3A_290 = arith.constant 0 : i32
    %dma_start3A_291 = tpu.memref_slice %arg20[%add3A_276, %dma_start3A_290] : memref<16384x128xf32, #tpu.memory_space<hbm>> -> memref<256x128xf32, #tpu.memory_space<hbm>>
    %dma_start3A_292 = arith.constant 0 : i32
    %dma_start3A_293 = tpu.memref_slice %arg20[%add3A_276, %dma_start3A_292] : memref<16384x128xf32, #tpu.memory_space<hbm>> -> memref<256x128xf32, #tpu.memory_space<hbm>>
    tpu.enqueue_dma source(%arg40 : memref<256x128xf32, #tpu.memory_space<vmem>>) target(%dma_start3A_293 : memref<256x128xf32, #tpu.memory_space<hbm>>) target_semaphore(%arg46 : memref<!tpu.dma_semaphore, #tpu.memory_space<semaphore_mem>>)
    %add3A_294 = arith.constant 32768 : i32
    %add3A_295 = arith.addi %add3A_294, %add3A_276 : i32
    "tpu.region"() ({
      %run_scoped3A = tpu.sem_alloc : memref<!tpu.dma_semaphore, #tpu.memory_space<semaphore_mem>>
      %dma_start3A_549 = tpu.memref_slice %arg2[%add3A_295] : memref<278528xi32, #tpu.memory_space<hbm>> -> memref<256xi32, #tpu.memory_space<hbm>>
      %dma_start3A_550 = tpu.memref_slice %arg2[%add3A_295] : memref<278528xi32, #tpu.memory_space<hbm>> -> memref<256xi32, #tpu.memory_space<hbm>>
      tpu.enqueue_dma source(%dma_start3A_550 : memref<256xi32, #tpu.memory_space<hbm>>) target(%arg39 : memref<256xi32, #tpu.memory_space<vmem>>) target_semaphore(%run_scoped3A : memref<!tpu.dma_semaphore, #tpu.memory_space<semaphore_mem>>)
      %dma_wait3A_551 = tpu.memref_slice %arg2[%add3A_295] : memref<278528xi32, #tpu.memory_space<hbm>> -> memref<256xi32, #tpu.memory_space<hbm>>
      %dma_wait3A_552 = tpu.memref_slice %arg2[%add3A_295] : memref<278528xi32, #tpu.memory_space<hbm>> -> memref<256xi32, #tpu.memory_space<hbm>>
      tpu.wait_dma2 semaphore(%run_scoped3A : memref<!tpu.dma_semaphore, #tpu.memory_space<semaphore_mem>>) src(%dma_wait3A_552 : memref<256xi32, #tpu.memory_space<hbm>>) dst(%arg39 : memref<256xi32, #tpu.memory_space<vmem>>)
      tpu.yield
    }) : () -> ()
    %dma_start3A_296 = arith.constant 0 : i32
    %dma_start3A_297 = arith.constant 0 : i32
    %dma_start3A_298 = tpu.memref_slice %arg5[%dma_start3A_296, %dma_start3A_297] : memref<256x128xf32, #tpu.memory_space<hbm>> -> memref<256x128xf32, #tpu.memory_space<hbm>>
    tpu.enqueue_indirect_dma source(%dma_start3A_298 : memref<256x128xf32, #tpu.memory_space<hbm>>) target(%arg42 : memref<256x128xf32, #tpu.memory_space<vmem>>) offsets(%arg39 : memref<256xi32, #tpu.memory_space<vmem>>) semaphore(%arg45 : memref<!tpu.dma_semaphore, #tpu.memory_space<semaphore_mem>>)
    %dma_wait3A_299 = arith.constant 0 : i32
    %dma_wait3A_300 = arith.constant 0 : i32
    %dma_wait3A_301 = tpu.memref_slice %arg4[%dma_wait3A_299, %dma_wait3A_300] : memref<256x128xf32, #tpu.memory_space<hbm>> -> memref<256x128xf32, #tpu.memory_space<hbm>>
    tpu.wait_indirect_dma semaphore(%arg44 : memref<!tpu.dma_semaphore, #tpu.memory_space<semaphore_mem>>) src(%dma_wait3A_301 : memref<256x128xf32, #tpu.memory_space<hbm>>) dst(%arg41 : memref<256x128xf32, #tpu.memory_space<vmem>>)
    %dma_start3A_302 = arith.constant 0 : i32
    %dma_start3A_303 = tpu.memref_slice %arg21[%add3A_276, %dma_start3A_302] : memref<16384x128xf32, #tpu.memory_space<hbm>> -> memref<256x128xf32, #tpu.memory_space<hbm>>
    %dma_start3A_304 = arith.constant 0 : i32
    %dma_start3A_305 = tpu.memref_slice %arg21[%add3A_276, %dma_start3A_304] : memref<16384x128xf32, #tpu.memory_space<hbm>> -> memref<256x128xf32, #tpu.memory_space<hbm>>
    tpu.enqueue_dma source(%arg41 : memref<256x128xf32, #tpu.memory_space<vmem>>) target(%dma_start3A_305 : memref<256x128xf32, #tpu.memory_space<hbm>>) target_semaphore(%arg47 : memref<!tpu.dma_semaphore, #tpu.memory_space<semaphore_mem>>)
    %dma_wait3A_306 = arith.constant 0 : i32
    %dma_wait3A_307 = tpu.memref_slice %arg20[%add3A_276, %dma_wait3A_306] : memref<16384x128xf32, #tpu.memory_space<hbm>> -> memref<256x128xf32, #tpu.memory_space<hbm>>
    %dma_wait3A_308 = arith.constant 0 : i32
    %dma_wait3A_309 = tpu.memref_slice %arg20[%add3A_276, %dma_wait3A_308] : memref<16384x128xf32, #tpu.memory_space<hbm>> -> memref<256x128xf32, #tpu.memory_space<hbm>>
    tpu.wait_dma2 semaphore(%arg46 : memref<!tpu.dma_semaphore, #tpu.memory_space<semaphore_mem>>) src(%arg40 : memref<256x128xf32, #tpu.memory_space<vmem>>) dst(%dma_wait3A_309 : memref<256x128xf32, #tpu.memory_space<hbm>>)
    %add3A_310 = arith.constant 49152 : i32
    %add3A_311 = arith.addi %add3A_310, %add3A_276 : i32
    "tpu.region"() ({
      %run_scoped3A = tpu.sem_alloc : memref<!tpu.dma_semaphore, #tpu.memory_space<semaphore_mem>>
      %dma_start3A_549 = tpu.memref_slice %arg2[%add3A_311] : memref<278528xi32, #tpu.memory_space<hbm>> -> memref<256xi32, #tpu.memory_space<hbm>>
      %dma_start3A_550 = tpu.memref_slice %arg2[%add3A_311] : memref<278528xi32, #tpu.memory_space<hbm>> -> memref<256xi32, #tpu.memory_space<hbm>>
      tpu.enqueue_dma source(%dma_start3A_550 : memref<256xi32, #tpu.memory_space<hbm>>) target(%arg37 : memref<256xi32, #tpu.memory_space<vmem>>) target_semaphore(%run_scoped3A : memref<!tpu.dma_semaphore, #tpu.memory_space<semaphore_mem>>)
      %dma_wait3A_551 = tpu.memref_slice %arg2[%add3A_311] : memref<278528xi32, #tpu.memory_space<hbm>> -> memref<256xi32, #tpu.memory_space<hbm>>
      %dma_wait3A_552 = tpu.memref_slice %arg2[%add3A_311] : memref<278528xi32, #tpu.memory_space<hbm>> -> memref<256xi32, #tpu.memory_space<hbm>>
      tpu.wait_dma2 semaphore(%run_scoped3A : memref<!tpu.dma_semaphore, #tpu.memory_space<semaphore_mem>>) src(%dma_wait3A_552 : memref<256xi32, #tpu.memory_space<hbm>>) dst(%arg37 : memref<256xi32, #tpu.memory_space<vmem>>)
      tpu.yield
    }) : () -> ()
    %dma_start3A_312 = arith.constant 0 : i32
    %dma_start3A_313 = arith.constant 0 : i32
    %dma_start3A_314 = tpu.memref_slice %arg6[%dma_start3A_312, %dma_start3A_313] : memref<256x128xf32, #tpu.memory_space<hbm>> -> memref<256x128xf32, #tpu.memory_space<hbm>>
    tpu.enqueue_indirect_dma source(%dma_start3A_314 : memref<256x128xf32, #tpu.memory_space<hbm>>) target(%arg40 : memref<256x128xf32, #tpu.memory_space<vmem>>) offsets(%arg37 : memref<256xi32, #tpu.memory_space<vmem>>) semaphore(%arg43 : memref<!tpu.dma_semaphore, #tpu.memory_space<semaphore_mem>>)
    %dma_wait3A_315 = arith.constant 0 : i32
    %dma_wait3A_316 = arith.constant 0 : i32
    %dma_wait3A_317 = tpu.memref_slice %arg5[%dma_wait3A_315, %dma_wait3A_316] : memref<256x128xf32, #tpu.memory_space<hbm>> -> memref<256x128xf32, #tpu.memory_space<hbm>>
    tpu.wait_indirect_dma semaphore(%arg45 : memref<!tpu.dma_semaphore, #tpu.memory_space<semaphore_mem>>) src(%dma_wait3A_317 : memref<256x128xf32, #tpu.memory_space<hbm>>) dst(%arg42 : memref<256x128xf32, #tpu.memory_space<vmem>>)
    %dma_start3A_318 = arith.constant 0 : i32
    %dma_start3A_319 = tpu.memref_slice %arg22[%add3A_276, %dma_start3A_318] : memref<16384x128xf32, #tpu.memory_space<hbm>> -> memref<256x128xf32, #tpu.memory_space<hbm>>
    %dma_start3A_320 = arith.constant 0 : i32
    %dma_start3A_321 = tpu.memref_slice %arg22[%add3A_276, %dma_start3A_320] : memref<16384x128xf32, #tpu.memory_space<hbm>> -> memref<256x128xf32, #tpu.memory_space<hbm>>
    tpu.enqueue_dma source(%arg42 : memref<256x128xf32, #tpu.memory_space<vmem>>) target(%dma_start3A_321 : memref<256x128xf32, #tpu.memory_space<hbm>>) target_semaphore(%arg48 : memref<!tpu.dma_semaphore, #tpu.memory_space<semaphore_mem>>)
    %dma_wait3A_322 = arith.constant 0 : i32
    %dma_wait3A_323 = tpu.memref_slice %arg21[%add3A_276, %dma_wait3A_322] : memref<16384x128xf32, #tpu.memory_space<hbm>> -> memref<256x128xf32, #tpu.memory_space<hbm>>
    %dma_wait3A_324 = arith.constant 0 : i32
    %dma_wait3A_325 = tpu.memref_slice %arg21[%add3A_276, %dma_wait3A_324] : memref<16384x128xf32, #tpu.memory_space<hbm>> -> memref<256x128xf32, #tpu.memory_space<hbm>>
    tpu.wait_dma2 semaphore(%arg47 : memref<!tpu.dma_semaphore, #tpu.memory_space<semaphore_mem>>) src(%arg41 : memref<256x128xf32, #tpu.memory_space<vmem>>) dst(%dma_wait3A_325 : memref<256x128xf32, #tpu.memory_space<hbm>>)
    %add3A_326 = arith.constant 65536 : i32
    %add3A_327 = arith.addi %add3A_326, %add3A_276 : i32
    "tpu.region"() ({
      %run_scoped3A = tpu.sem_alloc : memref<!tpu.dma_semaphore, #tpu.memory_space<semaphore_mem>>
      %dma_start3A_549 = tpu.memref_slice %arg2[%add3A_327] : memref<278528xi32, #tpu.memory_space<hbm>> -> memref<256xi32, #tpu.memory_space<hbm>>
      %dma_start3A_550 = tpu.memref_slice %arg2[%add3A_327] : memref<278528xi32, #tpu.memory_space<hbm>> -> memref<256xi32, #tpu.memory_space<hbm>>
      tpu.enqueue_dma source(%dma_start3A_550 : memref<256xi32, #tpu.memory_space<hbm>>) target(%arg38 : memref<256xi32, #tpu.memory_space<vmem>>) target_semaphore(%run_scoped3A : memref<!tpu.dma_semaphore, #tpu.memory_space<semaphore_mem>>)
      %dma_wait3A_551 = tpu.memref_slice %arg2[%add3A_327] : memref<278528xi32, #tpu.memory_space<hbm>> -> memref<256xi32, #tpu.memory_space<hbm>>
      %dma_wait3A_552 = tpu.memref_slice %arg2[%add3A_327] : memref<278528xi32, #tpu.memory_space<hbm>> -> memref<256xi32, #tpu.memory_space<hbm>>
      tpu.wait_dma2 semaphore(%run_scoped3A : memref<!tpu.dma_semaphore, #tpu.memory_space<semaphore_mem>>) src(%dma_wait3A_552 : memref<256xi32, #tpu.memory_space<hbm>>) dst(%arg38 : memref<256xi32, #tpu.memory_space<vmem>>)
      tpu.yield
    }) : () -> ()
    %dma_start3A_328 = arith.constant 0 : i32
    %dma_start3A_329 = arith.constant 0 : i32
    %dma_start3A_330 = tpu.memref_slice %arg7[%dma_start3A_328, %dma_start3A_329] : memref<256x128xf32, #tpu.memory_space<hbm>> -> memref<256x128xf32, #tpu.memory_space<hbm>>
    tpu.enqueue_indirect_dma source(%dma_start3A_330 : memref<256x128xf32, #tpu.memory_space<hbm>>) target(%arg41 : memref<256x128xf32, #tpu.memory_space<vmem>>) offsets(%arg38 : memref<256xi32, #tpu.memory_space<vmem>>) semaphore(%arg44 : memref<!tpu.dma_semaphore, #tpu.memory_space<semaphore_mem>>)
    %dma_wait3A_331 = arith.constant 0 : i32
    %dma_wait3A_332 = arith.constant 0 : i32
    %dma_wait3A_333 = tpu.memref_slice %arg6[%dma_wait3A_331, %dma_wait3A_332] : memref<256x128xf32, #tpu.memory_space<hbm>> -> memref<256x128xf32, #tpu.memory_space<hbm>>
    tpu.wait_indirect_dma semaphore(%arg43 : memref<!tpu.dma_semaphore, #tpu.memory_space<semaphore_mem>>) src(%dma_wait3A_333 : memref<256x128xf32, #tpu.memory_space<hbm>>) dst(%arg40 : memref<256x128xf32, #tpu.memory_space<vmem>>)
    %dma_start3A_334 = arith.constant 0 : i32
    %dma_start3A_335 = tpu.memref_slice %arg23[%add3A_276, %dma_start3A_334] : memref<16384x128xf32, #tpu.memory_space<hbm>> -> memref<256x128xf32, #tpu.memory_space<hbm>>
    %dma_start3A_336 = arith.constant 0 : i32
    %dma_start3A_337 = tpu.memref_slice %arg23[%add3A_276, %dma_start3A_336] : memref<16384x128xf32, #tpu.memory_space<hbm>> -> memref<256x128xf32, #tpu.memory_space<hbm>>
    tpu.enqueue_dma source(%arg40 : memref<256x128xf32, #tpu.memory_space<vmem>>) target(%dma_start3A_337 : memref<256x128xf32, #tpu.memory_space<hbm>>) target_semaphore(%arg46 : memref<!tpu.dma_semaphore, #tpu.memory_space<semaphore_mem>>)
    %dma_wait3A_338 = arith.constant 0 : i32
    %dma_wait3A_339 = tpu.memref_slice %arg22[%add3A_276, %dma_wait3A_338] : memref<16384x128xf32, #tpu.memory_space<hbm>> -> memref<256x128xf32, #tpu.memory_space<hbm>>
    %dma_wait3A_340 = arith.constant 0 : i32
    %dma_wait3A_341 = tpu.memref_slice %arg22[%add3A_276, %dma_wait3A_340] : memref<16384x128xf32, #tpu.memory_space<hbm>> -> memref<256x128xf32, #tpu.memory_space<hbm>>
    tpu.wait_dma2 semaphore(%arg48 : memref<!tpu.dma_semaphore, #tpu.memory_space<semaphore_mem>>) src(%arg42 : memref<256x128xf32, #tpu.memory_space<vmem>>) dst(%dma_wait3A_341 : memref<256x128xf32, #tpu.memory_space<hbm>>)
    %add3A_342 = arith.constant 81920 : i32
    %add3A_343 = arith.addi %add3A_342, %add3A_276 : i32
    "tpu.region"() ({
      %run_scoped3A = tpu.sem_alloc : memref<!tpu.dma_semaphore, #tpu.memory_space<semaphore_mem>>
      %dma_start3A_549 = tpu.memref_slice %arg2[%add3A_343] : memref<278528xi32, #tpu.memory_space<hbm>> -> memref<256xi32, #tpu.memory_space<hbm>>
      %dma_start3A_550 = tpu.memref_slice %arg2[%add3A_343] : memref<278528xi32, #tpu.memory_space<hbm>> -> memref<256xi32, #tpu.memory_space<hbm>>
      tpu.enqueue_dma source(%dma_start3A_550 : memref<256xi32, #tpu.memory_space<hbm>>) target(%arg39 : memref<256xi32, #tpu.memory_space<vmem>>) target_semaphore(%run_scoped3A : memref<!tpu.dma_semaphore, #tpu.memory_space<semaphore_mem>>)
      %dma_wait3A_551 = tpu.memref_slice %arg2[%add3A_343] : memref<278528xi32, #tpu.memory_space<hbm>> -> memref<256xi32, #tpu.memory_space<hbm>>
      %dma_wait3A_552 = tpu.memref_slice %arg2[%add3A_343] : memref<278528xi32, #tpu.memory_space<hbm>> -> memref<256xi32, #tpu.memory_space<hbm>>
      tpu.wait_dma2 semaphore(%run_scoped3A : memref<!tpu.dma_semaphore, #tpu.memory_space<semaphore_mem>>) src(%dma_wait3A_552 : memref<256xi32, #tpu.memory_space<hbm>>) dst(%arg39 : memref<256xi32, #tpu.memory_space<vmem>>)
      tpu.yield
    }) : () -> ()
    %dma_start3A_344 = arith.constant 0 : i32
    %dma_start3A_345 = arith.constant 0 : i32
    %dma_start3A_346 = tpu.memref_slice %arg8[%dma_start3A_344, %dma_start3A_345] : memref<256x128xf32, #tpu.memory_space<hbm>> -> memref<256x128xf32, #tpu.memory_space<hbm>>
    tpu.enqueue_indirect_dma source(%dma_start3A_346 : memref<256x128xf32, #tpu.memory_space<hbm>>) target(%arg42 : memref<256x128xf32, #tpu.memory_space<vmem>>) offsets(%arg39 : memref<256xi32, #tpu.memory_space<vmem>>) semaphore(%arg45 : memref<!tpu.dma_semaphore, #tpu.memory_space<semaphore_mem>>)
    %dma_wait3A_347 = arith.constant 0 : i32
    %dma_wait3A_348 = arith.constant 0 : i32
    %dma_wait3A_349 = tpu.memref_slice %arg7[%dma_wait3A_347, %dma_wait3A_348] : memref<256x128xf32, #tpu.memory_space<hbm>> -> memref<256x128xf32, #tpu.memory_space<hbm>>
    tpu.wait_indirect_dma semaphore(%arg44 : memref<!tpu.dma_semaphore, #tpu.memory_space<semaphore_mem>>) src(%dma_wait3A_349 : memref<256x128xf32, #tpu.memory_space<hbm>>) dst(%arg41 : memref<256x128xf32, #tpu.memory_space<vmem>>)
    %dma_start3A_350 = arith.constant 0 : i32
    %dma_start3A_351 = tpu.memref_slice %arg24[%add3A_276, %dma_start3A_350] : memref<16384x128xf32, #tpu.memory_space<hbm>> -> memref<256x128xf32, #tpu.memory_space<hbm>>
    %dma_start3A_352 = arith.constant 0 : i32
    %dma_start3A_353 = tpu.memref_slice %arg24[%add3A_276, %dma_start3A_352] : memref<16384x128xf32, #tpu.memory_space<hbm>> -> memref<256x128xf32, #tpu.memory_space<hbm>>
    tpu.enqueue_dma source(%arg41 : memref<256x128xf32, #tpu.memory_space<vmem>>) target(%dma_start3A_353 : memref<256x128xf32, #tpu.memory_space<hbm>>) target_semaphore(%arg47 : memref<!tpu.dma_semaphore, #tpu.memory_space<semaphore_mem>>)
    %dma_wait3A_354 = arith.constant 0 : i32
    %dma_wait3A_355 = tpu.memref_slice %arg23[%add3A_276, %dma_wait3A_354] : memref<16384x128xf32, #tpu.memory_space<hbm>> -> memref<256x128xf32, #tpu.memory_space<hbm>>
    %dma_wait3A_356 = arith.constant 0 : i32
    %dma_wait3A_357 = tpu.memref_slice %arg23[%add3A_276, %dma_wait3A_356] : memref<16384x128xf32, #tpu.memory_space<hbm>> -> memref<256x128xf32, #tpu.memory_space<hbm>>
    tpu.wait_dma2 semaphore(%arg46 : memref<!tpu.dma_semaphore, #tpu.memory_space<semaphore_mem>>) src(%arg40 : memref<256x128xf32, #tpu.memory_space<vmem>>) dst(%dma_wait3A_357 : memref<256x128xf32, #tpu.memory_space<hbm>>)
    %add3A_358 = arith.constant 98304 : i32
    %add3A_359 = arith.addi %add3A_358, %add3A_276 : i32
    "tpu.region"() ({
      %run_scoped3A = tpu.sem_alloc : memref<!tpu.dma_semaphore, #tpu.memory_space<semaphore_mem>>
      %dma_start3A_549 = tpu.memref_slice %arg2[%add3A_359] : memref<278528xi32, #tpu.memory_space<hbm>> -> memref<256xi32, #tpu.memory_space<hbm>>
      %dma_start3A_550 = tpu.memref_slice %arg2[%add3A_359] : memref<278528xi32, #tpu.memory_space<hbm>> -> memref<256xi32, #tpu.memory_space<hbm>>
      tpu.enqueue_dma source(%dma_start3A_550 : memref<256xi32, #tpu.memory_space<hbm>>) target(%arg37 : memref<256xi32, #tpu.memory_space<vmem>>) target_semaphore(%run_scoped3A : memref<!tpu.dma_semaphore, #tpu.memory_space<semaphore_mem>>)
      %dma_wait3A_551 = tpu.memref_slice %arg2[%add3A_359] : memref<278528xi32, #tpu.memory_space<hbm>> -> memref<256xi32, #tpu.memory_space<hbm>>
      %dma_wait3A_552 = tpu.memref_slice %arg2[%add3A_359] : memref<278528xi32, #tpu.memory_space<hbm>> -> memref<256xi32, #tpu.memory_space<hbm>>
      tpu.wait_dma2 semaphore(%run_scoped3A : memref<!tpu.dma_semaphore, #tpu.memory_space<semaphore_mem>>) src(%dma_wait3A_552 : memref<256xi32, #tpu.memory_space<hbm>>) dst(%arg37 : memref<256xi32, #tpu.memory_space<vmem>>)
      tpu.yield
    }) : () -> ()
    %dma_start3A_360 = arith.constant 0 : i32
    %dma_start3A_361 = arith.constant 0 : i32
    %dma_start3A_362 = tpu.memref_slice %arg9[%dma_start3A_360, %dma_start3A_361] : memref<256x128xf32, #tpu.memory_space<hbm>> -> memref<256x128xf32, #tpu.memory_space<hbm>>
    tpu.enqueue_indirect_dma source(%dma_start3A_362 : memref<256x128xf32, #tpu.memory_space<hbm>>) target(%arg40 : memref<256x128xf32, #tpu.memory_space<vmem>>) offsets(%arg37 : memref<256xi32, #tpu.memory_space<vmem>>) semaphore(%arg43 : memref<!tpu.dma_semaphore, #tpu.memory_space<semaphore_mem>>)
    %dma_wait3A_363 = arith.constant 0 : i32
    %dma_wait3A_364 = arith.constant 0 : i32
    %dma_wait3A_365 = tpu.memref_slice %arg8[%dma_wait3A_363, %dma_wait3A_364] : memref<256x128xf32, #tpu.memory_space<hbm>> -> memref<256x128xf32, #tpu.memory_space<hbm>>
    tpu.wait_indirect_dma semaphore(%arg45 : memref<!tpu.dma_semaphore, #tpu.memory_space<semaphore_mem>>) src(%dma_wait3A_365 : memref<256x128xf32, #tpu.memory_space<hbm>>) dst(%arg42 : memref<256x128xf32, #tpu.memory_space<vmem>>)
    %dma_start3A_366 = arith.constant 0 : i32
    %dma_start3A_367 = tpu.memref_slice %arg25[%add3A_276, %dma_start3A_366] : memref<16384x128xf32, #tpu.memory_space<hbm>> -> memref<256x128xf32, #tpu.memory_space<hbm>>
    %dma_start3A_368 = arith.constant 0 : i32
    %dma_start3A_369 = tpu.memref_slice %arg25[%add3A_276, %dma_start3A_368] : memref<16384x128xf32, #tpu.memory_space<hbm>> -> memref<256x128xf32, #tpu.memory_space<hbm>>
    tpu.enqueue_dma source(%arg42 : memref<256x128xf32, #tpu.memory_space<vmem>>) target(%dma_start3A_369 : memref<256x128xf32, #tpu.memory_space<hbm>>) target_semaphore(%arg48 : memref<!tpu.dma_semaphore, #tpu.memory_space<semaphore_mem>>)
    %dma_wait3A_370 = arith.constant 0 : i32
    %dma_wait3A_371 = tpu.memref_slice %arg24[%add3A_276, %dma_wait3A_370] : memref<16384x128xf32, #tpu.memory_space<hbm>> -> memref<256x128xf32, #tpu.memory_space<hbm>>
    %dma_wait3A_372 = arith.constant 0 : i32
    %dma_wait3A_373 = tpu.memref_slice %arg24[%add3A_276, %dma_wait3A_372] : memref<16384x128xf32, #tpu.memory_space<hbm>> -> memref<256x128xf32, #tpu.memory_space<hbm>>
    tpu.wait_dma2 semaphore(%arg47 : memref<!tpu.dma_semaphore, #tpu.memory_space<semaphore_mem>>) src(%arg41 : memref<256x128xf32, #tpu.memory_space<vmem>>) dst(%dma_wait3A_373 : memref<256x128xf32, #tpu.memory_space<hbm>>)
    %add3A_374 = arith.constant 114688 : i32
    %add3A_375 = arith.addi %add3A_374, %add3A_276 : i32
    "tpu.region"() ({
      %run_scoped3A = tpu.sem_alloc : memref<!tpu.dma_semaphore, #tpu.memory_space<semaphore_mem>>
      %dma_start3A_549 = tpu.memref_slice %arg2[%add3A_375] : memref<278528xi32, #tpu.memory_space<hbm>> -> memref<256xi32, #tpu.memory_space<hbm>>
      %dma_start3A_550 = tpu.memref_slice %arg2[%add3A_375] : memref<278528xi32, #tpu.memory_space<hbm>> -> memref<256xi32, #tpu.memory_space<hbm>>
      tpu.enqueue_dma source(%dma_start3A_550 : memref<256xi32, #tpu.memory_space<hbm>>) target(%arg38 : memref<256xi32, #tpu.memory_space<vmem>>) target_semaphore(%run_scoped3A : memref<!tpu.dma_semaphore, #tpu.memory_space<semaphore_mem>>)
      %dma_wait3A_551 = tpu.memref_slice %arg2[%add3A_375] : memref<278528xi32, #tpu.memory_space<hbm>> -> memref<256xi32, #tpu.memory_space<hbm>>
      %dma_wait3A_552 = tpu.memref_slice %arg2[%add3A_375] : memref<278528xi32, #tpu.memory_space<hbm>> -> memref<256xi32, #tpu.memory_space<hbm>>
      tpu.wait_dma2 semaphore(%run_scoped3A : memref<!tpu.dma_semaphore, #tpu.memory_space<semaphore_mem>>) src(%dma_wait3A_552 : memref<256xi32, #tpu.memory_space<hbm>>) dst(%arg38 : memref<256xi32, #tpu.memory_space<vmem>>)
      tpu.yield
    }) : () -> ()
    %dma_start3A_376 = arith.constant 0 : i32
    %dma_start3A_377 = arith.constant 0 : i32
    %dma_start3A_378 = tpu.memref_slice %arg10[%dma_start3A_376, %dma_start3A_377] : memref<256x128xf32, #tpu.memory_space<hbm>> -> memref<256x128xf32, #tpu.memory_space<hbm>>
    tpu.enqueue_indirect_dma source(%dma_start3A_378 : memref<256x128xf32, #tpu.memory_space<hbm>>) target(%arg41 : memref<256x128xf32, #tpu.memory_space<vmem>>) offsets(%arg38 : memref<256xi32, #tpu.memory_space<vmem>>) semaphore(%arg44 : memref<!tpu.dma_semaphore, #tpu.memory_space<semaphore_mem>>)
    %dma_wait3A_379 = arith.constant 0 : i32
    %dma_wait3A_380 = arith.constant 0 : i32
    %dma_wait3A_381 = tpu.memref_slice %arg9[%dma_wait3A_379, %dma_wait3A_380] : memref<256x128xf32, #tpu.memory_space<hbm>> -> memref<256x128xf32, #tpu.memory_space<hbm>>
    tpu.wait_indirect_dma semaphore(%arg43 : memref<!tpu.dma_semaphore, #tpu.memory_space<semaphore_mem>>) src(%dma_wait3A_381 : memref<256x128xf32, #tpu.memory_space<hbm>>) dst(%arg40 : memref<256x128xf32, #tpu.memory_space<vmem>>)
    %dma_start3A_382 = arith.constant 0 : i32
    %dma_start3A_383 = tpu.memref_slice %arg26[%add3A_276, %dma_start3A_382] : memref<16384x128xf32, #tpu.memory_space<hbm>> -> memref<256x128xf32, #tpu.memory_space<hbm>>
    %dma_start3A_384 = arith.constant 0 : i32
    %dma_start3A_385 = tpu.memref_slice %arg26[%add3A_276, %dma_start3A_384] : memref<16384x128xf32, #tpu.memory_space<hbm>> -> memref<256x128xf32, #tpu.memory_space<hbm>>
    tpu.enqueue_dma source(%arg40 : memref<256x128xf32, #tpu.memory_space<vmem>>) target(%dma_start3A_385 : memref<256x128xf32, #tpu.memory_space<hbm>>) target_semaphore(%arg46 : memref<!tpu.dma_semaphore, #tpu.memory_space<semaphore_mem>>)
    %dma_wait3A_386 = arith.constant 0 : i32
    %dma_wait3A_387 = tpu.memref_slice %arg25[%add3A_276, %dma_wait3A_386] : memref<16384x128xf32, #tpu.memory_space<hbm>> -> memref<256x128xf32, #tpu.memory_space<hbm>>
    %dma_wait3A_388 = arith.constant 0 : i32
    %dma_wait3A_389 = tpu.memref_slice %arg25[%add3A_276, %dma_wait3A_388] : memref<16384x128xf32, #tpu.memory_space<hbm>> -> memref<256x128xf32, #tpu.memory_space<hbm>>
    tpu.wait_dma2 semaphore(%arg48 : memref<!tpu.dma_semaphore, #tpu.memory_space<semaphore_mem>>) src(%arg42 : memref<256x128xf32, #tpu.memory_space<vmem>>) dst(%dma_wait3A_389 : memref<256x128xf32, #tpu.memory_space<hbm>>)
    %add3A_390 = arith.constant 131072 : i32
    %add3A_391 = arith.addi %add3A_390, %add3A_276 : i32
    "tpu.region"() ({
      %run_scoped3A = tpu.sem_alloc : memref<!tpu.dma_semaphore, #tpu.memory_space<semaphore_mem>>
      %dma_start3A_549 = tpu.memref_slice %arg2[%add3A_391] : memref<278528xi32, #tpu.memory_space<hbm>> -> memref<256xi32, #tpu.memory_space<hbm>>
      %dma_start3A_550 = tpu.memref_slice %arg2[%add3A_391] : memref<278528xi32, #tpu.memory_space<hbm>> -> memref<256xi32, #tpu.memory_space<hbm>>
      tpu.enqueue_dma source(%dma_start3A_550 : memref<256xi32, #tpu.memory_space<hbm>>) target(%arg39 : memref<256xi32, #tpu.memory_space<vmem>>) target_semaphore(%run_scoped3A : memref<!tpu.dma_semaphore, #tpu.memory_space<semaphore_mem>>)
      %dma_wait3A_551 = tpu.memref_slice %arg2[%add3A_391] : memref<278528xi32, #tpu.memory_space<hbm>> -> memref<256xi32, #tpu.memory_space<hbm>>
      %dma_wait3A_552 = tpu.memref_slice %arg2[%add3A_391] : memref<278528xi32, #tpu.memory_space<hbm>> -> memref<256xi32, #tpu.memory_space<hbm>>
      tpu.wait_dma2 semaphore(%run_scoped3A : memref<!tpu.dma_semaphore, #tpu.memory_space<semaphore_mem>>) src(%dma_wait3A_552 : memref<256xi32, #tpu.memory_space<hbm>>) dst(%arg39 : memref<256xi32, #tpu.memory_space<vmem>>)
      tpu.yield
    }) : () -> ()
    %dma_start3A_392 = arith.constant 0 : i32
    %dma_start3A_393 = arith.constant 0 : i32
    %dma_start3A_394 = tpu.memref_slice %arg11[%dma_start3A_392, %dma_start3A_393] : memref<256x128xf32, #tpu.memory_space<hbm>> -> memref<256x128xf32, #tpu.memory_space<hbm>>
    tpu.enqueue_indirect_dma source(%dma_start3A_394 : memref<256x128xf32, #tpu.memory_space<hbm>>) target(%arg42 : memref<256x128xf32, #tpu.memory_space<vmem>>) offsets(%arg39 : memref<256xi32, #tpu.memory_space<vmem>>) semaphore(%arg45 : memref<!tpu.dma_semaphore, #tpu.memory_space<semaphore_mem>>)
    %dma_wait3A_395 = arith.constant 0 : i32
    %dma_wait3A_396 = arith.constant 0 : i32
    %dma_wait3A_397 = tpu.memref_slice %arg10[%dma_wait3A_395, %dma_wait3A_396] : memref<256x128xf32, #tpu.memory_space<hbm>> -> memref<256x128xf32, #tpu.memory_space<hbm>>
    tpu.wait_indirect_dma semaphore(%arg44 : memref<!tpu.dma_semaphore, #tpu.memory_space<semaphore_mem>>) src(%dma_wait3A_397 : memref<256x128xf32, #tpu.memory_space<hbm>>) dst(%arg41 : memref<256x128xf32, #tpu.memory_space<vmem>>)
    %dma_start3A_398 = arith.constant 0 : i32
    %dma_start3A_399 = tpu.memref_slice %arg27[%add3A_276, %dma_start3A_398] : memref<16384x128xf32, #tpu.memory_space<hbm>> -> memref<256x128xf32, #tpu.memory_space<hbm>>
    %dma_start3A_400 = arith.constant 0 : i32
    %dma_start3A_401 = tpu.memref_slice %arg27[%add3A_276, %dma_start3A_400] : memref<16384x128xf32, #tpu.memory_space<hbm>> -> memref<256x128xf32, #tpu.memory_space<hbm>>
    tpu.enqueue_dma source(%arg41 : memref<256x128xf32, #tpu.memory_space<vmem>>) target(%dma_start3A_401 : memref<256x128xf32, #tpu.memory_space<hbm>>) target_semaphore(%arg47 : memref<!tpu.dma_semaphore, #tpu.memory_space<semaphore_mem>>)
    %dma_wait3A_402 = arith.constant 0 : i32
    %dma_wait3A_403 = tpu.memref_slice %arg26[%add3A_276, %dma_wait3A_402] : memref<16384x128xf32, #tpu.memory_space<hbm>> -> memref<256x128xf32, #tpu.memory_space<hbm>>
    %dma_wait3A_404 = arith.constant 0 : i32
    %dma_wait3A_405 = tpu.memref_slice %arg26[%add3A_276, %dma_wait3A_404] : memref<16384x128xf32, #tpu.memory_space<hbm>> -> memref<256x128xf32, #tpu.memory_space<hbm>>
    tpu.wait_dma2 semaphore(%arg46 : memref<!tpu.dma_semaphore, #tpu.memory_space<semaphore_mem>>) src(%arg40 : memref<256x128xf32, #tpu.memory_space<vmem>>) dst(%dma_wait3A_405 : memref<256x128xf32, #tpu.memory_space<hbm>>)
    %add3A_406 = arith.constant 147456 : i32
    %add3A_407 = arith.addi %add3A_406, %add3A_276 : i32
    "tpu.region"() ({
      %run_scoped3A = tpu.sem_alloc : memref<!tpu.dma_semaphore, #tpu.memory_space<semaphore_mem>>
      %dma_start3A_549 = tpu.memref_slice %arg2[%add3A_407] : memref<278528xi32, #tpu.memory_space<hbm>> -> memref<256xi32, #tpu.memory_space<hbm>>
      %dma_start3A_550 = tpu.memref_slice %arg2[%add3A_407] : memref<278528xi32, #tpu.memory_space<hbm>> -> memref<256xi32, #tpu.memory_space<hbm>>
      tpu.enqueue_dma source(%dma_start3A_550 : memref<256xi32, #tpu.memory_space<hbm>>) target(%arg37 : memref<256xi32, #tpu.memory_space<vmem>>) target_semaphore(%run_scoped3A : memref<!tpu.dma_semaphore, #tpu.memory_space<semaphore_mem>>)
      %dma_wait3A_551 = tpu.memref_slice %arg2[%add3A_407] : memref<278528xi32, #tpu.memory_space<hbm>> -> memref<256xi32, #tpu.memory_space<hbm>>
      %dma_wait3A_552 = tpu.memref_slice %arg2[%add3A_407] : memref<278528xi32, #tpu.memory_space<hbm>> -> memref<256xi32, #tpu.memory_space<hbm>>
      tpu.wait_dma2 semaphore(%run_scoped3A : memref<!tpu.dma_semaphore, #tpu.memory_space<semaphore_mem>>) src(%dma_wait3A_552 : memref<256xi32, #tpu.memory_space<hbm>>) dst(%arg37 : memref<256xi32, #tpu.memory_space<vmem>>)
      tpu.yield
    }) : () -> ()
    %dma_start3A_408 = arith.constant 0 : i32
    %dma_start3A_409 = arith.constant 0 : i32
    %dma_start3A_410 = tpu.memref_slice %arg12[%dma_start3A_408, %dma_start3A_409] : memref<256x128xf32, #tpu.memory_space<hbm>> -> memref<256x128xf32, #tpu.memory_space<hbm>>
    tpu.enqueue_indirect_dma source(%dma_start3A_410 : memref<256x128xf32, #tpu.memory_space<hbm>>) target(%arg40 : memref<256x128xf32, #tpu.memory_space<vmem>>) offsets(%arg37 : memref<256xi32, #tpu.memory_space<vmem>>) semaphore(%arg43 : memref<!tpu.dma_semaphore, #tpu.memory_space<semaphore_mem>>)
    %dma_wait3A_411 = arith.constant 0 : i32
    %dma_wait3A_412 = arith.constant 0 : i32
    %dma_wait3A_413 = tpu.memref_slice %arg11[%dma_wait3A_411, %dma_wait3A_412] : memref<256x128xf32, #tpu.memory_space<hbm>> -> memref<256x128xf32, #tpu.memory_space<hbm>>
    tpu.wait_indirect_dma semaphore(%arg45 : memref<!tpu.dma_semaphore, #tpu.memory_space<semaphore_mem>>) src(%dma_wait3A_413 : memref<256x128xf32, #tpu.memory_space<hbm>>) dst(%arg42 : memref<256x128xf32, #tpu.memory_space<vmem>>)
    %dma_start3A_414 = arith.constant 0 : i32
    %dma_start3A_415 = tpu.memref_slice %arg28[%add3A_276, %dma_start3A_414] : memref<16384x128xf32, #tpu.memory_space<hbm>> -> memref<256x128xf32, #tpu.memory_space<hbm>>
    %dma_start3A_416 = arith.constant 0 : i32
    %dma_start3A_417 = tpu.memref_slice %arg28[%add3A_276, %dma_start3A_416] : memref<16384x128xf32, #tpu.memory_space<hbm>> -> memref<256x128xf32, #tpu.memory_space<hbm>>
    tpu.enqueue_dma source(%arg42 : memref<256x128xf32, #tpu.memory_space<vmem>>) target(%dma_start3A_417 : memref<256x128xf32, #tpu.memory_space<hbm>>) target_semaphore(%arg48 : memref<!tpu.dma_semaphore, #tpu.memory_space<semaphore_mem>>)
    %dma_wait3A_418 = arith.constant 0 : i32
    %dma_wait3A_419 = tpu.memref_slice %arg27[%add3A_276, %dma_wait3A_418] : memref<16384x128xf32, #tpu.memory_space<hbm>> -> memref<256x128xf32, #tpu.memory_space<hbm>>
    %dma_wait3A_420 = arith.constant 0 : i32
    %dma_wait3A_421 = tpu.memref_slice %arg27[%add3A_276, %dma_wait3A_420] : memref<16384x128xf32, #tpu.memory_space<hbm>> -> memref<256x128xf32, #tpu.memory_space<hbm>>
    tpu.wait_dma2 semaphore(%arg47 : memref<!tpu.dma_semaphore, #tpu.memory_space<semaphore_mem>>) src(%arg41 : memref<256x128xf32, #tpu.memory_space<vmem>>) dst(%dma_wait3A_421 : memref<256x128xf32, #tpu.memory_space<hbm>>)
    %add3A_422 = arith.constant 163840 : i32
    %add3A_423 = arith.addi %add3A_422, %add3A_276 : i32
    "tpu.region"() ({
      %run_scoped3A = tpu.sem_alloc : memref<!tpu.dma_semaphore, #tpu.memory_space<semaphore_mem>>
      %dma_start3A_549 = tpu.memref_slice %arg2[%add3A_423] : memref<278528xi32, #tpu.memory_space<hbm>> -> memref<256xi32, #tpu.memory_space<hbm>>
      %dma_start3A_550 = tpu.memref_slice %arg2[%add3A_423] : memref<278528xi32, #tpu.memory_space<hbm>> -> memref<256xi32, #tpu.memory_space<hbm>>
      tpu.enqueue_dma source(%dma_start3A_550 : memref<256xi32, #tpu.memory_space<hbm>>) target(%arg38 : memref<256xi32, #tpu.memory_space<vmem>>) target_semaphore(%run_scoped3A : memref<!tpu.dma_semaphore, #tpu.memory_space<semaphore_mem>>)
      %dma_wait3A_551 = tpu.memref_slice %arg2[%add3A_423] : memref<278528xi32, #tpu.memory_space<hbm>> -> memref<256xi32, #tpu.memory_space<hbm>>
      %dma_wait3A_552 = tpu.memref_slice %arg2[%add3A_423] : memref<278528xi32, #tpu.memory_space<hbm>> -> memref<256xi32, #tpu.memory_space<hbm>>
      tpu.wait_dma2 semaphore(%run_scoped3A : memref<!tpu.dma_semaphore, #tpu.memory_space<semaphore_mem>>) src(%dma_wait3A_552 : memref<256xi32, #tpu.memory_space<hbm>>) dst(%arg38 : memref<256xi32, #tpu.memory_space<vmem>>)
      tpu.yield
    }) : () -> ()
    %dma_start3A_424 = arith.constant 0 : i32
    %dma_start3A_425 = arith.constant 0 : i32
    %dma_start3A_426 = tpu.memref_slice %arg13[%dma_start3A_424, %dma_start3A_425] : memref<256x128xf32, #tpu.memory_space<hbm>> -> memref<256x128xf32, #tpu.memory_space<hbm>>
    tpu.enqueue_indirect_dma source(%dma_start3A_426 : memref<256x128xf32, #tpu.memory_space<hbm>>) target(%arg41 : memref<256x128xf32, #tpu.memory_space<vmem>>) offsets(%arg38 : memref<256xi32, #tpu.memory_space<vmem>>) semaphore(%arg44 : memref<!tpu.dma_semaphore, #tpu.memory_space<semaphore_mem>>)
    %dma_wait3A_427 = arith.constant 0 : i32
    %dma_wait3A_428 = arith.constant 0 : i32
    %dma_wait3A_429 = tpu.memref_slice %arg12[%dma_wait3A_427, %dma_wait3A_428] : memref<256x128xf32, #tpu.memory_space<hbm>> -> memref<256x128xf32, #tpu.memory_space<hbm>>
    tpu.wait_indirect_dma semaphore(%arg43 : memref<!tpu.dma_semaphore, #tpu.memory_space<semaphore_mem>>) src(%dma_wait3A_429 : memref<256x128xf32, #tpu.memory_space<hbm>>) dst(%arg40 : memref<256x128xf32, #tpu.memory_space<vmem>>)
    %dma_start3A_430 = arith.constant 0 : i32
    %dma_start3A_431 = tpu.memref_slice %arg29[%add3A_276, %dma_start3A_430] : memref<16384x128xf32, #tpu.memory_space<hbm>> -> memref<256x128xf32, #tpu.memory_space<hbm>>
    %dma_start3A_432 = arith.constant 0 : i32
    %dma_start3A_433 = tpu.memref_slice %arg29[%add3A_276, %dma_start3A_432] : memref<16384x128xf32, #tpu.memory_space<hbm>> -> memref<256x128xf32, #tpu.memory_space<hbm>>
    tpu.enqueue_dma source(%arg40 : memref<256x128xf32, #tpu.memory_space<vmem>>) target(%dma_start3A_433 : memref<256x128xf32, #tpu.memory_space<hbm>>) target_semaphore(%arg46 : memref<!tpu.dma_semaphore, #tpu.memory_space<semaphore_mem>>)
    %dma_wait3A_434 = arith.constant 0 : i32
    %dma_wait3A_435 = tpu.memref_slice %arg28[%add3A_276, %dma_wait3A_434] : memref<16384x128xf32, #tpu.memory_space<hbm>> -> memref<256x128xf32, #tpu.memory_space<hbm>>
    %dma_wait3A_436 = arith.constant 0 : i32
    %dma_wait3A_437 = tpu.memref_slice %arg28[%add3A_276, %dma_wait3A_436] : memref<16384x128xf32, #tpu.memory_space<hbm>> -> memref<256x128xf32, #tpu.memory_space<hbm>>
    tpu.wait_dma2 semaphore(%arg48 : memref<!tpu.dma_semaphore, #tpu.memory_space<semaphore_mem>>) src(%arg42 : memref<256x128xf32, #tpu.memory_space<vmem>>) dst(%dma_wait3A_437 : memref<256x128xf32, #tpu.memory_space<hbm>>)
    %add3A_438 = arith.constant 180224 : i32
    %add3A_439 = arith.addi %add3A_438, %add3A_276 : i32
    "tpu.region"() ({
      %run_scoped3A = tpu.sem_alloc : memref<!tpu.dma_semaphore, #tpu.memory_space<semaphore_mem>>
      %dma_start3A_549 = tpu.memref_slice %arg2[%add3A_439] : memref<278528xi32, #tpu.memory_space<hbm>> -> memref<256xi32, #tpu.memory_space<hbm>>
      %dma_start3A_550 = tpu.memref_slice %arg2[%add3A_439] : memref<278528xi32, #tpu.memory_space<hbm>> -> memref<256xi32, #tpu.memory_space<hbm>>
      tpu.enqueue_dma source(%dma_start3A_550 : memref<256xi32, #tpu.memory_space<hbm>>) target(%arg39 : memref<256xi32, #tpu.memory_space<vmem>>) target_semaphore(%run_scoped3A : memref<!tpu.dma_semaphore, #tpu.memory_space<semaphore_mem>>)
      %dma_wait3A_551 = tpu.memref_slice %arg2[%add3A_439] : memref<278528xi32, #tpu.memory_space<hbm>> -> memref<256xi32, #tpu.memory_space<hbm>>
      %dma_wait3A_552 = tpu.memref_slice %arg2[%add3A_439] : memref<278528xi32, #tpu.memory_space<hbm>> -> memref<256xi32, #tpu.memory_space<hbm>>
      tpu.wait_dma2 semaphore(%run_scoped3A : memref<!tpu.dma_semaphore, #tpu.memory_space<semaphore_mem>>) src(%dma_wait3A_552 : memref<256xi32, #tpu.memory_space<hbm>>) dst(%arg39 : memref<256xi32, #tpu.memory_space<vmem>>)
      tpu.yield
    }) : () -> ()
    %dma_start3A_440 = arith.constant 0 : i32
    %dma_start3A_441 = arith.constant 0 : i32
    %dma_start3A_442 = tpu.memref_slice %arg14[%dma_start3A_440, %dma_start3A_441] : memref<256x128xf32, #tpu.memory_space<hbm>> -> memref<256x128xf32, #tpu.memory_space<hbm>>
    tpu.enqueue_indirect_dma source(%dma_start3A_442 : memref<256x128xf32, #tpu.memory_space<hbm>>) target(%arg42 : memref<256x128xf32, #tpu.memory_space<vmem>>) offsets(%arg39 : memref<256xi32, #tpu.memory_space<vmem>>) semaphore(%arg45 : memref<!tpu.dma_semaphore, #tpu.memory_space<semaphore_mem>>)
    %dma_wait3A_443 = arith.constant 0 : i32
    %dma_wait3A_444 = arith.constant 0 : i32
    %dma_wait3A_445 = tpu.memref_slice %arg13[%dma_wait3A_443, %dma_wait3A_444] : memref<256x128xf32, #tpu.memory_space<hbm>> -> memref<256x128xf32, #tpu.memory_space<hbm>>
    tpu.wait_indirect_dma semaphore(%arg44 : memref<!tpu.dma_semaphore, #tpu.memory_space<semaphore_mem>>) src(%dma_wait3A_445 : memref<256x128xf32, #tpu.memory_space<hbm>>) dst(%arg41 : memref<256x128xf32, #tpu.memory_space<vmem>>)
    %dma_start3A_446 = arith.constant 0 : i32
    %dma_start3A_447 = tpu.memref_slice %arg30[%add3A_276, %dma_start3A_446] : memref<16384x128xf32, #tpu.memory_space<hbm>> -> memref<256x128xf32, #tpu.memory_space<hbm>>
    %dma_start3A_448 = arith.constant 0 : i32
    %dma_start3A_449 = tpu.memref_slice %arg30[%add3A_276, %dma_start3A_448] : memref<16384x128xf32, #tpu.memory_space<hbm>> -> memref<256x128xf32, #tpu.memory_space<hbm>>
    tpu.enqueue_dma source(%arg41 : memref<256x128xf32, #tpu.memory_space<vmem>>) target(%dma_start3A_449 : memref<256x128xf32, #tpu.memory_space<hbm>>) target_semaphore(%arg47 : memref<!tpu.dma_semaphore, #tpu.memory_space<semaphore_mem>>)
    %dma_wait3A_450 = arith.constant 0 : i32
    %dma_wait3A_451 = tpu.memref_slice %arg29[%add3A_276, %dma_wait3A_450] : memref<16384x128xf32, #tpu.memory_space<hbm>> -> memref<256x128xf32, #tpu.memory_space<hbm>>
    %dma_wait3A_452 = arith.constant 0 : i32
    %dma_wait3A_453 = tpu.memref_slice %arg29[%add3A_276, %dma_wait3A_452] : memref<16384x128xf32, #tpu.memory_space<hbm>> -> memref<256x128xf32, #tpu.memory_space<hbm>>
    tpu.wait_dma2 semaphore(%arg46 : memref<!tpu.dma_semaphore, #tpu.memory_space<semaphore_mem>>) src(%arg40 : memref<256x128xf32, #tpu.memory_space<vmem>>) dst(%dma_wait3A_453 : memref<256x128xf32, #tpu.memory_space<hbm>>)
    %add3A_454 = arith.constant 196608 : i32
    %add3A_455 = arith.addi %add3A_454, %add3A_276 : i32
    "tpu.region"() ({
      %run_scoped3A = tpu.sem_alloc : memref<!tpu.dma_semaphore, #tpu.memory_space<semaphore_mem>>
      %dma_start3A_549 = tpu.memref_slice %arg2[%add3A_455] : memref<278528xi32, #tpu.memory_space<hbm>> -> memref<256xi32, #tpu.memory_space<hbm>>
      %dma_start3A_550 = tpu.memref_slice %arg2[%add3A_455] : memref<278528xi32, #tpu.memory_space<hbm>> -> memref<256xi32, #tpu.memory_space<hbm>>
      tpu.enqueue_dma source(%dma_start3A_550 : memref<256xi32, #tpu.memory_space<hbm>>) target(%arg37 : memref<256xi32, #tpu.memory_space<vmem>>) target_semaphore(%run_scoped3A : memref<!tpu.dma_semaphore, #tpu.memory_space<semaphore_mem>>)
      %dma_wait3A_551 = tpu.memref_slice %arg2[%add3A_455] : memref<278528xi32, #tpu.memory_space<hbm>> -> memref<256xi32, #tpu.memory_space<hbm>>
      %dma_wait3A_552 = tpu.memref_slice %arg2[%add3A_455] : memref<278528xi32, #tpu.memory_space<hbm>> -> memref<256xi32, #tpu.memory_space<hbm>>
      tpu.wait_dma2 semaphore(%run_scoped3A : memref<!tpu.dma_semaphore, #tpu.memory_space<semaphore_mem>>) src(%dma_wait3A_552 : memref<256xi32, #tpu.memory_space<hbm>>) dst(%arg37 : memref<256xi32, #tpu.memory_space<vmem>>)
      tpu.yield
    }) : () -> ()
    %dma_start3A_456 = arith.constant 0 : i32
    %dma_start3A_457 = arith.constant 0 : i32
    %dma_start3A_458 = tpu.memref_slice %arg15[%dma_start3A_456, %dma_start3A_457] : memref<256x128xf32, #tpu.memory_space<hbm>> -> memref<256x128xf32, #tpu.memory_space<hbm>>
    tpu.enqueue_indirect_dma source(%dma_start3A_458 : memref<256x128xf32, #tpu.memory_space<hbm>>) target(%arg40 : memref<256x128xf32, #tpu.memory_space<vmem>>) offsets(%arg37 : memref<256xi32, #tpu.memory_space<vmem>>) semaphore(%arg43 : memref<!tpu.dma_semaphore, #tpu.memory_space<semaphore_mem>>)
    %dma_wait3A_459 = arith.constant 0 : i32
    %dma_wait3A_460 = arith.constant 0 : i32
    %dma_wait3A_461 = tpu.memref_slice %arg14[%dma_wait3A_459, %dma_wait3A_460] : memref<256x128xf32, #tpu.memory_space<hbm>> -> memref<256x128xf32, #tpu.memory_space<hbm>>
    tpu.wait_indirect_dma semaphore(%arg45 : memref<!tpu.dma_semaphore, #tpu.memory_space<semaphore_mem>>) src(%dma_wait3A_461 : memref<256x128xf32, #tpu.memory_space<hbm>>) dst(%arg42 : memref<256x128xf32, #tpu.memory_space<vmem>>)
    %dma_start3A_462 = arith.constant 0 : i32
    %dma_start3A_463 = tpu.memref_slice %arg31[%add3A_276, %dma_start3A_462] : memref<16384x128xf32, #tpu.memory_space<hbm>> -> memref<256x128xf32, #tpu.memory_space<hbm>>
    %dma_start3A_464 = arith.constant 0 : i32
    %dma_start3A_465 = tpu.memref_slice %arg31[%add3A_276, %dma_start3A_464] : memref<16384x128xf32, #tpu.memory_space<hbm>> -> memref<256x128xf32, #tpu.memory_space<hbm>>
    tpu.enqueue_dma source(%arg42 : memref<256x128xf32, #tpu.memory_space<vmem>>) target(%dma_start3A_465 : memref<256x128xf32, #tpu.memory_space<hbm>>) target_semaphore(%arg48 : memref<!tpu.dma_semaphore, #tpu.memory_space<semaphore_mem>>)
    %dma_wait3A_466 = arith.constant 0 : i32
    %dma_wait3A_467 = tpu.memref_slice %arg30[%add3A_276, %dma_wait3A_466] : memref<16384x128xf32, #tpu.memory_space<hbm>> -> memref<256x128xf32, #tpu.memory_space<hbm>>
    %dma_wait3A_468 = arith.constant 0 : i32
    %dma_wait3A_469 = tpu.memref_slice %arg30[%add3A_276, %dma_wait3A_468] : memref<16384x128xf32, #tpu.memory_space<hbm>> -> memref<256x128xf32, #tpu.memory_space<hbm>>
    tpu.wait_dma2 semaphore(%arg47 : memref<!tpu.dma_semaphore, #tpu.memory_space<semaphore_mem>>) src(%arg41 : memref<256x128xf32, #tpu.memory_space<vmem>>) dst(%dma_wait3A_469 : memref<256x128xf32, #tpu.memory_space<hbm>>)
    %add3A_470 = arith.constant 212992 : i32
    %add3A_471 = arith.addi %add3A_470, %add3A_276 : i32
    "tpu.region"() ({
      %run_scoped3A = tpu.sem_alloc : memref<!tpu.dma_semaphore, #tpu.memory_space<semaphore_mem>>
      %dma_start3A_549 = tpu.memref_slice %arg2[%add3A_471] : memref<278528xi32, #tpu.memory_space<hbm>> -> memref<256xi32, #tpu.memory_space<hbm>>
      %dma_start3A_550 = tpu.memref_slice %arg2[%add3A_471] : memref<278528xi32, #tpu.memory_space<hbm>> -> memref<256xi32, #tpu.memory_space<hbm>>
      tpu.enqueue_dma source(%dma_start3A_550 : memref<256xi32, #tpu.memory_space<hbm>>) target(%arg38 : memref<256xi32, #tpu.memory_space<vmem>>) target_semaphore(%run_scoped3A : memref<!tpu.dma_semaphore, #tpu.memory_space<semaphore_mem>>)
      %dma_wait3A_551 = tpu.memref_slice %arg2[%add3A_471] : memref<278528xi32, #tpu.memory_space<hbm>> -> memref<256xi32, #tpu.memory_space<hbm>>
      %dma_wait3A_552 = tpu.memref_slice %arg2[%add3A_471] : memref<278528xi32, #tpu.memory_space<hbm>> -> memref<256xi32, #tpu.memory_space<hbm>>
      tpu.wait_dma2 semaphore(%run_scoped3A : memref<!tpu.dma_semaphore, #tpu.memory_space<semaphore_mem>>) src(%dma_wait3A_552 : memref<256xi32, #tpu.memory_space<hbm>>) dst(%arg38 : memref<256xi32, #tpu.memory_space<vmem>>)
      tpu.yield
    }) : () -> ()
    %dma_start3A_472 = arith.constant 0 : i32
    %dma_start3A_473 = arith.constant 0 : i32
    %dma_start3A_474 = tpu.memref_slice %arg16[%dma_start3A_472, %dma_start3A_473] : memref<256x128xf32, #tpu.memory_space<hbm>> -> memref<256x128xf32, #tpu.memory_space<hbm>>
    tpu.enqueue_indirect_dma source(%dma_start3A_474 : memref<256x128xf32, #tpu.memory_space<hbm>>) target(%arg41 : memref<256x128xf32, #tpu.memory_space<vmem>>) offsets(%arg38 : memref<256xi32, #tpu.memory_space<vmem>>) semaphore(%arg44 : memref<!tpu.dma_semaphore, #tpu.memory_space<semaphore_mem>>)
    %dma_wait3A_475 = arith.constant 0 : i32
    %dma_wait3A_476 = arith.constant 0 : i32
    %dma_wait3A_477 = tpu.memref_slice %arg15[%dma_wait3A_475, %dma_wait3A_476] : memref<256x128xf32, #tpu.memory_space<hbm>> -> memref<256x128xf32, #tpu.memory_space<hbm>>
    tpu.wait_indirect_dma semaphore(%arg43 : memref<!tpu.dma_semaphore, #tpu.memory_space<semaphore_mem>>) src(%dma_wait3A_477 : memref<256x128xf32, #tpu.memory_space<hbm>>) dst(%arg40 : memref<256x128xf32, #tpu.memory_space<vmem>>)
    %dma_start3A_478 = arith.constant 0 : i32
    %dma_start3A_479 = tpu.memref_slice %arg32[%add3A_276, %dma_start3A_478] : memref<16384x128xf32, #tpu.memory_space<hbm>> -> memref<256x128xf32, #tpu.memory_space<hbm>>
    %dma_start3A_480 = arith.constant 0 : i32
    %dma_start3A_481 = tpu.memref_slice %arg32[%add3A_276, %dma_start3A_480] : memref<16384x128xf32, #tpu.memory_space<hbm>> -> memref<256x128xf32, #tpu.memory_space<hbm>>
    tpu.enqueue_dma source(%arg40 : memref<256x128xf32, #tpu.memory_space<vmem>>) target(%dma_start3A_481 : memref<256x128xf32, #tpu.memory_space<hbm>>) target_semaphore(%arg46 : memref<!tpu.dma_semaphore, #tpu.memory_space<semaphore_mem>>)
    %dma_wait3A_482 = arith.constant 0 : i32
    %dma_wait3A_483 = tpu.memref_slice %arg31[%add3A_276, %dma_wait3A_482] : memref<16384x128xf32, #tpu.memory_space<hbm>> -> memref<256x128xf32, #tpu.memory_space<hbm>>
    %dma_wait3A_484 = arith.constant 0 : i32
    %dma_wait3A_485 = tpu.memref_slice %arg31[%add3A_276, %dma_wait3A_484] : memref<16384x128xf32, #tpu.memory_space<hbm>> -> memref<256x128xf32, #tpu.memory_space<hbm>>
    tpu.wait_dma2 semaphore(%arg48 : memref<!tpu.dma_semaphore, #tpu.memory_space<semaphore_mem>>) src(%arg42 : memref<256x128xf32, #tpu.memory_space<vmem>>) dst(%dma_wait3A_485 : memref<256x128xf32, #tpu.memory_space<hbm>>)
    %add3A_486 = arith.constant 229376 : i32
    %add3A_487 = arith.addi %add3A_486, %add3A_276 : i32
    "tpu.region"() ({
      %run_scoped3A = tpu.sem_alloc : memref<!tpu.dma_semaphore, #tpu.memory_space<semaphore_mem>>
      %dma_start3A_549 = tpu.memref_slice %arg2[%add3A_487] : memref<278528xi32, #tpu.memory_space<hbm>> -> memref<256xi32, #tpu.memory_space<hbm>>
      %dma_start3A_550 = tpu.memref_slice %arg2[%add3A_487] : memref<278528xi32, #tpu.memory_space<hbm>> -> memref<256xi32, #tpu.memory_space<hbm>>
      tpu.enqueue_dma source(%dma_start3A_550 : memref<256xi32, #tpu.memory_space<hbm>>) target(%arg39 : memref<256xi32, #tpu.memory_space<vmem>>) target_semaphore(%run_scoped3A : memref<!tpu.dma_semaphore, #tpu.memory_space<semaphore_mem>>)
      %dma_wait3A_551 = tpu.memref_slice %arg2[%add3A_487] : memref<278528xi32, #tpu.memory_space<hbm>> -> memref<256xi32, #tpu.memory_space<hbm>>
      %dma_wait3A_552 = tpu.memref_slice %arg2[%add3A_487] : memref<278528xi32, #tpu.memory_space<hbm>> -> memref<256xi32, #tpu.memory_space<hbm>>
      tpu.wait_dma2 semaphore(%run_scoped3A : memref<!tpu.dma_semaphore, #tpu.memory_space<semaphore_mem>>) src(%dma_wait3A_552 : memref<256xi32, #tpu.memory_space<hbm>>) dst(%arg39 : memref<256xi32, #tpu.memory_space<vmem>>)
      tpu.yield
    }) : () -> ()
    %dma_start3A_488 = arith.constant 0 : i32
    %dma_start3A_489 = arith.constant 0 : i32
    %dma_start3A_490 = tpu.memref_slice %arg17[%dma_start3A_488, %dma_start3A_489] : memref<16384x128xf32, #tpu.memory_space<hbm>> -> memref<16384x128xf32, #tpu.memory_space<hbm>>
    tpu.enqueue_indirect_dma source(%dma_start3A_490 : memref<16384x128xf32, #tpu.memory_space<hbm>>) target(%arg42 : memref<256x128xf32, #tpu.memory_space<vmem>>) offsets(%arg39 : memref<256xi32, #tpu.memory_space<vmem>>) semaphore(%arg45 : memref<!tpu.dma_semaphore, #tpu.memory_space<semaphore_mem>>)
    %dma_wait3A_491 = arith.constant 0 : i32
    %dma_wait3A_492 = arith.constant 0 : i32
    %dma_wait3A_493 = tpu.memref_slice %arg16[%dma_wait3A_491, %dma_wait3A_492] : memref<256x128xf32, #tpu.memory_space<hbm>> -> memref<256x128xf32, #tpu.memory_space<hbm>>
    tpu.wait_indirect_dma semaphore(%arg44 : memref<!tpu.dma_semaphore, #tpu.memory_space<semaphore_mem>>) src(%dma_wait3A_493 : memref<256x128xf32, #tpu.memory_space<hbm>>) dst(%arg41 : memref<256x128xf32, #tpu.memory_space<vmem>>)
    %dma_start3A_494 = arith.constant 0 : i32
    %dma_start3A_495 = tpu.memref_slice %arg33[%add3A_276, %dma_start3A_494] : memref<16384x128xf32, #tpu.memory_space<hbm>> -> memref<256x128xf32, #tpu.memory_space<hbm>>
    %dma_start3A_496 = arith.constant 0 : i32
    %dma_start3A_497 = tpu.memref_slice %arg33[%add3A_276, %dma_start3A_496] : memref<16384x128xf32, #tpu.memory_space<hbm>> -> memref<256x128xf32, #tpu.memory_space<hbm>>
    tpu.enqueue_dma source(%arg41 : memref<256x128xf32, #tpu.memory_space<vmem>>) target(%dma_start3A_497 : memref<256x128xf32, #tpu.memory_space<hbm>>) target_semaphore(%arg47 : memref<!tpu.dma_semaphore, #tpu.memory_space<semaphore_mem>>)
    %dma_wait3A_498 = arith.constant 0 : i32
    %dma_wait3A_499 = tpu.memref_slice %arg32[%add3A_276, %dma_wait3A_498] : memref<16384x128xf32, #tpu.memory_space<hbm>> -> memref<256x128xf32, #tpu.memory_space<hbm>>
    %dma_wait3A_500 = arith.constant 0 : i32
    %dma_wait3A_501 = tpu.memref_slice %arg32[%add3A_276, %dma_wait3A_500] : memref<16384x128xf32, #tpu.memory_space<hbm>> -> memref<256x128xf32, #tpu.memory_space<hbm>>
    tpu.wait_dma2 semaphore(%arg46 : memref<!tpu.dma_semaphore, #tpu.memory_space<semaphore_mem>>) src(%arg40 : memref<256x128xf32, #tpu.memory_space<vmem>>) dst(%dma_wait3A_501 : memref<256x128xf32, #tpu.memory_space<hbm>>)
    %add3A_502 = arith.constant 245760 : i32
    %add3A_503 = arith.addi %add3A_502, %add3A_276 : i32
    "tpu.region"() ({
      %run_scoped3A = tpu.sem_alloc : memref<!tpu.dma_semaphore, #tpu.memory_space<semaphore_mem>>
      %dma_start3A_549 = tpu.memref_slice %arg2[%add3A_503] : memref<278528xi32, #tpu.memory_space<hbm>> -> memref<256xi32, #tpu.memory_space<hbm>>
      %dma_start3A_550 = tpu.memref_slice %arg2[%add3A_503] : memref<278528xi32, #tpu.memory_space<hbm>> -> memref<256xi32, #tpu.memory_space<hbm>>
      tpu.enqueue_dma source(%dma_start3A_550 : memref<256xi32, #tpu.memory_space<hbm>>) target(%arg37 : memref<256xi32, #tpu.memory_space<vmem>>) target_semaphore(%run_scoped3A : memref<!tpu.dma_semaphore, #tpu.memory_space<semaphore_mem>>)
      %dma_wait3A_551 = tpu.memref_slice %arg2[%add3A_503] : memref<278528xi32, #tpu.memory_space<hbm>> -> memref<256xi32, #tpu.memory_space<hbm>>
      %dma_wait3A_552 = tpu.memref_slice %arg2[%add3A_503] : memref<278528xi32, #tpu.memory_space<hbm>> -> memref<256xi32, #tpu.memory_space<hbm>>
      tpu.wait_dma2 semaphore(%run_scoped3A : memref<!tpu.dma_semaphore, #tpu.memory_space<semaphore_mem>>) src(%dma_wait3A_552 : memref<256xi32, #tpu.memory_space<hbm>>) dst(%arg37 : memref<256xi32, #tpu.memory_space<vmem>>)
      tpu.yield
    }) : () -> ()
    %dma_start3A_504 = arith.constant 0 : i32
    %dma_start3A_505 = arith.constant 0 : i32
    %dma_start3A_506 = tpu.memref_slice %arg18[%dma_start3A_504, %dma_start3A_505] : memref<16384x128xf32, #tpu.memory_space<hbm>> -> memref<16384x128xf32, #tpu.memory_space<hbm>>
    tpu.enqueue_indirect_dma source(%dma_start3A_506 : memref<16384x128xf32, #tpu.memory_space<hbm>>) target(%arg40 : memref<256x128xf32, #tpu.memory_space<vmem>>) offsets(%arg37 : memref<256xi32, #tpu.memory_space<vmem>>) semaphore(%arg43 : memref<!tpu.dma_semaphore, #tpu.memory_space<semaphore_mem>>)
    %dma_wait3A_507 = arith.constant 0 : i32
    %dma_wait3A_508 = arith.constant 0 : i32
    %dma_wait3A_509 = tpu.memref_slice %arg17[%dma_wait3A_507, %dma_wait3A_508] : memref<16384x128xf32, #tpu.memory_space<hbm>> -> memref<16384x128xf32, #tpu.memory_space<hbm>>
    tpu.wait_indirect_dma semaphore(%arg45 : memref<!tpu.dma_semaphore, #tpu.memory_space<semaphore_mem>>) src(%dma_wait3A_509 : memref<16384x128xf32, #tpu.memory_space<hbm>>) dst(%arg42 : memref<256x128xf32, #tpu.memory_space<vmem>>)
    %dma_start3A_510 = arith.constant 0 : i32
    %dma_start3A_511 = tpu.memref_slice %arg34[%add3A_276, %dma_start3A_510] : memref<16384x128xf32, #tpu.memory_space<hbm>> -> memref<256x128xf32, #tpu.memory_space<hbm>>
    %dma_start3A_512 = arith.constant 0 : i32
    %dma_start3A_513 = tpu.memref_slice %arg34[%add3A_276, %dma_start3A_512] : memref<16384x128xf32, #tpu.memory_space<hbm>> -> memref<256x128xf32, #tpu.memory_space<hbm>>
    tpu.enqueue_dma source(%arg42 : memref<256x128xf32, #tpu.memory_space<vmem>>) target(%dma_start3A_513 : memref<256x128xf32, #tpu.memory_space<hbm>>) target_semaphore(%arg48 : memref<!tpu.dma_semaphore, #tpu.memory_space<semaphore_mem>>)
    %dma_wait3A_514 = arith.constant 0 : i32
    %dma_wait3A_515 = tpu.memref_slice %arg33[%add3A_276, %dma_wait3A_514] : memref<16384x128xf32, #tpu.memory_space<hbm>> -> memref<256x128xf32, #tpu.memory_space<hbm>>
    %dma_wait3A_516 = arith.constant 0 : i32
    %dma_wait3A_517 = tpu.memref_slice %arg33[%add3A_276, %dma_wait3A_516] : memref<16384x128xf32, #tpu.memory_space<hbm>> -> memref<256x128xf32, #tpu.memory_space<hbm>>
    tpu.wait_dma2 semaphore(%arg47 : memref<!tpu.dma_semaphore, #tpu.memory_space<semaphore_mem>>) src(%arg41 : memref<256x128xf32, #tpu.memory_space<vmem>>) dst(%dma_wait3A_517 : memref<256x128xf32, #tpu.memory_space<hbm>>)
    %add3A_518 = arith.constant 262144 : i32
    %add3A_519 = arith.addi %add3A_518, %add3A_276 : i32
    "tpu.region"() ({
      %run_scoped3A = tpu.sem_alloc : memref<!tpu.dma_semaphore, #tpu.memory_space<semaphore_mem>>
      %dma_start3A_549 = tpu.memref_slice %arg2[%add3A_519] : memref<278528xi32, #tpu.memory_space<hbm>> -> memref<256xi32, #tpu.memory_space<hbm>>
      %dma_start3A_550 = tpu.memref_slice %arg2[%add3A_519] : memref<278528xi32, #tpu.memory_space<hbm>> -> memref<256xi32, #tpu.memory_space<hbm>>
      tpu.enqueue_dma source(%dma_start3A_550 : memref<256xi32, #tpu.memory_space<hbm>>) target(%arg38 : memref<256xi32, #tpu.memory_space<vmem>>) target_semaphore(%run_scoped3A : memref<!tpu.dma_semaphore, #tpu.memory_space<semaphore_mem>>)
      %dma_wait3A_551 = tpu.memref_slice %arg2[%add3A_519] : memref<278528xi32, #tpu.memory_space<hbm>> -> memref<256xi32, #tpu.memory_space<hbm>>
      %dma_wait3A_552 = tpu.memref_slice %arg2[%add3A_519] : memref<278528xi32, #tpu.memory_space<hbm>> -> memref<256xi32, #tpu.memory_space<hbm>>
      tpu.wait_dma2 semaphore(%run_scoped3A : memref<!tpu.dma_semaphore, #tpu.memory_space<semaphore_mem>>) src(%dma_wait3A_552 : memref<256xi32, #tpu.memory_space<hbm>>) dst(%arg38 : memref<256xi32, #tpu.memory_space<vmem>>)
      tpu.yield
    }) : () -> ()
    %dma_start3A_520 = arith.constant 0 : i32
    %dma_start3A_521 = arith.constant 0 : i32
    %dma_start3A_522 = tpu.memref_slice %arg19[%dma_start3A_520, %dma_start3A_521] : memref<125000x128xf32, #tpu.memory_space<hbm>> -> memref<125000x128xf32, #tpu.memory_space<hbm>>
    tpu.enqueue_indirect_dma source(%dma_start3A_522 : memref<125000x128xf32, #tpu.memory_space<hbm>>) target(%arg41 : memref<256x128xf32, #tpu.memory_space<vmem>>) offsets(%arg38 : memref<256xi32, #tpu.memory_space<vmem>>) semaphore(%arg44 : memref<!tpu.dma_semaphore, #tpu.memory_space<semaphore_mem>>)
    %dma_wait3A_523 = arith.constant 0 : i32
    %dma_wait3A_524 = arith.constant 0 : i32
    %dma_wait3A_525 = tpu.memref_slice %arg18[%dma_wait3A_523, %dma_wait3A_524] : memref<16384x128xf32, #tpu.memory_space<hbm>> -> memref<16384x128xf32, #tpu.memory_space<hbm>>
    tpu.wait_indirect_dma semaphore(%arg43 : memref<!tpu.dma_semaphore, #tpu.memory_space<semaphore_mem>>) src(%dma_wait3A_525 : memref<16384x128xf32, #tpu.memory_space<hbm>>) dst(%arg40 : memref<256x128xf32, #tpu.memory_space<vmem>>)
    %dma_start3A_526 = arith.constant 0 : i32
    %dma_start3A_527 = tpu.memref_slice %arg35[%add3A_276, %dma_start3A_526] : memref<16384x128xf32, #tpu.memory_space<hbm>> -> memref<256x128xf32, #tpu.memory_space<hbm>>
    %dma_start3A_528 = arith.constant 0 : i32
    %dma_start3A_529 = tpu.memref_slice %arg35[%add3A_276, %dma_start3A_528] : memref<16384x128xf32, #tpu.memory_space<hbm>> -> memref<256x128xf32, #tpu.memory_space<hbm>>
    tpu.enqueue_dma source(%arg40 : memref<256x128xf32, #tpu.memory_space<vmem>>) target(%dma_start3A_529 : memref<256x128xf32, #tpu.memory_space<hbm>>) target_semaphore(%arg46 : memref<!tpu.dma_semaphore, #tpu.memory_space<semaphore_mem>>)
    %dma_wait3A_530 = arith.constant 0 : i32
    %dma_wait3A_531 = arith.constant 0 : i32
    %dma_wait3A_532 = tpu.memref_slice %arg19[%dma_wait3A_530, %dma_wait3A_531] : memref<125000x128xf32, #tpu.memory_space<hbm>> -> memref<125000x128xf32, #tpu.memory_space<hbm>>
    tpu.wait_indirect_dma semaphore(%arg44 : memref<!tpu.dma_semaphore, #tpu.memory_space<semaphore_mem>>) src(%dma_wait3A_532 : memref<125000x128xf32, #tpu.memory_space<hbm>>) dst(%arg41 : memref<256x128xf32, #tpu.memory_space<vmem>>)
    %dma_start3A_533 = arith.constant 0 : i32
    %dma_start3A_534 = tpu.memref_slice %arg36[%add3A_276, %dma_start3A_533] : memref<16384x128xf32, #tpu.memory_space<hbm>> -> memref<256x128xf32, #tpu.memory_space<hbm>>
    %dma_start3A_535 = arith.constant 0 : i32
    %dma_start3A_536 = tpu.memref_slice %arg36[%add3A_276, %dma_start3A_535] : memref<16384x128xf32, #tpu.memory_space<hbm>> -> memref<256x128xf32, #tpu.memory_space<hbm>>
    tpu.enqueue_dma source(%arg41 : memref<256x128xf32, #tpu.memory_space<vmem>>) target(%dma_start3A_536 : memref<256x128xf32, #tpu.memory_space<hbm>>) target_semaphore(%arg47 : memref<!tpu.dma_semaphore, #tpu.memory_space<semaphore_mem>>)
    %dma_wait3A_537 = arith.constant 0 : i32
    %dma_wait3A_538 = tpu.memref_slice %arg35[%add3A_276, %dma_wait3A_537] : memref<16384x128xf32, #tpu.memory_space<hbm>> -> memref<256x128xf32, #tpu.memory_space<hbm>>
    %dma_wait3A_539 = arith.constant 0 : i32
    %dma_wait3A_540 = tpu.memref_slice %arg35[%add3A_276, %dma_wait3A_539] : memref<16384x128xf32, #tpu.memory_space<hbm>> -> memref<256x128xf32, #tpu.memory_space<hbm>>
    tpu.wait_dma2 semaphore(%arg46 : memref<!tpu.dma_semaphore, #tpu.memory_space<semaphore_mem>>) src(%arg40 : memref<256x128xf32, #tpu.memory_space<vmem>>) dst(%dma_wait3A_540 : memref<256x128xf32, #tpu.memory_space<hbm>>)
    %dma_wait3A_541 = arith.constant 0 : i32
    %dma_wait3A_542 = tpu.memref_slice %arg36[%add3A_276, %dma_wait3A_541] : memref<16384x128xf32, #tpu.memory_space<hbm>> -> memref<256x128xf32, #tpu.memory_space<hbm>>
    %dma_wait3A_543 = arith.constant 0 : i32
    %dma_wait3A_544 = tpu.memref_slice %arg36[%add3A_276, %dma_wait3A_543] : memref<16384x128xf32, #tpu.memory_space<hbm>> -> memref<256x128xf32, #tpu.memory_space<hbm>>
    tpu.wait_dma2 semaphore(%arg47 : memref<!tpu.dma_semaphore, #tpu.memory_space<semaphore_mem>>) src(%arg41 : memref<256x128xf32, #tpu.memory_space<vmem>>) dst(%dma_wait3A_544 : memref<256x128xf32, #tpu.memory_space<hbm>>)
    %dma_wait3A_545 = arith.constant 0 : i32
    %dma_wait3A_546 = tpu.memref_slice %arg34[%add3A_276, %dma_wait3A_545] : memref<16384x128xf32, #tpu.memory_space<hbm>> -> memref<256x128xf32, #tpu.memory_space<hbm>>
    %dma_wait3A_547 = arith.constant 0 : i32
    %dma_wait3A_548 = tpu.memref_slice %arg34[%add3A_276, %dma_wait3A_547] : memref<16384x128xf32, #tpu.memory_space<hbm>> -> memref<256x128xf32, #tpu.memory_space<hbm>>
    tpu.wait_dma2 semaphore(%arg48 : memref<!tpu.dma_semaphore, #tpu.memory_space<semaphore_mem>>) src(%arg42 : memref<256x128xf32, #tpu.memory_space<vmem>>) dst(%dma_wait3A_548 : memref<256x128xf32, #tpu.memory_space<hbm>>)
    return
  }
}

module attributes {stable_mosaic.version = 14 : i64} {
  func.func @_tc_body(%arg0: i32, %arg1: memref<1024x128xf32, #tpu.memory_space<vmem>>, %arg2: memref<1024x128xf32, #tpu.memory_space<vmem>>, %arg3: memref<1024x128xf32, #tpu.memory_space<vmem>>, %arg4: memref<1024x128xf32, #tpu.memory_space<vmem>>, %arg5: memref<1024x128xf32, #tpu.memory_space<vmem>>, %arg6: memref<1024x128xf32, #tpu.memory_space<vmem>>, %arg7: memref<1024x128xf32, #tpu.memory_space<vmem>>, %arg8: memref<1024x128xf32, #tpu.memory_space<vmem>>, %arg9: memref<1024x128xf32, #tpu.memory_space<vmem>>, %arg10: memref<1024x128xf32, #tpu.memory_space<vmem>>, %arg11: memref<1024x128xf32, #tpu.memory_space<vmem>>, %arg12: memref<1024x128xf32, #tpu.memory_space<vmem>>, %arg13: memref<1024x128xf32, #tpu.memory_space<vmem>>, %arg14: memref<1024x128xf32, #tpu.memory_space<vmem>>, %arg15: memref<1024x128xf32, #tpu.memory_space<vmem>>, %arg16: memref<1024x128xf32, #tpu.memory_space<vmem>>, %arg17: memref<1024x128xf32, #tpu.memory_space<vmem>>, %arg18: memref<1024x1xi32, #tpu.memory_space<vmem>>, %arg19: memref<1024x1xi32, #tpu.memory_space<vmem>>, %arg20: memref<1024x1xi32, #tpu.memory_space<vmem>>, %arg21: memref<1024x1xf32, #tpu.memory_space<vmem>>, %arg22: memref<3x32x32xf32, #tpu.memory_space<vmem>>, %arg23: memref<1x32xf32, #tpu.memory_space<vmem>>, %arg24: memref<3x32x32xf32, #tpu.memory_space<vmem>>, %arg25: memref<1x32xf32, #tpu.memory_space<vmem>>, %arg26: memref<3x32x32xf32, #tpu.memory_space<vmem>>, %arg27: memref<1x32xf32, #tpu.memory_space<vmem>>, %arg28: memref<1x16xf32, #tpu.memory_space<vmem>>, %arg29: memref<1x16xf32, #tpu.memory_space<vmem>>, %arg30: memref<1024x192xf32, #tpu.memory_space<vmem>>) attributes {dimension_semantics = [#tpu.dimension_semantics<arbitrary>], iteration_bounds = array<i64: 16>, scalar_prefetch = 0 : i64, scratch_operands = 0 : i64, tpu.core_type = #tpu.core_type<tc>, window_params = [{transform_indices = @transform_0, window_bounds = array<i64: 1024, 128>}, {transform_indices = @transform_1, window_bounds = array<i64: 1024, 128>}, {transform_indices = @transform_2, window_bounds = array<i64: 1024, 128>}, {transform_indices = @transform_3, window_bounds = array<i64: 1024, 128>}, {transform_indices = @transform_4, window_bounds = array<i64: 1024, 128>}, {transform_indices = @transform_5, window_bounds = array<i64: 1024, 128>}, {transform_indices = @transform_6, window_bounds = array<i64: 1024, 128>}, {transform_indices = @transform_7, window_bounds = array<i64: 1024, 128>}, {transform_indices = @transform_8, window_bounds = array<i64: 1024, 128>}, {transform_indices = @transform_9, window_bounds = array<i64: 1024, 128>}, {transform_indices = @transform_10, window_bounds = array<i64: 1024, 128>}, {transform_indices = @transform_11, window_bounds = array<i64: 1024, 128>}, {transform_indices = @transform_12, window_bounds = array<i64: 1024, 128>}, {transform_indices = @transform_13, window_bounds = array<i64: 1024, 128>}, {transform_indices = @transform_14, window_bounds = array<i64: 1024, 128>}, {transform_indices = @transform_15, window_bounds = array<i64: 1024, 128>}, {transform_indices = @transform_16, window_bounds = array<i64: 1024, 128>}, {transform_indices = @transform_17, window_bounds = array<i64: 1024, 1>}, {transform_indices = @transform_18, window_bounds = array<i64: 1024, 1>}, {transform_indices = @transform_19, window_bounds = array<i64: 1024, 1>}, {transform_indices = @transform_20, window_bounds = array<i64: 1024, 1>}, {pipeline_mode = #tpu.pipeline_mode<synchronous>, transform_indices = @transform_21, window_bounds = array<i64: 3, 32, 32>}, {pipeline_mode = #tpu.pipeline_mode<synchronous>, transform_indices = @transform_22, window_bounds = array<i64: 1, 32>}, {pipeline_mode = #tpu.pipeline_mode<synchronous>, transform_indices = @transform_23, window_bounds = array<i64: 3, 32, 32>}, {pipeline_mode = #tpu.pipeline_mode<synchronous>, transform_indices = @transform_24, window_bounds = array<i64: 1, 32>}, {pipeline_mode = #tpu.pipeline_mode<synchronous>, transform_indices = @transform_25, window_bounds = array<i64: 3, 32, 32>}, {pipeline_mode = #tpu.pipeline_mode<synchronous>, transform_indices = @transform_26, window_bounds = array<i64: 1, 32>}, {pipeline_mode = #tpu.pipeline_mode<synchronous>, transform_indices = @transform_27, window_bounds = array<i64: 1, 16>}, {pipeline_mode = #tpu.pipeline_mode<synchronous>, transform_indices = @transform_28, window_bounds = array<i64: 1, 16>}, {transform_indices = @transform_29, window_bounds = array<i64: 1024, 192>}]} {
    %get3A = arith.constant 0 : index
    %get3A_0 = arith.constant 0 : index
    %get3A_1 = vector.load %arg1[%get3A, %get3A_0] : memref<1024x128xf32, #tpu.memory_space<vmem>>, vector<1024x128xf32>
    %get3A_2 = arith.constant 0 : index
    %get3A_3 = arith.constant 0 : index
    %get3A_4 = vector.load %arg2[%get3A_2, %get3A_3] : memref<1024x128xf32, #tpu.memory_space<vmem>>, vector<1024x128xf32>
    %get3A_5 = arith.constant 0 : index
    %get3A_6 = arith.constant 0 : index
    %get3A_7 = vector.load %arg3[%get3A_5, %get3A_6] : memref<1024x128xf32, #tpu.memory_space<vmem>>, vector<1024x128xf32>
    %get3A_8 = arith.constant 0 : index
    %get3A_9 = arith.constant 0 : index
    %get3A_10 = vector.load %arg4[%get3A_8, %get3A_9] : memref<1024x128xf32, #tpu.memory_space<vmem>>, vector<1024x128xf32>
    %get3A_11 = arith.constant 0 : index
    %get3A_12 = arith.constant 0 : index
    %get3A_13 = vector.load %arg5[%get3A_11, %get3A_12] : memref<1024x128xf32, #tpu.memory_space<vmem>>, vector<1024x128xf32>
    %get3A_14 = arith.constant 0 : index
    %get3A_15 = arith.constant 0 : index
    %get3A_16 = vector.load %arg6[%get3A_14, %get3A_15] : memref<1024x128xf32, #tpu.memory_space<vmem>>, vector<1024x128xf32>
    %get3A_17 = arith.constant 0 : index
    %get3A_18 = arith.constant 0 : index
    %get3A_19 = vector.load %arg7[%get3A_17, %get3A_18] : memref<1024x128xf32, #tpu.memory_space<vmem>>, vector<1024x128xf32>
    %get3A_20 = arith.constant 0 : index
    %get3A_21 = arith.constant 0 : index
    %get3A_22 = vector.load %arg8[%get3A_20, %get3A_21] : memref<1024x128xf32, #tpu.memory_space<vmem>>, vector<1024x128xf32>
    %get3A_23 = arith.constant 0 : index
    %get3A_24 = arith.constant 0 : index
    %get3A_25 = vector.load %arg9[%get3A_23, %get3A_24] : memref<1024x128xf32, #tpu.memory_space<vmem>>, vector<1024x128xf32>
    %get3A_26 = arith.constant 0 : index
    %get3A_27 = arith.constant 0 : index
    %get3A_28 = vector.load %arg10[%get3A_26, %get3A_27] : memref<1024x128xf32, #tpu.memory_space<vmem>>, vector<1024x128xf32>
    %get3A_29 = arith.constant 0 : index
    %get3A_30 = arith.constant 0 : index
    %get3A_31 = vector.load %arg11[%get3A_29, %get3A_30] : memref<1024x128xf32, #tpu.memory_space<vmem>>, vector<1024x128xf32>
    %get3A_32 = arith.constant 0 : index
    %get3A_33 = arith.constant 0 : index
    %get3A_34 = vector.load %arg12[%get3A_32, %get3A_33] : memref<1024x128xf32, #tpu.memory_space<vmem>>, vector<1024x128xf32>
    %get3A_35 = arith.constant 0 : index
    %get3A_36 = arith.constant 0 : index
    %get3A_37 = vector.load %arg13[%get3A_35, %get3A_36] : memref<1024x128xf32, #tpu.memory_space<vmem>>, vector<1024x128xf32>
    %get3A_38 = arith.constant 0 : index
    %get3A_39 = arith.constant 0 : index
    %get3A_40 = vector.load %arg14[%get3A_38, %get3A_39] : memref<1024x128xf32, #tpu.memory_space<vmem>>, vector<1024x128xf32>
    %slice3A = vector.extract_strided_slice %get3A_1 {offsets = [0, 0], sizes = [1024, 32], strides = [1, 1]} : vector<1024x128xf32> to vector<1024x32xf32>
    %slice3A_41 = vector.extract_strided_slice %get3A_4 {offsets = [0, 0], sizes = [1024, 32], strides = [1, 1]} : vector<1024x128xf32> to vector<1024x32xf32>
    %slice3A_42 = vector.extract_strided_slice %get3A_7 {offsets = [0, 0], sizes = [1024, 32], strides = [1, 1]} : vector<1024x128xf32> to vector<1024x32xf32>
    %slice3A_43 = vector.extract_strided_slice %get3A_10 {offsets = [0, 0], sizes = [1024, 32], strides = [1, 1]} : vector<1024x128xf32> to vector<1024x32xf32>
    %add3A = arith.addf %slice3A, %slice3A_41 : vector<1024x32xf32>
    %add3A_44 = arith.addf %add3A, %slice3A_42 : vector<1024x32xf32>
    %add3A_45 = arith.addf %add3A_44, %slice3A_43 : vector<1024x32xf32>
    %get3A_46 = arith.constant 0 : index
    %get3A_47 = arith.constant 0 : index
    %get3A_48 = arith.constant 0 : index
    %get3A_49 = vector.load %arg22[%get3A_46, %get3A_47, %get3A_48] : memref<3x32x32xf32, #tpu.memory_space<vmem>>, vector<3x32x32xf32>
    %slice3A_50 = vector.extract_strided_slice %get3A_49 {offsets = [0, 0, 0], sizes = [1, 32, 32], strides = [1, 1, 1]} : vector<3x32x32xf32> to vector<1x32x32xf32>
    %squeeze3A = vector.shape_cast %slice3A_50 : vector<1x32x32xf32> to vector<32x32xf32>
    %slice3A_51 = vector.extract_strided_slice %get3A_49 {offsets = [1, 0, 0], sizes = [1, 32, 32], strides = [1, 1, 1]} : vector<3x32x32xf32> to vector<1x32x32xf32>
    %squeeze3A_52 = vector.shape_cast %slice3A_51 : vector<1x32x32xf32> to vector<32x32xf32>
    %add3A_53 = arith.addf %squeeze3A, %squeeze3A_52 : vector<32x32xf32>
    %slice3A_54 = vector.extract_strided_slice %get3A_49 {offsets = [2, 0, 0], sizes = [1, 32, 32], strides = [1, 1, 1]} : vector<3x32x32xf32> to vector<1x32x32xf32>
    %squeeze3A_55 = vector.shape_cast %slice3A_54 : vector<1x32x32xf32> to vector<32x32xf32>
    %add3A_56 = arith.addf %add3A_53, %squeeze3A_55 : vector<32x32xf32>
    %dot_general3A = arith.constant dense<0.000000e+00> : vector<1024x32xf32>
    %dot_general3A_57 = tpu.matmul %add3A_45, %add3A_56, %dot_general3A {dimension_numbers = #tpu.dot_dimension_numbers<[1], [1], [0], [0], [0, 0, 1, 0], [], []>, transpose_lhs_hint = false} : vector<1024x32xf32>, vector<32x32xf32>, vector<1024x32xf32> -> vector<1024x32xf32>
    %slice3A_58 = vector.extract_strided_slice %get3A_49 {offsets = [2, 0, 0], sizes = [1, 32, 32], strides = [1, 1, 1]} : vector<3x32x32xf32> to vector<1x32x32xf32>
    %squeeze3A_59 = vector.shape_cast %slice3A_58 : vector<1x32x32xf32> to vector<32x32xf32>
    %dot_general3A_60 = arith.constant dense<0.000000e+00> : vector<1024x32xf32>
    %dot_general3A_61 = tpu.matmul %slice3A, %squeeze3A_59, %dot_general3A_60 {dimension_numbers = #tpu.dot_dimension_numbers<[1], [1], [0], [0], [0, 0, 1, 0], [], []>, transpose_lhs_hint = false} : vector<1024x32xf32>, vector<32x32xf32>, vector<1024x32xf32> -> vector<1024x32xf32>
    %sub3A = arith.subf %dot_general3A_57, %dot_general3A_61 : vector<1024x32xf32>
    %slice3A_62 = vector.extract_strided_slice %get3A_49 {offsets = [0, 0, 0], sizes = [1, 32, 32], strides = [1, 1, 1]} : vector<3x32x32xf32> to vector<1x32x32xf32>
    %squeeze3A_63 = vector.shape_cast %slice3A_62 : vector<1x32x32xf32> to vector<32x32xf32>
    %dot_general3A_64 = arith.constant dense<0.000000e+00> : vector<1024x32xf32>
    %dot_general3A_65 = tpu.matmul %slice3A_43, %squeeze3A_63, %dot_general3A_64 {dimension_numbers = #tpu.dot_dimension_numbers<[1], [1], [0], [0], [0, 0, 1, 0], [], []>, transpose_lhs_hint = false} : vector<1024x32xf32>, vector<32x32xf32>, vector<1024x32xf32> -> vector<1024x32xf32>
    %sub3A_66 = arith.subf %sub3A, %dot_general3A_65 : vector<1024x32xf32>
    %mul3A = arith.constant 2.500000e-01 : f32
    %mul3A_67 = vector.broadcast %mul3A : f32 to vector<1024x32xf32>
    %mul3A_68 = arith.mulf %sub3A_66, %mul3A_67 : vector<1024x32xf32>
    %get3A_69 = arith.constant 0 : index
    %get3A_70 = arith.constant 0 : index
    %get3A_71 = vector.load %arg23[%get3A_69, %get3A_70] : memref<1x32xf32, #tpu.memory_space<vmem>>, vector<1x32xf32>
    %add3A_72 = vector.broadcast %get3A_71 : vector<1x32xf32> to vector<1024x32xf32>
    %add3A_73 = arith.addf %mul3A_68, %add3A_72 : vector<1024x32xf32>
    %slice3A_74 = vector.extract_strided_slice %get3A_13 {offsets = [0, 0], sizes = [1024, 32], strides = [1, 1]} : vector<1024x128xf32> to vector<1024x32xf32>
    %slice3A_75 = vector.extract_strided_slice %get3A_16 {offsets = [0, 0], sizes = [1024, 32], strides = [1, 1]} : vector<1024x128xf32> to vector<1024x32xf32>
    %slice3A_76 = vector.extract_strided_slice %get3A_19 {offsets = [0, 0], sizes = [1024, 32], strides = [1, 1]} : vector<1024x128xf32> to vector<1024x32xf32>
    %slice3A_77 = vector.extract_strided_slice %get3A_22 {offsets = [0, 0], sizes = [1024, 32], strides = [1, 1]} : vector<1024x128xf32> to vector<1024x32xf32>
    %add3A_78 = arith.addf %slice3A_74, %slice3A_75 : vector<1024x32xf32>
    %add3A_79 = arith.addf %add3A_78, %slice3A_76 : vector<1024x32xf32>
    %add3A_80 = arith.addf %add3A_79, %slice3A_77 : vector<1024x32xf32>
    %get3A_81 = arith.constant 0 : index
    %get3A_82 = arith.constant 0 : index
    %get3A_83 = arith.constant 0 : index
    %get3A_84 = vector.load %arg24[%get3A_81, %get3A_82, %get3A_83] : memref<3x32x32xf32, #tpu.memory_space<vmem>>, vector<3x32x32xf32>
    %slice3A_85 = vector.extract_strided_slice %get3A_84 {offsets = [0, 0, 0], sizes = [1, 32, 32], strides = [1, 1, 1]} : vector<3x32x32xf32> to vector<1x32x32xf32>
    %squeeze3A_86 = vector.shape_cast %slice3A_85 : vector<1x32x32xf32> to vector<32x32xf32>
    %slice3A_87 = vector.extract_strided_slice %get3A_84 {offsets = [1, 0, 0], sizes = [1, 32, 32], strides = [1, 1, 1]} : vector<3x32x32xf32> to vector<1x32x32xf32>
    %squeeze3A_88 = vector.shape_cast %slice3A_87 : vector<1x32x32xf32> to vector<32x32xf32>
    %add3A_89 = arith.addf %squeeze3A_86, %squeeze3A_88 : vector<32x32xf32>
    %slice3A_90 = vector.extract_strided_slice %get3A_84 {offsets = [2, 0, 0], sizes = [1, 32, 32], strides = [1, 1, 1]} : vector<3x32x32xf32> to vector<1x32x32xf32>
    %squeeze3A_91 = vector.shape_cast %slice3A_90 : vector<1x32x32xf32> to vector<32x32xf32>
    %add3A_92 = arith.addf %add3A_89, %squeeze3A_91 : vector<32x32xf32>
    %dot_general3A_93 = arith.constant dense<0.000000e+00> : vector<1024x32xf32>
    %dot_general3A_94 = tpu.matmul %add3A_80, %add3A_92, %dot_general3A_93 {dimension_numbers = #tpu.dot_dimension_numbers<[1], [1], [0], [0], [0, 0, 1, 0], [], []>, transpose_lhs_hint = false} : vector<1024x32xf32>, vector<32x32xf32>, vector<1024x32xf32> -> vector<1024x32xf32>
    %slice3A_95 = vector.extract_strided_slice %get3A_84 {offsets = [2, 0, 0], sizes = [1, 32, 32], strides = [1, 1, 1]} : vector<3x32x32xf32> to vector<1x32x32xf32>
    %squeeze3A_96 = vector.shape_cast %slice3A_95 : vector<1x32x32xf32> to vector<32x32xf32>
    %dot_general3A_97 = arith.constant dense<0.000000e+00> : vector<1024x32xf32>
    %dot_general3A_98 = tpu.matmul %slice3A_74, %squeeze3A_96, %dot_general3A_97 {dimension_numbers = #tpu.dot_dimension_numbers<[1], [1], [0], [0], [0, 0, 1, 0], [], []>, transpose_lhs_hint = false} : vector<1024x32xf32>, vector<32x32xf32>, vector<1024x32xf32> -> vector<1024x32xf32>
    %sub3A_99 = arith.subf %dot_general3A_94, %dot_general3A_98 : vector<1024x32xf32>
    %slice3A_100 = vector.extract_strided_slice %get3A_84 {offsets = [0, 0, 0], sizes = [1, 32, 32], strides = [1, 1, 1]} : vector<3x32x32xf32> to vector<1x32x32xf32>
    %squeeze3A_101 = vector.shape_cast %slice3A_100 : vector<1x32x32xf32> to vector<32x32xf32>
    %dot_general3A_102 = arith.constant dense<0.000000e+00> : vector<1024x32xf32>
    %dot_general3A_103 = tpu.matmul %slice3A_77, %squeeze3A_101, %dot_general3A_102 {dimension_numbers = #tpu.dot_dimension_numbers<[1], [1], [0], [0], [0, 0, 1, 0], [], []>, transpose_lhs_hint = false} : vector<1024x32xf32>, vector<32x32xf32>, vector<1024x32xf32> -> vector<1024x32xf32>
    %sub3A_104 = arith.subf %sub3A_99, %dot_general3A_103 : vector<1024x32xf32>
    %mul3A_105 = arith.constant 2.500000e-01 : f32
    %mul3A_106 = vector.broadcast %mul3A_105 : f32 to vector<1024x32xf32>
    %mul3A_107 = arith.mulf %sub3A_104, %mul3A_106 : vector<1024x32xf32>
    %get3A_108 = arith.constant 0 : index
    %get3A_109 = arith.constant 0 : index
    %get3A_110 = vector.load %arg25[%get3A_108, %get3A_109] : memref<1x32xf32, #tpu.memory_space<vmem>>, vector<1x32xf32>
    %add3A_111 = vector.broadcast %get3A_110 : vector<1x32xf32> to vector<1024x32xf32>
    %add3A_112 = arith.addf %mul3A_107, %add3A_111 : vector<1024x32xf32>
    %slice3A_113 = vector.extract_strided_slice %get3A_25 {offsets = [0, 0], sizes = [1024, 32], strides = [1, 1]} : vector<1024x128xf32> to vector<1024x32xf32>
    %slice3A_114 = vector.extract_strided_slice %get3A_28 {offsets = [0, 0], sizes = [1024, 32], strides = [1, 1]} : vector<1024x128xf32> to vector<1024x32xf32>
    %slice3A_115 = vector.extract_strided_slice %get3A_31 {offsets = [0, 0], sizes = [1024, 32], strides = [1, 1]} : vector<1024x128xf32> to vector<1024x32xf32>
    %slice3A_116 = vector.extract_strided_slice %get3A_34 {offsets = [0, 0], sizes = [1024, 32], strides = [1, 1]} : vector<1024x128xf32> to vector<1024x32xf32>
    %slice3A_117 = vector.extract_strided_slice %get3A_37 {offsets = [0, 0], sizes = [1024, 32], strides = [1, 1]} : vector<1024x128xf32> to vector<1024x32xf32>
    %slice3A_118 = vector.extract_strided_slice %get3A_40 {offsets = [0, 0], sizes = [1024, 32], strides = [1, 1]} : vector<1024x128xf32> to vector<1024x32xf32>
    %add3A_119 = arith.addf %slice3A_113, %slice3A_114 : vector<1024x32xf32>
    %add3A_120 = arith.addf %add3A_119, %slice3A_115 : vector<1024x32xf32>
    %add3A_121 = arith.addf %add3A_120, %slice3A_116 : vector<1024x32xf32>
    %add3A_122 = arith.addf %add3A_121, %slice3A_117 : vector<1024x32xf32>
    %add3A_123 = arith.addf %add3A_122, %slice3A_118 : vector<1024x32xf32>
    %get3A_124 = arith.constant 0 : index
    %get3A_125 = arith.constant 0 : index
    %get3A_126 = arith.constant 0 : index
    %get3A_127 = vector.load %arg26[%get3A_124, %get3A_125, %get3A_126] : memref<3x32x32xf32, #tpu.memory_space<vmem>>, vector<3x32x32xf32>
    %slice3A_128 = vector.extract_strided_slice %get3A_127 {offsets = [0, 0, 0], sizes = [1, 32, 32], strides = [1, 1, 1]} : vector<3x32x32xf32> to vector<1x32x32xf32>
    %squeeze3A_129 = vector.shape_cast %slice3A_128 : vector<1x32x32xf32> to vector<32x32xf32>
    %slice3A_130 = vector.extract_strided_slice %get3A_127 {offsets = [1, 0, 0], sizes = [1, 32, 32], strides = [1, 1, 1]} : vector<3x32x32xf32> to vector<1x32x32xf32>
    %squeeze3A_131 = vector.shape_cast %slice3A_130 : vector<1x32x32xf32> to vector<32x32xf32>
    %add3A_132 = arith.addf %squeeze3A_129, %squeeze3A_131 : vector<32x32xf32>
    %slice3A_133 = vector.extract_strided_slice %get3A_127 {offsets = [2, 0, 0], sizes = [1, 32, 32], strides = [1, 1, 1]} : vector<3x32x32xf32> to vector<1x32x32xf32>
    %squeeze3A_134 = vector.shape_cast %slice3A_133 : vector<1x32x32xf32> to vector<32x32xf32>
    %add3A_135 = arith.addf %add3A_132, %squeeze3A_134 : vector<32x32xf32>
    %dot_general3A_136 = arith.constant dense<0.000000e+00> : vector<1024x32xf32>
    %dot_general3A_137 = tpu.matmul %add3A_123, %add3A_135, %dot_general3A_136 {dimension_numbers = #tpu.dot_dimension_numbers<[1], [1], [0], [0], [0, 0, 1, 0], [], []>, transpose_lhs_hint = false} : vector<1024x32xf32>, vector<32x32xf32>, vector<1024x32xf32> -> vector<1024x32xf32>
    %slice3A_138 = vector.extract_strided_slice %get3A_127 {offsets = [2, 0, 0], sizes = [1, 32, 32], strides = [1, 1, 1]} : vector<3x32x32xf32> to vector<1x32x32xf32>
    %squeeze3A_139 = vector.shape_cast %slice3A_138 : vector<1x32x32xf32> to vector<32x32xf32>
    %dot_general3A_140 = arith.constant dense<0.000000e+00> : vector<1024x32xf32>
    %dot_general3A_141 = tpu.matmul %slice3A_113, %squeeze3A_139, %dot_general3A_140 {dimension_numbers = #tpu.dot_dimension_numbers<[1], [1], [0], [0], [0, 0, 1, 0], [], []>, transpose_lhs_hint = false} : vector<1024x32xf32>, vector<32x32xf32>, vector<1024x32xf32> -> vector<1024x32xf32>
    %sub3A_142 = arith.subf %dot_general3A_137, %dot_general3A_141 : vector<1024x32xf32>
    %slice3A_143 = vector.extract_strided_slice %get3A_127 {offsets = [0, 0, 0], sizes = [1, 32, 32], strides = [1, 1, 1]} : vector<3x32x32xf32> to vector<1x32x32xf32>
    %squeeze3A_144 = vector.shape_cast %slice3A_143 : vector<1x32x32xf32> to vector<32x32xf32>
    %dot_general3A_145 = arith.constant dense<0.000000e+00> : vector<1024x32xf32>
    %dot_general3A_146 = tpu.matmul %slice3A_118, %squeeze3A_144, %dot_general3A_145 {dimension_numbers = #tpu.dot_dimension_numbers<[1], [1], [0], [0], [0, 0, 1, 0], [], []>, transpose_lhs_hint = false} : vector<1024x32xf32>, vector<32x32xf32>, vector<1024x32xf32> -> vector<1024x32xf32>
    %sub3A_147 = arith.subf %sub3A_142, %dot_general3A_146 : vector<1024x32xf32>
    %mul3A_148 = arith.constant 0.166666672 : f32
    %mul3A_149 = vector.broadcast %mul3A_148 : f32 to vector<1024x32xf32>
    %mul3A_150 = arith.mulf %sub3A_147, %mul3A_149 : vector<1024x32xf32>
    %get3A_151 = arith.constant 0 : index
    %get3A_152 = arith.constant 0 : index
    %get3A_153 = vector.load %arg27[%get3A_151, %get3A_152] : memref<1x32xf32, #tpu.memory_space<vmem>>, vector<1x32xf32>
    %add3A_154 = vector.broadcast %get3A_153 : vector<1x32xf32> to vector<1024x32xf32>
    %add3A_155 = arith.addf %mul3A_150, %add3A_154 : vector<1024x32xf32>
    %get3A_156 = arith.constant 0 : index
    %get3A_157 = arith.constant 0 : index
    %get3A_158 = vector.load %arg15[%get3A_156, %get3A_157] : memref<1024x128xf32, #tpu.memory_space<vmem>>, vector<1024x128xf32>
    %get3A_159 = arith.constant 0 : index
    %get3A_160 = arith.constant 0 : index
    %get3A_161 = vector.load %arg18[%get3A_159, %get3A_160] : memref<1024x1xi32, #tpu.memory_space<vmem>>, vector<1024x1xi32>
    %slice3A_162 = vector.extract_strided_slice %get3A_158 {offsets = [0, 0], sizes = [1024, 32], strides = [1, 1]} : vector<1024x128xf32> to vector<1024x32xf32>
    %eq3A = arith.constant 1 : i32
    %eq3A_163 = vector.broadcast %eq3A : i32 to vector<1024x1xi32>
    %eq3A_164 = arith.cmpi eq, %get3A_161, %eq3A_163 : vector<1024x1xi32>
    %slice3A_165 = vector.extract_strided_slice %get3A_158 {offsets = [0, 32], sizes = [1024, 32], strides = [1, 1]} : vector<1024x128xf32> to vector<1024x32xf32>
    %broadcast_in_dim3A = vector.shape_cast %eq3A_164 : vector<1024x1xi1> to vector<1024x1xi1>
    %broadcast_in_dim3A_166 = vector.broadcast %broadcast_in_dim3A : vector<1024x1xi1> to vector<1024x32xi1>
    %select_n3A = arith.select %broadcast_in_dim3A_166, %slice3A_165, %slice3A_162 : vector<1024x32xi1>, vector<1024x32xf32>
    %eq3A_167 = arith.constant 2 : i32
    %eq3A_168 = vector.broadcast %eq3A_167 : i32 to vector<1024x1xi32>
    %eq3A_169 = arith.cmpi eq, %get3A_161, %eq3A_168 : vector<1024x1xi32>
    %slice3A_170 = vector.extract_strided_slice %get3A_158 {offsets = [0, 64], sizes = [1024, 32], strides = [1, 1]} : vector<1024x128xf32> to vector<1024x32xf32>
    %broadcast_in_dim3A_171 = vector.shape_cast %eq3A_169 : vector<1024x1xi1> to vector<1024x1xi1>
    %broadcast_in_dim3A_172 = vector.broadcast %broadcast_in_dim3A_171 : vector<1024x1xi1> to vector<1024x32xi1>
    %select_n3A_173 = arith.select %broadcast_in_dim3A_172, %slice3A_170, %select_n3A : vector<1024x32xi1>, vector<1024x32xf32>
    %eq3A_174 = arith.constant 3 : i32
    %eq3A_175 = vector.broadcast %eq3A_174 : i32 to vector<1024x1xi32>
    %eq3A_176 = arith.cmpi eq, %get3A_161, %eq3A_175 : vector<1024x1xi32>
    %slice3A_177 = vector.extract_strided_slice %get3A_158 {offsets = [0, 96], sizes = [1024, 32], strides = [1, 1]} : vector<1024x128xf32> to vector<1024x32xf32>
    %broadcast_in_dim3A_178 = vector.shape_cast %eq3A_176 : vector<1024x1xi1> to vector<1024x1xi1>
    %broadcast_in_dim3A_179 = vector.broadcast %broadcast_in_dim3A_178 : vector<1024x1xi1> to vector<1024x32xi1>
    %select_n3A_180 = arith.select %broadcast_in_dim3A_179, %slice3A_177, %select_n3A_173 : vector<1024x32xi1>, vector<1024x32xf32>
    %get3A_181 = arith.constant 0 : index
    %get3A_182 = arith.constant 0 : index
    %get3A_183 = vector.load %arg16[%get3A_181, %get3A_182] : memref<1024x128xf32, #tpu.memory_space<vmem>>, vector<1024x128xf32>
    %get3A_184 = arith.constant 0 : index
    %get3A_185 = arith.constant 0 : index
    %get3A_186 = vector.load %arg19[%get3A_184, %get3A_185] : memref<1024x1xi32, #tpu.memory_space<vmem>>, vector<1024x1xi32>
    %slice3A_187 = vector.extract_strided_slice %get3A_183 {offsets = [0, 0], sizes = [1024, 32], strides = [1, 1]} : vector<1024x128xf32> to vector<1024x32xf32>
    %eq3A_188 = arith.constant 1 : i32
    %eq3A_189 = vector.broadcast %eq3A_188 : i32 to vector<1024x1xi32>
    %eq3A_190 = arith.cmpi eq, %get3A_186, %eq3A_189 : vector<1024x1xi32>
    %slice3A_191 = vector.extract_strided_slice %get3A_183 {offsets = [0, 32], sizes = [1024, 32], strides = [1, 1]} : vector<1024x128xf32> to vector<1024x32xf32>
    %broadcast_in_dim3A_192 = vector.shape_cast %eq3A_190 : vector<1024x1xi1> to vector<1024x1xi1>
    %broadcast_in_dim3A_193 = vector.broadcast %broadcast_in_dim3A_192 : vector<1024x1xi1> to vector<1024x32xi1>
    %select_n3A_194 = arith.select %broadcast_in_dim3A_193, %slice3A_191, %slice3A_187 : vector<1024x32xi1>, vector<1024x32xf32>
    %eq3A_195 = arith.constant 2 : i32
    %eq3A_196 = vector.broadcast %eq3A_195 : i32 to vector<1024x1xi32>
    %eq3A_197 = arith.cmpi eq, %get3A_186, %eq3A_196 : vector<1024x1xi32>
    %slice3A_198 = vector.extract_strided_slice %get3A_183 {offsets = [0, 64], sizes = [1024, 32], strides = [1, 1]} : vector<1024x128xf32> to vector<1024x32xf32>
    %broadcast_in_dim3A_199 = vector.shape_cast %eq3A_197 : vector<1024x1xi1> to vector<1024x1xi1>
    %broadcast_in_dim3A_200 = vector.broadcast %broadcast_in_dim3A_199 : vector<1024x1xi1> to vector<1024x32xi1>
    %select_n3A_201 = arith.select %broadcast_in_dim3A_200, %slice3A_198, %select_n3A_194 : vector<1024x32xi1>, vector<1024x32xf32>
    %eq3A_202 = arith.constant 3 : i32
    %eq3A_203 = vector.broadcast %eq3A_202 : i32 to vector<1024x1xi32>
    %eq3A_204 = arith.cmpi eq, %get3A_186, %eq3A_203 : vector<1024x1xi32>
    %slice3A_205 = vector.extract_strided_slice %get3A_183 {offsets = [0, 96], sizes = [1024, 32], strides = [1, 1]} : vector<1024x128xf32> to vector<1024x32xf32>
    %broadcast_in_dim3A_206 = vector.shape_cast %eq3A_204 : vector<1024x1xi1> to vector<1024x1xi1>
    %broadcast_in_dim3A_207 = vector.broadcast %broadcast_in_dim3A_206 : vector<1024x1xi1> to vector<1024x32xi1>
    %select_n3A_208 = arith.select %broadcast_in_dim3A_207, %slice3A_205, %select_n3A_201 : vector<1024x32xi1>, vector<1024x32xf32>
    %get3A_209 = arith.constant 0 : index
    %get3A_210 = arith.constant 0 : index
    %get3A_211 = vector.load %arg17[%get3A_209, %get3A_210] : memref<1024x128xf32, #tpu.memory_space<vmem>>, vector<1024x128xf32>
    %get3A_212 = arith.constant 0 : index
    %get3A_213 = arith.constant 0 : index
    %get3A_214 = vector.load %arg20[%get3A_212, %get3A_213] : memref<1024x1xi32, #tpu.memory_space<vmem>>, vector<1024x1xi32>
    %slice3A_215 = vector.extract_strided_slice %get3A_211 {offsets = [0, 0], sizes = [1024, 16], strides = [1, 1]} : vector<1024x128xf32> to vector<1024x16xf32>
    %eq3A_216 = arith.constant 1 : i32
    %eq3A_217 = vector.broadcast %eq3A_216 : i32 to vector<1024x1xi32>
    %eq3A_218 = arith.cmpi eq, %get3A_214, %eq3A_217 : vector<1024x1xi32>
    %slice3A_219 = vector.extract_strided_slice %get3A_211 {offsets = [0, 16], sizes = [1024, 16], strides = [1, 1]} : vector<1024x128xf32> to vector<1024x16xf32>
    %broadcast_in_dim3A_220 = vector.shape_cast %eq3A_218 : vector<1024x1xi1> to vector<1024x1xi1>
    %broadcast_in_dim3A_221 = vector.broadcast %broadcast_in_dim3A_220 : vector<1024x1xi1> to vector<1024x16xi1>
    %select_n3A_222 = arith.select %broadcast_in_dim3A_221, %slice3A_219, %slice3A_215 : vector<1024x16xi1>, vector<1024x16xf32>
    %eq3A_223 = arith.constant 2 : i32
    %eq3A_224 = vector.broadcast %eq3A_223 : i32 to vector<1024x1xi32>
    %eq3A_225 = arith.cmpi eq, %get3A_214, %eq3A_224 : vector<1024x1xi32>
    %slice3A_226 = vector.extract_strided_slice %get3A_211 {offsets = [0, 32], sizes = [1024, 16], strides = [1, 1]} : vector<1024x128xf32> to vector<1024x16xf32>
    %broadcast_in_dim3A_227 = vector.shape_cast %eq3A_225 : vector<1024x1xi1> to vector<1024x1xi1>
    %broadcast_in_dim3A_228 = vector.broadcast %broadcast_in_dim3A_227 : vector<1024x1xi1> to vector<1024x16xi1>
    %select_n3A_229 = arith.select %broadcast_in_dim3A_228, %slice3A_226, %select_n3A_222 : vector<1024x16xi1>, vector<1024x16xf32>
    %eq3A_230 = arith.constant 3 : i32
    %eq3A_231 = vector.broadcast %eq3A_230 : i32 to vector<1024x1xi32>
    %eq3A_232 = arith.cmpi eq, %get3A_214, %eq3A_231 : vector<1024x1xi32>
    %slice3A_233 = vector.extract_strided_slice %get3A_211 {offsets = [0, 48], sizes = [1024, 16], strides = [1, 1]} : vector<1024x128xf32> to vector<1024x16xf32>
    %broadcast_in_dim3A_234 = vector.shape_cast %eq3A_232 : vector<1024x1xi1> to vector<1024x1xi1>
    %broadcast_in_dim3A_235 = vector.broadcast %broadcast_in_dim3A_234 : vector<1024x1xi1> to vector<1024x16xi1>
    %select_n3A_236 = arith.select %broadcast_in_dim3A_235, %slice3A_233, %select_n3A_229 : vector<1024x16xi1>, vector<1024x16xf32>
    %eq3A_237 = arith.constant 4 : i32
    %eq3A_238 = vector.broadcast %eq3A_237 : i32 to vector<1024x1xi32>
    %eq3A_239 = arith.cmpi eq, %get3A_214, %eq3A_238 : vector<1024x1xi32>
    %slice3A_240 = vector.extract_strided_slice %get3A_211 {offsets = [0, 64], sizes = [1024, 16], strides = [1, 1]} : vector<1024x128xf32> to vector<1024x16xf32>
    %broadcast_in_dim3A_241 = vector.shape_cast %eq3A_239 : vector<1024x1xi1> to vector<1024x1xi1>
    %broadcast_in_dim3A_242 = vector.broadcast %broadcast_in_dim3A_241 : vector<1024x1xi1> to vector<1024x16xi1>
    %select_n3A_243 = arith.select %broadcast_in_dim3A_242, %slice3A_240, %select_n3A_236 : vector<1024x16xi1>, vector<1024x16xf32>
    %eq3A_244 = arith.constant 5 : i32
    %eq3A_245 = vector.broadcast %eq3A_244 : i32 to vector<1024x1xi32>
    %eq3A_246 = arith.cmpi eq, %get3A_214, %eq3A_245 : vector<1024x1xi32>
    %slice3A_247 = vector.extract_strided_slice %get3A_211 {offsets = [0, 80], sizes = [1024, 16], strides = [1, 1]} : vector<1024x128xf32> to vector<1024x16xf32>
    %broadcast_in_dim3A_248 = vector.shape_cast %eq3A_246 : vector<1024x1xi1> to vector<1024x1xi1>
    %broadcast_in_dim3A_249 = vector.broadcast %broadcast_in_dim3A_248 : vector<1024x1xi1> to vector<1024x16xi1>
    %select_n3A_250 = arith.select %broadcast_in_dim3A_249, %slice3A_247, %select_n3A_243 : vector<1024x16xi1>, vector<1024x16xf32>
    %eq3A_251 = arith.constant 6 : i32
    %eq3A_252 = vector.broadcast %eq3A_251 : i32 to vector<1024x1xi32>
    %eq3A_253 = arith.cmpi eq, %get3A_214, %eq3A_252 : vector<1024x1xi32>
    %slice3A_254 = vector.extract_strided_slice %get3A_211 {offsets = [0, 96], sizes = [1024, 16], strides = [1, 1]} : vector<1024x128xf32> to vector<1024x16xf32>
    %broadcast_in_dim3A_255 = vector.shape_cast %eq3A_253 : vector<1024x1xi1> to vector<1024x1xi1>
    %broadcast_in_dim3A_256 = vector.broadcast %broadcast_in_dim3A_255 : vector<1024x1xi1> to vector<1024x16xi1>
    %select_n3A_257 = arith.select %broadcast_in_dim3A_256, %slice3A_254, %select_n3A_250 : vector<1024x16xi1>, vector<1024x16xf32>
    %eq3A_258 = arith.constant 7 : i32
    %eq3A_259 = vector.broadcast %eq3A_258 : i32 to vector<1024x1xi32>
    %eq3A_260 = arith.cmpi eq, %get3A_214, %eq3A_259 : vector<1024x1xi32>
    %slice3A_261 = vector.extract_strided_slice %get3A_211 {offsets = [0, 112], sizes = [1024, 16], strides = [1, 1]} : vector<1024x128xf32> to vector<1024x16xf32>
    %broadcast_in_dim3A_262 = vector.shape_cast %eq3A_260 : vector<1024x1xi1> to vector<1024x1xi1>
    %broadcast_in_dim3A_263 = vector.broadcast %broadcast_in_dim3A_262 : vector<1024x1xi1> to vector<1024x16xi1>
    %select_n3A_264 = arith.select %broadcast_in_dim3A_263, %slice3A_261, %select_n3A_257 : vector<1024x16xi1>, vector<1024x16xf32>
    %get3A_265 = arith.constant 0 : index
    %get3A_266 = arith.constant 0 : index
    %get3A_267 = vector.load %arg21[%get3A_265, %get3A_266] : memref<1024x1xf32, #tpu.memory_space<vmem>>, vector<1024x1xf32>
    %get3A_268 = arith.constant 0 : index
    %get3A_269 = arith.constant 0 : index
    %get3A_270 = vector.load %arg28[%get3A_268, %get3A_269] : memref<1x16xf32, #tpu.memory_space<vmem>>, vector<1x16xf32>
    %mul3A_271 = vector.broadcast %get3A_267 : vector<1024x1xf32> to vector<1024x16xf32>
    %mul3A_272 = vector.broadcast %get3A_270 : vector<1x16xf32> to vector<1024x16xf32>
    %mul3A_273 = arith.mulf %mul3A_271, %mul3A_272 : vector<1024x16xf32>
    %get3A_274 = arith.constant 0 : index
    %get3A_275 = arith.constant 0 : index
    %get3A_276 = vector.load %arg29[%get3A_274, %get3A_275] : memref<1x16xf32, #tpu.memory_space<vmem>>, vector<1x16xf32>
    %add3A_277 = vector.broadcast %get3A_276 : vector<1x16xf32> to vector<1024x16xf32>
    %add3A_278 = arith.addf %mul3A_273, %add3A_277 : vector<1024x16xf32>
    %concatenate3A = tpu.concatenate %add3A_73, %add3A_112, %add3A_155, %select_n3A_180, %select_n3A_208, %select_n3A_264, %add3A_278 in 1 : vector<1024x32xf32>, vector<1024x32xf32>, vector<1024x32xf32>, vector<1024x32xf32>, vector<1024x32xf32>, vector<1024x16xf32>, vector<1024x16xf32> -> vector<1024x192xf32>
    %swap3A = arith.constant 0 : index
    %swap3A_279 = arith.constant 0 : index
    %swap3A_280 = vector.load %arg30[%swap3A, %swap3A_279] : memref<1024x192xf32, #tpu.memory_space<vmem>>, vector<1024x192xf32>
    tpu.vector_store %arg30[%swap3A, %swap3A_279], %concatenate3A {strides = array<i32>} : memref<1024x192xf32, #tpu.memory_space<vmem>>, vector<1024x192xf32>,
    return
  }
  func.func @transform_0(%arg0: i32) -> (i32, i32) {
    %c0_i32 = arith.constant 0 : i32
    %c0_i32_0 = arith.constant 0 : i32
    return %arg0, %c0_i32 : i32, i32
  }
  func.func @transform_1(%arg0: i32) -> (i32, i32) {
    %c0_i32 = arith.constant 0 : i32
    %c0_i32_0 = arith.constant 0 : i32
    return %arg0, %c0_i32 : i32, i32
  }
  func.func @transform_2(%arg0: i32) -> (i32, i32) {
    %c0_i32 = arith.constant 0 : i32
    %c0_i32_0 = arith.constant 0 : i32
    return %arg0, %c0_i32 : i32, i32
  }
  func.func @transform_3(%arg0: i32) -> (i32, i32) {
    %c0_i32 = arith.constant 0 : i32
    %c0_i32_0 = arith.constant 0 : i32
    return %arg0, %c0_i32 : i32, i32
  }
  func.func @transform_4(%arg0: i32) -> (i32, i32) {
    %c0_i32 = arith.constant 0 : i32
    %c0_i32_0 = arith.constant 0 : i32
    return %arg0, %c0_i32 : i32, i32
  }
  func.func @transform_5(%arg0: i32) -> (i32, i32) {
    %c0_i32 = arith.constant 0 : i32
    %c0_i32_0 = arith.constant 0 : i32
    return %arg0, %c0_i32 : i32, i32
  }
  func.func @transform_6(%arg0: i32) -> (i32, i32) {
    %c0_i32 = arith.constant 0 : i32
    %c0_i32_0 = arith.constant 0 : i32
    return %arg0, %c0_i32 : i32, i32
  }
  func.func @transform_7(%arg0: i32) -> (i32, i32) {
    %c0_i32 = arith.constant 0 : i32
    %c0_i32_0 = arith.constant 0 : i32
    return %arg0, %c0_i32 : i32, i32
  }
  func.func @transform_8(%arg0: i32) -> (i32, i32) {
    %c0_i32 = arith.constant 0 : i32
    %c0_i32_0 = arith.constant 0 : i32
    return %arg0, %c0_i32 : i32, i32
  }
  func.func @transform_9(%arg0: i32) -> (i32, i32) {
    %c0_i32 = arith.constant 0 : i32
    %c0_i32_0 = arith.constant 0 : i32
    return %arg0, %c0_i32 : i32, i32
  }
  func.func @transform_10(%arg0: i32) -> (i32, i32) {
    %c0_i32 = arith.constant 0 : i32
    %c0_i32_0 = arith.constant 0 : i32
    return %arg0, %c0_i32 : i32, i32
  }
  func.func @transform_11(%arg0: i32) -> (i32, i32) {
    %c0_i32 = arith.constant 0 : i32
    %c0_i32_0 = arith.constant 0 : i32
    return %arg0, %c0_i32 : i32, i32
  }
  func.func @transform_12(%arg0: i32) -> (i32, i32) {
    %c0_i32 = arith.constant 0 : i32
    %c0_i32_0 = arith.constant 0 : i32
    return %arg0, %c0_i32 : i32, i32
  }
  func.func @transform_13(%arg0: i32) -> (i32, i32) {
    %c0_i32 = arith.constant 0 : i32
    %c0_i32_0 = arith.constant 0 : i32
    return %arg0, %c0_i32 : i32, i32
  }
  func.func @transform_14(%arg0: i32) -> (i32, i32) {
    %c0_i32 = arith.constant 0 : i32
    %c0_i32_0 = arith.constant 0 : i32
    return %arg0, %c0_i32 : i32, i32
  }
  func.func @transform_15(%arg0: i32) -> (i32, i32) {
    %c0_i32 = arith.constant 0 : i32
    %c0_i32_0 = arith.constant 0 : i32
    return %arg0, %c0_i32 : i32, i32
  }
  func.func @transform_16(%arg0: i32) -> (i32, i32) {
    %c0_i32 = arith.constant 0 : i32
    %c0_i32_0 = arith.constant 0 : i32
    return %arg0, %c0_i32 : i32, i32
  }
  func.func @transform_17(%arg0: i32) -> (i32, i32) {
    %c0_i32 = arith.constant 0 : i32
    %c0_i32_0 = arith.constant 0 : i32
    return %arg0, %c0_i32 : i32, i32
  }
  func.func @transform_18(%arg0: i32) -> (i32, i32) {
    %c0_i32 = arith.constant 0 : i32
    %c0_i32_0 = arith.constant 0 : i32
    return %arg0, %c0_i32 : i32, i32
  }
  func.func @transform_19(%arg0: i32) -> (i32, i32) {
    %c0_i32 = arith.constant 0 : i32
    %c0_i32_0 = arith.constant 0 : i32
    return %arg0, %c0_i32 : i32, i32
  }
  func.func @transform_20(%arg0: i32) -> (i32, i32) {
    %c0_i32 = arith.constant 0 : i32
    %c0_i32_0 = arith.constant 0 : i32
    return %arg0, %c0_i32 : i32, i32
  }
  func.func @transform_21(%arg0: i32) -> (i32, i32, i32) {
    %c0_i32 = arith.constant 0 : i32
    %c0_i32_0 = arith.constant 0 : i32
    %c0_i32_1 = arith.constant 0 : i32
    %c0_i32_2 = arith.constant 0 : i32
    return %c0_i32, %c0_i32_0, %c0_i32_1 : i32, i32, i32
  }
  func.func @transform_22(%arg0: i32) -> (i32, i32) {
    %c0_i32 = arith.constant 0 : i32
    %c0_i32_0 = arith.constant 0 : i32
    %c0_i32_1 = arith.constant 0 : i32
    return %c0_i32, %c0_i32_0 : i32, i32
  }
  func.func @transform_23(%arg0: i32) -> (i32, i32, i32) {
    %c0_i32 = arith.constant 0 : i32
    %c0_i32_0 = arith.constant 0 : i32
    %c0_i32_1 = arith.constant 0 : i32
    %c0_i32_2 = arith.constant 0 : i32
    return %c0_i32, %c0_i32_0, %c0_i32_1 : i32, i32, i32
  }
  func.func @transform_24(%arg0: i32) -> (i32, i32) {
    %c0_i32 = arith.constant 0 : i32
    %c0_i32_0 = arith.constant 0 : i32
    %c0_i32_1 = arith.constant 0 : i32
    return %c0_i32, %c0_i32_0 : i32, i32
  }
  func.func @transform_25(%arg0: i32) -> (i32, i32, i32) {
    %c0_i32 = arith.constant 0 : i32
    %c0_i32_0 = arith.constant 0 : i32
    %c0_i32_1 = arith.constant 0 : i32
    %c0_i32_2 = arith.constant 0 : i32
    return %c0_i32, %c0_i32_0, %c0_i32_1 : i32, i32, i32
  }
  func.func @transform_26(%arg0: i32) -> (i32, i32) {
    %c0_i32 = arith.constant 0 : i32
    %c0_i32_0 = arith.constant 0 : i32
    %c0_i32_1 = arith.constant 0 : i32
    return %c0_i32, %c0_i32_0 : i32, i32
  }
  func.func @transform_27(%arg0: i32) -> (i32, i32) {
    %c0_i32 = arith.constant 0 : i32
    %c0_i32_0 = arith.constant 0 : i32
    %c0_i32_1 = arith.constant 0 : i32
    return %c0_i32, %c0_i32_0 : i32, i32
  }
  func.func @transform_28(%arg0: i32) -> (i32, i32) {
    %c0_i32 = arith.constant 0 : i32
    %c0_i32_0 = arith.constant 0 : i32
    %c0_i32_1 = arith.constant 0 : i32
    return %c0_i32, %c0_i32_0 : i32, i32
  }
  func.func @transform_29(%arg0: i32) -> (i32, i32) {
    %c0_i32 = arith.constant 0 : i32
    %c0_i32_0 = arith.constant 0 : i32
    return %arg0, %c0_i32 : i32, i32
  }
}

</mosaic_0001>

<sc_bundles>
// kernel: kernel.4.cloned.1.call-start
scs
__scs_entry_jumppad:
0x0: {  	(pc) =	sbr.rel $0x88, $3  }
0x1: {  	(tag) =	ssettag $0x0;
	lr =	simm.s32 $0x1  }
0x2: {  	[smem:$0x3F8C] =	sst lr;
	_ =	strace $0xD0000000  }
0x3: {  	_ = 	snop  }
0x4: {  	_ = 	snop  }
0x5: {  	_ = 	snop  }
0x6: {  	_ = 	snop  }
0x7: {  	_ = 	snop  }
__scs_overlays_trampoline_lowered:
0x8: {  	[smem:$0x3F9B] =	sst s0  }
0x9: {  	[smem:$0x3F9C] =	sst s1  }
0xa: {  	[smem:$0x3F9D] =	sst s2  }
0xb: {  	[smem:$0x3F9E] =	sst s3  }
0xc: {  	[smem:$0x3F9F] =	sst s4  }
0xd: {  	[smem:$0x3FA0] =	sst s5  }
0xe: {  	[smem:$0x3FA1] =	sst s6  }
0xf: {  	[smem:$0x3FA2] =	sst s7  }
0x10: {  	[smem:$0x3FA3] =	sst s8  }
0x11: {  	[smem:$0x3FA4] =	sst s9;
	s0 =	simm.s32 @!p0 $0x0  }
0x12: {  	s1 =	sld [smem:$0x3F8A];
	s0 =	simm.s32 @p0 $0x1  }
0x13: {  	[smem:$0x3FA5] =	sst s0;
	s0 =	simm.s32 @!p1 $0x0  }
0x14: {  	s2 =	sld [smem:$0x3F89];
	s0 =	simm.s32 @p1 $0x1  }
0x15: {  	[smem:$0x3FA6] =	sst s0;
	s0 =	simm.s32 @!p2 $0x0  }
0x16: {  	s3 =	sld [smem:$0x3FDB];
	s0 =	simm.s32 @p2 $0x1  }
0x17: {  	s4 =	simm.s32 $0x1BF5;
	[smem:$0x3FA8] =	sst s0  }
0x18: {  	s0 =	sld [smem:$0x3F8B];
	_ =	swait.ge [sflag:s4], $0x0  }
0x19: {  	s7 =	sld [smem:$0x3F8C]  }
0x1a: {  	s8 =	sadd.s32 $0xFFFFE003, lr  }
0x1b: {  	s9 =	sadd.s32 $0xFFFFFEF7, lr;
	s5 =	simm.s32 $0xFFFFFFFF;
	p2 =	slt.u32 s8, $0xFFFFF086  }
0x1c: {  	p1 =	slt.u32 s9, $0xF7A;
	s5 =	simm.s32 @!p2 $0x0  }
0x1d: {  	s5 =	simm.s32 @p1 $0x1;
	p0 =	seq.s32 s7, s2  }
0x1e: {  	s7 =	smul.u32 @!p0 $0xF7A, s2;
	p2 =	seq.s32 @!p0 s5, $0x0  }
0x1f: {  	s9 =	smul.u32 $0xF7A, s1;
	s8 =	simm.s32 @!p0 $0x1BF5;
	p2 =	por !p2, p0  }
0x20: {  	[sflag:s8] =	ssyncset.s32 @!p0 $0xFFFFF086;
	s6 =	sadd.s32 @!p0 s3, s7;
	s7 =	simm.s32 @!p0 $0x108  }
0x21: {  	s3 =	sadd.s32 s3, s9;
	s6 =	sadd.s32 @!p0 $0x88, s6;
	s7 =	simm.s32 @p2 $0x1082  }
0x22: {  	[simem:s7], [sflag:s8] =	dma.local @!p0 [hbm:s6], $0xF7A  }
0x23: {  	s9 =	sor.u32 $0xD0000000, s2;
	s6 =	simm.s32 $0x108;
	_ =	swait.ge @!p0 [sflag:s8], $0x0  }
0x24: {  	s3 =	sadd.s32 $0x88, s3;
	s6 =	simm.s32 @!p1 $0x1082;
	[sflag:s4] =	ssyncset.s32 $0xFFFFF086  }
0x25: {  	[simem:s6], [sflag:s4] =	dma.local [hbm:s3], $0xF7A  }
0x26: {  	[smem:$0x3F8C] =	sst s1;
	(tag) =	ssettag s2;
	_ =	strace s9  }
0x27: {  	s1 =	sld [smem:$0x3F9C]  }
0x28: {  	s2 =	sld [smem:$0x3F9D]  }
0x29: {  	s4 =	sld [smem:$0x3F9F]  }
0x2a: {  	p0 =	seq.s32 s5, $0x0;
	s5 =	sld [smem:$0x3FA0]  }
0x2b: {  	s6 =	sld [smem:$0x3FA1]  }
0x2c: {  	s7 =	sld [smem:$0x3FA2]  }
0x2d: {  	s3 =	simm.s32 $0x108;
	s8 =	sld [smem:$0x3FA3]  }
0x2e: {  	s3 =	simm.s32 @!p0 $0x1082;
	s9 =	sld [smem:$0x3FA4]  }
0x2f: {  	lr =	sadd.s32 s0, s3;
	s0 =	sld [smem:$0x3F9B]  }
0x30: {  	s3 =	sld [smem:$0x3F9E]  }
0x31: {  	[smem:$0x3FA7] =	sst s10  }
0x32: {  	s10 =	sld [smem:$0x3FA5];
	_ =	sdelay $0x3  }
0x33: {  	p0 =	seq.s32 s10, $0x1;
	s10 =	sld [smem:$0x3FA7];
	_ =	sdelay $0x3  }
0x34: {  	[smem:$0x3FA7] =	sst s10  }
0x35: {  	s10 =	sld [smem:$0x3FA6];
	_ =	sdelay $0x3  }
0x36: {  	p1 =	seq.s32 s10, $0x1;
	s10 =	sld [smem:$0x3FA7];
	_ =	sdelay $0x3  }
0x37: {  	[smem:$0x3FA7] =	sst s10  }
0x38: {  	s10 =	sld [smem:$0x3FA8]  }
0x39: {  	_ = 	snop;
	(pc) =	sbr.ind lr, $3  }
0x3a: {  	_ = 	snop  }
0x3b: {  	_ = 	snop  }
0x3c: {  	p2 =	seq.s32 s10, $0x1;
	s10 =	sld [smem:$0x3FA7]  }
0x3d: {  	_ =	shalt  }
0x3e: {  	_ =	shalt  }
0x3f: {  	_ =	shalt  }
0x40: {  	_ =	shalt  }
0x41: {  	_ =	shalt  }
0x42: {  	_ =	shalt  }
0x43: {  	_ =	shalt  }
0x44: {  	_ =	shalt  }
0x45: {  	_ =	shalt  }
0x46: {  	_ =	shalt  }
0x47: {  	_ =	shalt  }
0x48: {  	_ =	shalt  }
0x49: {  	_ =	shalt  }
0x4a: {  	_ =	shalt  }
0x4b: {  	_ =	shalt  }
0x4c: {  	_ =	shalt  }
0x4d: {  	_ =	shalt  }
0x4e: {  	_ =	shalt  }
0x4f: {  	_ =	shalt  }
0x50: {  	_ =	shalt  }
0x51: {  	_ =	shalt  }
0x52: {  	_ =	shalt  }
0x53: {  	_ =	shalt  }
0x54: {  	_ =	shalt  }
0x55: {  	_ =	shalt  }
0x56: {  	_ =	shalt  }
0x57: {  	_ =	shalt  }
0x58: {  	_ =	shalt  }
0x59: {  	_ =	shalt  }
0x5a: {  	_ =	shalt  }
0x5b: {  	_ =	shalt  }
0x5c: {  	_ =	shalt  }
0x5d: {  	_ =	shalt  }
0x5e: {  	_ =	shalt  }
0x5f: {  	_ =	shalt  }
0x60: {  	_ =	shalt  }
0x61: {  	_ =	shalt  }
0x62: {  	_ =	shalt  }
0x63: {  	_ =	shalt  }
0x64: {  	_ =	shalt  }
0x65: {  	_ =	shalt  }
0x66: {  	_ =	shalt  }
0x67: {  	_ =	shalt  }
0x68: {  	_ =	shalt  }
0x69: {  	_ =	shalt  }
0x6a: {  	_ =	shalt  }
0x6b: {  	_ =	shalt  }
0x6c: {  	_ =	shalt  }
0x6d: {  	_ =	shalt  }
0x6e: {  	_ =	shalt  }
0x6f: {  	_ =	shalt  }
0x70: {  	_ =	shalt  }
0x71: {  	_ =	shalt  }
0x72: {  	_ =	shalt  }
0x73: {  	_ =	shalt  }
0x74: {  	_ =	shalt  }
0x75: {  	_ =	shalt  }
0x76: {  	_ =	shalt  }
0x77: {  	_ =	shalt  }
0x78: {  	_ =	shalt  }
0x79: {  	_ =	shalt  }
0x7a: {  	_ =	shalt  }
0x7b: {  	_ =	shalt  }
0x7c: {  	_ =	shalt  }
0x7d: {  	_ =	shalt  }
0x7e: {  	_ =	shalt  }
0x7f: {  	_ =	shalt  }
0x80: {  	_ =	shalt  }
0x81: {  	_ =	shalt  }
0x82: {  	_ =	shalt  }
0x83: {  	_ =	shalt  }
0x84: {  	_ =	shalt  }
0x85: {  	_ =	shalt  }
0x86: {  	_ =	shalt  }
0x87: {  	_ =	shalt  }
.Lfunc_end0:
.L_simem_size_0:
called_computation_lowered:
.L_overlay_start_0:
0x88: {  	s2 =	sld [smem:$0x3FD9]  }
0x89: {  	s3 =	sld [smem:$0x3FFE];
	_ =	sdelay $0x1  }
0x8a: {  	s1 =	srdreg.scid  }
0x8b: {  	s0 =	sand.u32 $0x1, s1  }
0x8c: {  	s17 =	sshll.u32 s0, $0xA;
	s2 =	sadd.s32 s3, s2  }
0x8d: {  	s2 =	sadd.s32 s2, s17  }
0x8e: {  	[smem:$0x3FB3] =	sst s2  }
0x8f: {  	_ = 	snop  }
0x90: {  	s2 =	sld [smem:$0x3FD0];
	(tm) =	ssettm $0x1  }
0x91: {  	s18 =	sld [smem:$0x3FFB];
	_ =	sdelay $0x3  }
0x92: {  	_ =	strace s18  }
0x93: {  	s3 =	sld [smem:$0x3FFC];
	_ =	sdelay $0x3  }
0x94: {  	_ =	strace s3  }
0x95: {  	s3 =	sld [smem:$0x3FFD];
	_ =	sdelay $0x3  }
0x96: {  	_ =	strace s3  }
0x97: {  	_ =	strace $0x8FFFFFFF  }
0x98: {  	s19 =	sld [smem:$0x3FDB];
	_ =	sdelay $0x1  }
0x99: {  	s4 =	simm.s32 $_scs_section_size  }
0x9a: {  	s5 =	simm.s32 $_size__tile_overlayer_lowered;
	s6 =	simm.s32 $_tile_overlayer_lowered  }
0x9b: {  	s22 =	simm.s32 $0x1BFF;
	s21 =	sshll.u32 s6, $0x1;
	s3 =	sadd.s32 s4, s19  }
0x9c: {  	s7 =	simm.s32 $0x0;
	s20 =	sshll.u32 s5, $0x1;
	s5 =	sadd.s32 s21, s3  }
0x9d: {  	[timem:s7], [sflag:s22] =	dma.local [hbm:s5], s20  }
0x9e: {  	_ =	swait.ge [sflag:s22], s20  }
0x9f: {  	s4 =	ssub.s32 $0x0, s20;
	[sflag:s22] =	ssyncset.done $0x0  }
0xa0: {  	[sflag:s22] =	ssyncadd.s32 s4;
	_ =	sdelay $0x1  }
0xa1: {  	s23 =	simm.s32 $0x1B8B  }
0xa2: {  	_ =	swait.ge [sflag:s23], $0x1  }
0xa3: {  	[sflag:s23] =	ssyncset.done $0x0  }
0xa4: {  	s25 =	simm.s32 $0x1B8E;
	s24 =	sld [smem:$0x3FFE];
	[sflag:s23] =	ssyncadd.s32 $0xFFFFFFFF  }
0xa5: {  	s26 =	simm.s32 $execute0_lowered;
	[smem:$0x3FD2] =	sst s25  }
0xa6: {  	s5 =	sshll.u32 s26, $0x1;
	_ =	strace $0x80000046;
	[dreg:$0x1] =	wrdreg $0xFFFFFFFF  }
0xa7: {  	s28 =	simm.s32 $_size_execute0_lowered;
	s3 =	sadd.s32 s3, s5;
	[dreg:$0x0] =	wrdreg $0x0  }
0xa8: {  	s5 =	sshll.u32 s28, $0x1;
	[dreg:$0x2] =	wrdreg s3  }
0xa9: {  	[dreg:$0x3] =	wrdreg s5  }
0xaa: {  	[dreg:$0x4] =	wrdreg $0xC0  }
0xab: {  	_ =	task [dreg:s7], $0x5FFFF  }
0xac: {  	[dreg:$0x1] =	wrdreg $0xFFFFFFFF  }
0xad: {  	[dreg:$0x0] =	wrdreg $0x60  }
0xae: {  	[dreg:$0x2] =	wrdreg s24  }
0xaf: {  	[dreg:$0x3] =	wrdreg s2  }
0xb0: {  	[dreg:$0x4] =	wrdreg $0x9  }
0xb1: {  	_ =	task.clear_ibuf [dreg:s7], $0x5FFFF;
	_ =	strace $0x90000046  }
0xb2: {  	s29 =	simm.s32 $0x9;
	_ =	strace $0x80000048  }
0xb3: {  	_ =	swait.ge [sflag:s29], $0x1  }
0xb4: {  	[sflag:s29] =	ssyncadd.s32 $0xFFFFFFFF  }
0xb5: {  	_ =	strace $0x90000048  }
0xb6: {  	_ =	sfence  }
0xb7: {  	s30 =	sld [smem:$0x0];
	_ =	sdelay $0x2  }
0xb8: {  	s31 =	sshll.u32 s1, $0xD;
	s1 =	sshrl.u32 s1, $0x2  }
0xb9: {  	s3 =	sand.u32 $0x4000, s31;
	s1 =	sadd.s32 s1, s30  }
0xba: {  	s0 =	sor.u32 s3, s0;
	s1 =	sshll.u32 s1, $0x11  }
0xbb: {  	s0 =	sor.u32 s1, s0  }
0xbc: {  	s0 =	sadd.s32 $0x8F2B, s0  }
0xbd: {  	[sflag:s0] =	ssyncadd.remote.s32 $0x1  }
0xbe: {  	_ =	sfence.sel $0xFFFF  }
0xbf: {  	[dreg:$0x0] =	wrdreg $0xFFFFFFFF;
	(pc) =	sbr.abs _section_cstart, $3  }
0xc0: {  	[dreg:$0x1] =	wrdreg $0xFFFFFFFF  }
0xc1: {  	_ =	task.clear_ibuf [dreg:s7], $0x2FFFF;
	_ =	strace $0x9FFFFFFF  }
0xc2: {  	(tm) =	ssettm $0x7FFFFFFF  }
0xc3: {  	_ =	shalt  }
tec
execute0_lowered:
.L_overlay_start_1:
0x0: {  	(tag) =	ssettag $0x1  }
0x1: {  	s1 =	srdreg.scid  }
0x2: {  	s0 =	stileid.u32;
	s31 =	sand.u32 $0x1, s1  }
0x3: {  	s12 =	sshll.u32 s0, $0xA;
	s4 =	sshll.u32 s31, $0x9  }
0x4: {  	s2 =	rddreg [dreg:$0x0];
	s3 =	simm.s32 $0x0;
	s12 =	sor.u32 s4, s12  }
0x5: {  	[smem:$0x7FF] =	sst s3;
	s5 =	sadd.s32 $0x9E00, s2;
	s1 =	sshrl.u32 s12, $0x3  }
0x6: {  	_ =	strace $0x80000047;
	s17 =	sshll.u32 s12, $0x4;
	s0 =	sadd.s32 s5, s1  }
0x7: {  	s1 =	sadd.s32 $0x1F600, s2;
	s6 =	sadd.s32 $0x800, s0;
	[smem:$0x7C7] =	sst s0  }
0x8: {  	[tilespmem:s3], [sflag:$0x7] =	stream.linear.gather [hbm4b:s0+s3], $0x100, $0x38;
	[tilespmem:$0x18300] =	vst v63  }
0x9: {  	s7 =	sadd.s32 s1, s17;
	[dreg:$0x3] =	wrdreg s6  }
0xa: {  	s13 =	sadd.s32 $0x1000, s0;
	[dreg:$0x4] =	wrdreg s7  }
0xb: {  	s14 =	sadd.s32 $0x1800, s0;
	[dreg:$0x5] =	wrdreg s13  }
0xc: {  	s15 =	sadd.s32 $0x2000, s0;
	[dreg:$0x7] =	wrdreg s14  }
0xd: {  	s16 =	sadd.s32 $0x2800, s0;
	[dreg:$0x9] =	wrdreg s15  }
0xe: {  	s18 =	sadd.s32 $0x3000, s0;
	[dreg:$0xb] =	wrdreg s16  }
0xf: {  	s19 =	sadd.s32 $0x3800, s0;
	[dreg:$0xd] =	wrdreg s18  }
0x10: {  	s20 =	sadd.s32 $0x4000, s0;
	[dreg:$0xf] =	wrdreg s19  }
0x11: {  	s21 =	sadd.s32 $0x4800, s0;
	[dreg:$0x11] =	wrdreg s20  }
0x12: {  	s22 =	sadd.s32 $0x5000, s0;
	[dreg:$0x13] =	wrdreg s21  }
0x13: {  	s23 =	sadd.s32 $0x5800, s0;
	[dreg:$0x15] =	wrdreg s22  }
0x14: {  	s24 =	sadd.s32 $0x6000, s0;
	[dreg:$0x17] =	wrdreg s23  }
0x15: {  	s25 =	sadd.s32 $0x6800, s0;
	[dreg:$0x19] =	wrdreg s24  }
0x16: {  	s26 =	sadd.s32 $0x7000, s0;
	[dreg:$0x1b] =	wrdreg s25  }
0x17: {  	s28 =	sadd.s32 $0x7800, s0;
	[dreg:$0x1d] =	wrdreg s26  }
0x18: {  	s30 =	sadd.s32 $0x8000, s0;
	[dreg:$0x1f] =	wrdreg s28  }
0x19: {  	[smem:$0x7C9] =	sst s30;
	s25 =	sadd.s32 $0x820, s0  }
0x1a: {  	s6 =	sadd.s32 $0x5F600, s2;
	s26 =	sadd.s32 $0x1020, s0;
	[smem:$0x7CD] =	sst s25  }
0x1b: {  	s7 =	sadd.s32 $0x9F600, s2;
	s8 =	sadd.s32 s6, s17;
	[smem:$0x7D1] =	sst s26  }
0x1c: {  	s23 =	sor.u32 $0x100, s12;
	s9 =	sadd.s32 s7, s17;
	[dreg:$0x6] =	wrdreg s8  }
0x1d: {  	s4 =	sshrl.u32 s23, $0x3;
	s26 =	sadd.s32 $0x4820, s0;
	[dreg:$0x8] =	wrdreg s9  }
0x1e: {  	s5 =	sadd.s32 s5, s4;
	[smem:$0x7E6] =	sst s26  }
0x1f: {  	s8 =	sadd.s32 $0xDF600, s2;
	s4 =	sadd.s32 $0x2020, s0;
	[smem:$0x7CC] =	sst s5  }
0x20: {  	s9 =	sadd.s32 $0x15F600, s2;
	s10 =	sadd.s32 s8, s17;
	[smem:$0x7D7] =	sst s4  }
0x21: {  	s11 =	sadd.s32 s9, s17;
	[dreg:$0xa] =	wrdreg s10  }
0x22: {  	s5 =	sshll.u32 s23, $0x4;
	s4 =	sadd.s32 $0x5820, s0;
	[dreg:$0xc] =	wrdreg s11  }
0x23: {  	s1 =	sadd.s32 s1, s5;
	[smem:$0x7EC] =	sst s4  }
0x24: {  	s28 =	sadd.s32 s6, s5;
	[smem:$0x7D0] =	sst s1  }
0x25: {  	s30 =	sadd.s32 s7, s5;
	[smem:$0x7D3] =	sst s28  }
0x26: {  	s6 =	sadd.s32 s8, s5;
	[smem:$0x7D6] =	sst s30  }
0x27: {  	s7 =	sadd.s32 $0x2820, s0;
	[smem:$0x7D9] =	sst s6  }
0x28: {  	s8 =	sadd.s32 s9, s5;
	[smem:$0x7DA] =	sst s7  }
0x29: {  	s10 =	sadd.s32 $0x19F600, s2;
	s9 =	sadd.s32 $0x3020, s0;
	[smem:$0x7DC] =	sst s8  }
0x2a: {  	s11 =	sadd.s32 $0x1DF600, s2;
	s13 =	sadd.s32 s10, s17;
	[smem:$0x7DD] =	sst s9  }
0x2b: {  	s14 =	sadd.s32 s11, s17;
	[dreg:$0xe] =	wrdreg s13  }
0x2c: {  	s10 =	sadd.s32 s10, s5;
	[dreg:$0x10] =	wrdreg s14  }
0x2d: {  	s23 =	sadd.s32 s11, s5;
	[smem:$0x7DF] =	sst s10  }
0x2e: {  	s7 =	sadd.s32 $0x6020, s0;
	[smem:$0x7E2] =	sst s23  }
0x2f: {  	s9 =	sadd.s32 $0x6820, s0;
	[smem:$0x7EF] =	sst s7  }
0x30: {  	s11 =	sadd.s32 $0x7020, s0;
	s13 =	sadd.s32 $0x21F600, s2;
	[smem:$0x7F2] =	sst s9  }
0x31: {  	s14 =	sadd.s32 $0x25F600, s2;
	[smem:$0x7F5] =	sst s11;
	s15 =	sadd.s32 s13, s17  }
0x32: {  	s16 =	sadd.s32 s14, s17;
	[dreg:$0x12] =	wrdreg s15  }
0x33: {  	s25 =	sadd.s32 s13, s5;
	[dreg:$0x14] =	wrdreg s16  }
0x34: {  	s28 =	sadd.s32 s14, s5;
	[smem:$0x7E5] =	sst s25  }
0x35: {  	s14 =	sadd.s32 $0x7820, s0;
	s15 =	sadd.s32 $0x29F600, s2;
	[smem:$0x7E8] =	sst s28  }
0x36: {  	s16 =	sadd.s32 $0x2DF600, s2;
	[smem:$0x7F7] =	sst s14;
	s18 =	sadd.s32 s15, s17  }
0x37: {  	s19 =	sadd.s32 s16, s17;
	[dreg:$0x16] =	wrdreg s18  }
0x38: {  	s30 =	sadd.s32 s15, s5;
	[dreg:$0x18] =	wrdreg s19  }
0x39: {  	s6 =	sadd.s32 s16, s5;
	[smem:$0x7EB] =	sst s30  }
0x3a: {  	s16 =	sadd.s32 $0x8020, s0;
	s18 =	sadd.s32 $0x31F600, s2;
	[smem:$0x7EE] =	sst s6  }
0x3b: {  	s19 =	sadd.s32 $0x35F600, s2;
	[smem:$0x7FA] =	sst s16;
	s20 =	sadd.s32 s18, s17  }
0x3c: {  	s21 =	sadd.s32 s19, s17;
	[dreg:$0x1a] =	wrdreg s20  }
0x3d: {  	s8 =	sadd.s32 s18, s5;
	[dreg:$0x1c] =	wrdreg s21  }
0x3e: {  	s12 =	sadd.s32 $0x45F600, s2;
	s10 =	sadd.s32 s19, s5;
	[smem:$0x7F1] =	sst s8  }
0x3f: {  	s18 =	sadd.s32 s12, s5;
	s20 =	sadd.s32 $0x39F600, s2;
	[smem:$0x7F4] =	sst s10  }
0x40: {  	s21 =	sadd.s32 $0x3DF600, s2;
	[smem:$0x7FD] =	sst s18;
	s22 =	sadd.s32 s20, s17  }
0x41: {  	s29 =	sadd.s32 s21, s17;
	[dreg:$0x1e] =	wrdreg s22  }
0x42: {  	s13 =	sadd.s32 s20, s5;
	[smem:$0x7C8] =	sst s29  }
0x43: {  	s15 =	sadd.s32 s21, s5;
	[smem:$0x7F6] =	sst s13  }
0x44: {  	s22 =	sadd.s32 $0x41F600, s2;
	s29 =	sadd.s32 $0x1820, s0;
	[smem:$0x7F9] =	sst s15  }
0x45: {  	s24 =	sadd.s32 s22, s17;
	[smem:$0x7D4] =	sst s29  }
0x46: {  	s17 =	sadd.s32 s12, s17;
	[smem:$0x7CA] =	sst s24  }
0x47: {  	s29 =	sadd.s32 $0x5020, s0;
	[smem:$0x7CB] =	sst s17  }
0x48: {  	s17 =	sadd.s32 $0x3820, s0;
	[smem:$0x7E9] =	sst s29  }
0x49: {  	s24 =	sadd.s32 $0x4020, s0;
	[smem:$0x7E0] =	sst s17  }
0x4a: {  	[smem:$0x7E3] =	sst s24;
	s17 =	sadd.s32 s22, s5  }
0x4b: {  	s5 =	simm.s32 $0x7;
	[smem:$0x7FC] =	sst s17  }
0x4c: {  	_ =	swait.ge [sflag:s5], $0x100  }
0x4d: {  	s4 =	sadd.s32 $0x17600, s2;
	[sflag:s5] =	ssyncset.done $0x0  }
0x4e: {  	s7 =	simm.s32 $0x100;
	s8 =	simm.s32 $0x300;
	[sflag:s5] =	ssyncadd.s32 $0xFFFFFF00  }
0x4f: {  	[tilespmem:s8], [sflag:$0x1] =	stream.indirect.gather [hbm4b:s4+s7], $0x80, s3, s7, $0xb8;
	[tilespmem:$0x18300] =	vst v63  }
0x50: {  	s19 =	rddreg [dreg:$0x3]  }
0x51: {  	[tilespmem:s7], [sflag:$0x7] =	stream.linear.gather [hbm4b:s19+s3], $0x100, $0x38;
	[tilespmem:$0x18300] =	vst v63  }
0x52: {  	_ =	swait.ge [sflag:s5], $0x100  }
0x53: {  	s11 =	simm.s32 $0x1;
	[sflag:s5] =	ssyncset.done $0x0  }
0x54: {  	s6 =	sadd.s32 $0x18600, s2;
	s10 =	simm.s32 $0x8300;
	[sflag:s5] =	ssyncadd.s32 $0xFFFFFF00  }
0x55: {  	[tilespmem:s10], [sflag:$0x2] =	stream.indirect.gather [hbm4b:s6+s7], $0x80, s7, s7, $0xb8;
	[tilespmem:$0x18300] =	vst v63  }
0x56: {  	_ =	swait.ge [sflag:s11], $0x8000  }
0x57: {  	[sflag:s11] =	ssyncset.done $0x0  }
0x58: {  	s20 =	rddreg [dreg:$0x4];
	[sflag:s11] =	ssyncadd.s32 $0xFFFF8000  }
0x59: {  	[hbm4b:s20+s3] =	stream.linear.scatter [tilespmem:s8], [sflag:$0x4], $0x8000, $0x38;
	[tilespmem:$0x18300] =	vst v63  }
0x5a: {  	s12 =	simm.s32 $0x200;
	s21 =	rddreg [dreg:$0x5]  }
0x5b: {  	[tilespmem:s12], [sflag:$0x7] =	stream.linear.gather [hbm4b:s21+s3], $0x100, $0x38;
	[tilespmem:$0x18300] =	vst v63  }
0x5c: {  	_ =	swait.ge [sflag:s5], $0x100  }
0x5d: {  	s9 =	sadd.s32 $0x19600, s2;
	[sflag:s5] =	ssyncset.done $0x0  }
0x5e: {  	s14 =	simm.s32 $0x10300;
	s15 =	simm.s32 $0x2;
	[sflag:s5] =	ssyncadd.s32 $0xFFFFFF00  }
0x5f: {  	[tilespmem:s14], [sflag:$0x3] =	stream.indirect.gather [hbm4b:s9+s7], $0x80, s12, s7, $0xb8;
	[tilespmem:$0x18300] =	vst v63  }
0x60: {  	_ =	swait.ge [sflag:s15], $0x8000  }
0x61: {  	[sflag:s15] =	ssyncset.done $0x0  }
0x62: {  	s16 =	simm.s32 $0x4;
	s22 =	rddreg [dreg:$0x6];
	[sflag:s15] =	ssyncadd.s32 $0xFFFF8000  }
0x63: {  	[hbm4b:s22+s3] =	stream.linear.scatter [tilespmem:s10], [sflag:$0x5], $0x8000, $0x38;
	[tilespmem:$0x18300] =	vst v63  }
0x64: {  	_ =	swait.ge [sflag:s16], $0x8000  }
0x65: {  	[sflag:s16] =	ssyncset.done $0x0  }
0x66: {  	s23 =	rddreg [dreg:$0x7];
	[sflag:s16] =	ssyncadd.s32 $0xFFFF8000  }
0x67: {  	[tilespmem:s3], [sflag:$0x7] =	stream.linear.gather [hbm4b:s23+s3], $0x100, $0x38;
	[tilespmem:$0x18300] =	vst v63  }
0x68: {  	_ =	swait.ge [sflag:s5], $0x100  }
0x69: {  	[sflag:s5] =	ssyncset.done $0x0  }
0x6a: {  	s18 =	simm.s32 $0x3;
	s13 =	sadd.s32 $0x1A600, s2;
	[sflag:s5] =	ssyncadd.s32 $0xFFFFFF00  }
0x6b: {  	[tilespmem:s8], [sflag:$0x1] =	stream.indirect.gather [hbm4b:s13+s7], $0x80, s3, s7, $0xb8;
	[tilespmem:$0x18300] =	vst v63  }
0x6c: {  	_ =	swait.ge [sflag:s18], $0x8000  }
0x6d: {  	[sflag:s18] =	ssyncset.done $0x0  }
0x6e: {  	s19 =	simm.s32 $0x5;
	s24 =	rddreg [dreg:$0x8];
	[sflag:s18] =	ssyncadd.s32 $0xFFFF8000  }
0x6f: {  	[hbm4b:s24+s3] =	stream.linear.scatter [tilespmem:s14], [sflag:$0x6], $0x8000, $0x38;
	[tilespmem:$0x18300] =	vst v63  }
0x70: {  	_ =	swait.ge [sflag:s19], $0x8000  }
0x71: {  	[sflag:s19] =	ssyncset.done $0x0  }
0x72: {  	s25 =	rddreg [dreg:$0x9];
	[sflag:s19] =	ssyncadd.s32 $0xFFFF8000  }
0x73: {  	[tilespmem:s7], [sflag:$0x7] =	stream.linear.gather [hbm4b:s25+s3], $0x100, $0x38;
	[tilespmem:$0x18300] =	vst v63  }
0x74: {  	_ =	swait.ge [sflag:s5], $0x100  }
0x75: {  	[sflag:s5] =	ssyncset.done $0x0  }
0x76: {  	s17 =	sadd.s32 $0x1B600, s2;
	[sflag:s5] =	ssyncadd.s32 $0xFFFFFF00  }
0x77: {  	[tilespmem:s10], [sflag:$0x2] =	stream.indirect.gather [hbm4b:s17+s7], $0x80, s7, s7, $0xb8;
	[tilespmem:$0x18300] =	vst v63  }
0x78: {  	_ =	swait.ge [sflag:s11], $0x8000  }
0x79: {  	[sflag:s11] =	ssyncset.done $0x0  }
0x7a: {  	s21 =	simm.s32 $0x6;
	s26 =	rddreg [dreg:$0xa];
	[sflag:s11] =	ssyncadd.s32 $0xFFFF8000  }
0x7b: {  	[hbm4b:s26+s3] =	stream.linear.scatter [tilespmem:s8], [sflag:$0x4], $0x8000, $0x38;
	[tilespmem:$0x18300] =	vst v63  }
0x7c: {  	_ =	swait.ge [sflag:s21], $0x8000  }
0x7d: {  	[sflag:s21] =	ssyncset.done $0x0  }
0x7e: {  	s28 =	rddreg [dreg:$0xb];
	[sflag:s21] =	ssyncadd.s32 $0xFFFF8000  }
0x7f: {  	[tilespmem:s12], [sflag:$0x7] =	stream.linear.gather [hbm4b:s28+s3], $0x100, $0x38;
	[tilespmem:$0x18300] =	vst v63  }
0x80: {  	_ =	swait.ge [sflag:s5], $0x100  }
0x81: {  	[sflag:s5] =	ssyncset.done $0x0  }
0x82: {  	s20 =	sadd.s32 $0x1C600, s2;
	[sflag:s5] =	ssyncadd.s32 $0xFFFFFF00  }
0x83: {  	[tilespmem:s14], [sflag:$0x3] =	stream.indirect.gather [hbm4b:s20+s7], $0x80, s12, s7, $0xb8;
	[tilespmem:$0x18300] =	vst v63  }
0x84: {  	_ =	swait.ge [sflag:s15], $0x8000  }
0x85: {  	[sflag:s15] =	ssyncset.done $0x0  }
0x86: {  	s29 =	rddreg [dreg:$0xc];
	[sflag:s15] =	ssyncadd.s32 $0xFFFF8000  }
0x87: {  	[hbm4b:s29+s3] =	stream.linear.scatter [tilespmem:s10], [sflag:$0x5], $0x8000, $0x38;
	[tilespmem:$0x18300] =	vst v63  }
0x88: {  	_ =	swait.ge [sflag:s16], $0x8000  }
0x89: {  	[sflag:s16] =	ssyncset.done $0x0  }
0x8a: {  	s30 =	rddreg [dreg:$0xd];
	[sflag:s16] =	ssyncadd.s32 $0xFFFF8000  }
0x8b: {  	[tilespmem:s3], [sflag:$0x7] =	stream.linear.gather [hbm4b:s30+s3], $0x100, $0x38;
	[tilespmem:$0x18300] =	vst v63  }
0x8c: {  	_ =	swait.ge [sflag:s5], $0x100  }
0x8d: {  	[sflag:s5] =	ssyncset.done $0x0  }
0x8e: {  	s22 =	sadd.s32 $0x1D600, s2;
	[sflag:s5] =	ssyncadd.s32 $0xFFFFFF00  }
0x8f: {  	[tilespmem:s8], [sflag:$0x1] =	stream.indirect.gather [hbm4b:s22+s7], $0x80, s3, s7, $0xb8;
	[tilespmem:$0x18300] =	vst v63  }
0x90: {  	_ =	swait.ge [sflag:s18], $0x8000  }
0x91: {  	[sflag:s18] =	ssyncset.done $0x0  }
0x92: {  	s0 =	rddreg [dreg:$0xe];
	[sflag:s18] =	ssyncadd.s32 $0xFFFF8000  }
0x93: {  	[hbm4b:s0+s3] =	stream.linear.scatter [tilespmem:s14], [sflag:$0x6], $0x8000, $0x38;
	[tilespmem:$0x18300] =	vst v63  }
0x94: {  	_ =	swait.ge [sflag:s19], $0x8000  }
0x95: {  	[sflag:s19] =	ssyncset.done $0x0  }
0x96: {  	s23 =	rddreg [dreg:$0xf];
	[sflag:s19] =	ssyncadd.s32 $0xFFFF8000  }
0x97: {  	[tilespmem:s7], [sflag:$0x7] =	stream.linear.gather [hbm4b:s23+s3], $0x100, $0x38;
	[tilespmem:$0x18300] =	vst v63  }
0x98: {  	_ =	swait.ge [sflag:s5], $0x100  }
0x99: {  	[sflag:s5] =	ssyncset.done $0x0  }
0x9a: {  	s23 =	sadd.s32 $0x1E600, s2;
	[sflag:s5] =	ssyncadd.s32 $0xFFFFFF00  }
0x9b: {  	[tilespmem:s10], [sflag:$0x2] =	stream.indirect.gather [hbm4b:s23+s7], $0x80, s7, s7, $0xb8;
	[tilespmem:$0x18300] =	vst v63  }
0x9c: {  	_ =	swait.ge [sflag:s11], $0x8000  }
0x9d: {  	[sflag:s11] =	ssyncset.done $0x0  }
0x9e: {  	s24 =	rddreg [dreg:$0x10];
	[sflag:s11] =	ssyncadd.s32 $0xFFFF8000  }
0x9f: {  	[hbm4b:s24+s3] =	stream.linear.scatter [tilespmem:s8], [sflag:$0x4], $0x8000, $0x38;
	[tilespmem:$0x18300] =	vst v63  }
0xa0: {  	_ =	swait.ge [sflag:s21], $0x8000  }
0xa1: {  	[sflag:s21] =	ssyncset.done $0x0  }
0xa2: {  	s25 =	rddreg [dreg:$0x11];
	[sflag:s21] =	ssyncadd.s32 $0xFFFF8000  }
0xa3: {  	[tilespmem:s12], [sflag:$0x7] =	stream.linear.gather [hbm4b:s25+s3], $0x100, $0x38;
	[tilespmem:$0x18300] =	vst v63  }
0xa4: {  	_ =	swait.ge [sflag:s5], $0x100  }
0xa5: {  	[sflag:s5] =	ssyncset.done $0x0  }
0xa6: {  	s24 =	sadd.s32 $0x8E00, s2;
	[sflag:s5] =	ssyncadd.s32 $0xFFFFFF00  }
0xa7: {  	[tilespmem:s14], [sflag:$0x3] =	stream.indirect.gather [hbm4b:s24+s7], $0x80, s12, s7, $0xb8;
	[tilespmem:$0x18300] =	vst v63  }
0xa8: {  	_ =	swait.ge [sflag:s15], $0x8000  }
0xa9: {  	[sflag:s15] =	ssyncset.done $0x0  }
0xaa: {  	s26 =	rddreg [dreg:$0x12];
	[sflag:s15] =	ssyncadd.s32 $0xFFFF8000  }
0xab: {  	[hbm4b:s26+s3] =	stream.linear.scatter [tilespmem:s10], [sflag:$0x5], $0x8000, $0x38;
	[tilespmem:$0x18300] =	vst v63  }
0xac: {  	_ =	swait.ge [sflag:s16], $0x8000  }
0xad: {  	[sflag:s16] =	ssyncset.done $0x0  }
0xae: {  	s28 =	rddreg [dreg:$0x13];
	[sflag:s16] =	ssyncadd.s32 $0xFFFF8000  }
0xaf: {  	[tilespmem:s3], [sflag:$0x7] =	stream.linear.gather [hbm4b:s28+s3], $0x100, $0x38;
	[tilespmem:$0x18300] =	vst v63  }
0xb0: {  	_ =	swait.ge [sflag:s5], $0x100  }
0xb1: {  	[sflag:s5] =	ssyncset.done $0x0  }
0xb2: {  	s25 =	sadd.s32 $0x3E00, s2;
	[sflag:s5] =	ssyncadd.s32 $0xFFFFFF00  }
0xb3: {  	[tilespmem:s8], [sflag:$0x1] =	stream.indirect.gather [hbm4b:s25+s7], $0x80, s3, s7, $0xb8;
	[tilespmem:$0x18300] =	vst v63  }
0xb4: {  	_ =	swait.ge [sflag:s18], $0x8000  }
0xb5: {  	[sflag:s18] =	ssyncset.done $0x0  }
0xb6: {  	s29 =	rddreg [dreg:$0x14];
	[sflag:s18] =	ssyncadd.s32 $0xFFFF8000  }
0xb7: {  	[hbm4b:s29+s3] =	stream.linear.scatter [tilespmem:s14], [sflag:$0x6], $0x8000, $0x38;
	[tilespmem:$0x18300] =	vst v63  }
0xb8: {  	_ =	swait.ge [sflag:s19], $0x8000  }
0xb9: {  	[sflag:s19] =	ssyncset.done $0x0  }
0xba: {  	s30 =	rddreg [dreg:$0x15];
	[sflag:s19] =	ssyncadd.s32 $0xFFFF8000  }
0xbb: {  	[tilespmem:s7], [sflag:$0x7] =	stream.linear.gather [hbm4b:s30+s3], $0x100, $0x38;
	[tilespmem:$0x18300] =	vst v63  }
0xbc: {  	_ =	swait.ge [sflag:s5], $0x100  }
0xbd: {  	[sflag:s5] =	ssyncset.done $0x0  }
0xbe: {  	s26 =	sadd.s32 $0x4E00, s2;
	[sflag:s5] =	ssyncadd.s32 $0xFFFFFF00  }
0xbf: {  	[tilespmem:s10], [sflag:$0x2] =	stream.indirect.gather [hbm4b:s26+s7], $0x80, s7, s7, $0xb8;
	[tilespmem:$0x18300] =	vst v63  }
0xc0: {  	_ =	swait.ge [sflag:s11], $0x8000  }
0xc1: {  	[sflag:s11] =	ssyncset.done $0x0  }
0xc2: {  	s0 =	rddreg [dreg:$0x16];
	[sflag:s11] =	ssyncadd.s32 $0xFFFF8000  }
0xc3: {  	[hbm4b:s0+s3] =	stream.linear.scatter [tilespmem:s8], [sflag:$0x4], $0x8000, $0x38;
	[tilespmem:$0x18300] =	vst v63  }
0xc4: {  	_ =	swait.ge [sflag:s21], $0x8000  }
0xc5: {  	[sflag:s21] =	ssyncset.done $0x0  }
0xc6: {  	s28 =	rddreg [dreg:$0x17];
	[sflag:s21] =	ssyncadd.s32 $0xFFFF8000  }
0xc7: {  	[tilespmem:s12], [sflag:$0x7] =	stream.linear.gather [hbm4b:s28+s3], $0x100, $0x38;
	[tilespmem:$0x18300] =	vst v63  }
0xc8: {  	_ =	swait.ge [sflag:s5], $0x100  }
0xc9: {  	[sflag:s5] =	ssyncset.done $0x0  }
0xca: {  	s28 =	sadd.s32 $0x5E00, s2;
	[sflag:s5] =	ssyncadd.s32 $0xFFFFFF00  }
0xcb: {  	[tilespmem:s14], [sflag:$0x3] =	stream.indirect.gather [hbm4b:s28+s7], $0x80, s12, s7, $0xb8;
	[tilespmem:$0x18300] =	vst v63  }
0xcc: {  	_ =	swait.ge [sflag:s15], $0x8000  }
0xcd: {  	[sflag:s15] =	ssyncset.done $0x0  }
0xce: {  	s29 =	rddreg [dreg:$0x18];
	[sflag:s15] =	ssyncadd.s32 $0xFFFF8000  }
0xcf: {  	[hbm4b:s29+s3] =	stream.linear.scatter [tilespmem:s10], [sflag:$0x5], $0x8000, $0x38;
	[tilespmem:$0x18300] =	vst v63  }
0xd0: {  	_ =	swait.ge [sflag:s16], $0x8000  }
0xd1: {  	[sflag:s16] =	ssyncset.done $0x0  }
0xd2: {  	s30 =	rddreg [dreg:$0x19];
	[sflag:s16] =	ssyncadd.s32 $0xFFFF8000  }
0xd3: {  	[tilespmem:s3], [sflag:$0x7] =	stream.linear.gather [hbm4b:s30+s3], $0x100, $0x38;
	[tilespmem:$0x18300] =	vst v63  }
0xd4: {  	_ =	swait.ge [sflag:s5], $0x100  }
0xd5: {  	[sflag:s5] =	ssyncset.done $0x0  }
0xd6: {  	s29 =	sadd.s32 $0x6E00, s2;
	[sflag:s5] =	ssyncadd.s32 $0xFFFFFF00  }
0xd7: {  	[tilespmem:s8], [sflag:$0x1] =	stream.indirect.gather [hbm4b:s29+s7], $0x80, s3, s7, $0xb8;
	[tilespmem:$0x18300] =	vst v63  }
0xd8: {  	_ =	swait.ge [sflag:s18], $0x8000  }
0xd9: {  	[sflag:s18] =	ssyncset.done $0x0  }
0xda: {  	s0 =	rddreg [dreg:$0x1a];
	[sflag:s18] =	ssyncadd.s32 $0xFFFF8000  }
0xdb: {  	[hbm4b:s0+s3] =	stream.linear.scatter [tilespmem:s14], [sflag:$0x6], $0x8000, $0x38;
	[tilespmem:$0x18300] =	vst v63  }
0xdc: {  	_ =	swait.ge [sflag:s19], $0x8000  }
0xdd: {  	[sflag:s19] =	ssyncset.done $0x0  }
0xde: {  	s30 =	rddreg [dreg:$0x1b];
	[sflag:s19] =	ssyncadd.s32 $0xFFFF8000  }
0xdf: {  	[tilespmem:s7], [sflag:$0x7] =	stream.linear.gather [hbm4b:s30+s3], $0x100, $0x38;
	[tilespmem:$0x18300] =	vst v63  }
0xe0: {  	_ =	swait.ge [sflag:s5], $0x100  }
0xe1: {  	[sflag:s5] =	ssyncset.done $0x0  }
0xe2: {  	s30 =	sadd.s32 $0x7E00, s2;
	[sflag:s5] =	ssyncadd.s32 $0xFFFFFF00  }
0xe3: {  	[tilespmem:s10], [sflag:$0x2] =	stream.indirect.gather [hbm4b:s30+s7], $0x80, s7, s7, $0xb8;
	[tilespmem:$0x18300] =	vst v63  }
0xe4: {  	_ =	swait.ge [sflag:s11], $0x8000  }
0xe5: {  	[sflag:s11] =	ssyncset.done $0x0  }
0xe6: {  	s0 =	rddreg [dreg:$0x1c];
	[sflag:s11] =	ssyncadd.s32 $0xFFFF8000  }
0xe7: {  	[hbm4b:s0+s3] =	stream.linear.scatter [tilespmem:s8], [sflag:$0x4], $0x8000, $0x38;
	[tilespmem:$0x18300] =	vst v63  }
0xe8: {  	_ =	swait.ge [sflag:s21], $0x8000  }
0xe9: {  	[sflag:s21] =	ssyncset.done $0x0  }
0xea: {  	s0 =	rddreg [dreg:$0x1d];
	[sflag:s21] =	ssyncadd.s32 $0xFFFF8000  }
0xeb: {  	[tilespmem:s12], [sflag:$0x7] =	stream.linear.gather [hbm4b:s0+s3], $0x100, $0x38;
	[tilespmem:$0x18300] =	vst v63  }
0xec: {  	_ =	swait.ge [sflag:s5], $0x100  }
0xed: {  	[sflag:s5] =	ssyncset.done $0x0  }
0xee: {  	[sflag:s5] =	ssyncadd.s32 $0xFFFFFF00  }
0xef: {  	s1 =	rddreg [dreg:$0x1]  }
0xf0: {  	[tilespmem:s14], [sflag:$0x3] =	stream.indirect.gather [hbm4b:s1+s7], $0x80, s12, s7, $0xb8;
	[tilespmem:$0x18300] =	vst v63  }
0xf1: {  	_ =	swait.ge [sflag:s15], $0x8000  }
0xf2: {  	[sflag:s15] =	ssyncset.done $0x0  }
0xf3: {  	s0 =	rddreg [dreg:$0x1e];
	[sflag:s15] =	ssyncadd.s32 $0xFFFF8000  }
0xf4: {  	[hbm4b:s0+s3] =	stream.linear.scatter [tilespmem:s10], [sflag:$0x5], $0x8000, $0x38;
	[tilespmem:$0x18300] =	vst v63  }
0xf5: {  	_ =	swait.ge [sflag:s16], $0x8000  }
0xf6: {  	[sflag:s16] =	ssyncset.done $0x0  }
0xf7: {  	s0 =	rddreg [dreg:$0x1f];
	[sflag:s16] =	ssyncadd.s32 $0xFFFF8000  }
0xf8: {  	[tilespmem:s3], [sflag:$0x7] =	stream.linear.gather [hbm4b:s0+s3], $0x100, $0x38;
	[tilespmem:$0x18300] =	vst v63  }
0xf9: {  	_ =	swait.ge [sflag:s5], $0x100  }
0xfa: {  	[sflag:s5] =	ssyncset.done $0x0  }
0xfb: {  	s1 =	sadd.s32 $0x11F600, s2;
	[sflag:s5] =	ssyncadd.s32 $0xFFFFFF00  }
0xfc: {  	[tilespmem:s8], [sflag:$0x1] =	stream.indirect.gather [hbm4b:s1+s7], $0x80, s3, s7, $0xb8;
	[tilespmem:$0x18300] =	vst v63  }
0xfd: {  	_ =	swait.ge [sflag:s18], $0x8000  }
0xfe: {  	s0 =	sld [smem:$0x7C8]  }
0xff: {  	[sflag:s18] =	ssyncset.done $0x0  }
0x100: {  	[sflag:s18] =	ssyncadd.s32 $0xFFFF8000  }
0x101: {  	[hbm4b:s0+s3] =	stream.linear.scatter [tilespmem:s14], [sflag:$0x6], $0x8000, $0x38;
	[tilespmem:$0x18300] =	vst v63  }
0x102: {  	_ =	swait.ge [sflag:s19], $0x8000  }
0x103: {  	s0 =	sld [smem:$0x7C9]  }
0x104: {  	[sflag:s19] =	ssyncset.done $0x0  }
0x105: {  	[sflag:s19] =	ssyncadd.s32 $0xFFFF8000  }
0x106: {  	[tilespmem:s7], [sflag:$0x7] =	stream.linear.gather [hbm4b:s0+s3], $0x100, $0x38;
	[tilespmem:$0x18300] =	vst v63  }
0x107: {  	_ =	swait.ge [sflag:s5], $0x100  }
0x108: {  	[sflag:s5] =	ssyncset.done $0x0  }
0x109: {  	s0 =	sadd.s32 $0xF61A00, s2;
	[sflag:s5] =	ssyncadd.s32 $0xFFFFFF00  }
0x10a: {  	[tilespmem:s10], [sflag:$0x2] =	stream.indirect.gather [hbm4b:s0+s7], $0x80, s7, s7, $0xb8;
	[tilespmem:$0x18300] =	vst v63  }
0x10b: {  	_ =	swait.ge [sflag:s11], $0x8000  }
0x10c: {  	s2 =	sld [smem:$0x7CA]  }
0x10d: {  	[sflag:s11] =	ssyncset.done $0x0  }
0x10e: {  	[sflag:s11] =	ssyncadd.s32 $0xFFFF8000  }
0x10f: {  	[hbm4b:s2+s3] =	stream.linear.scatter [tilespmem:s8], [sflag:$0x4], $0x8000, $0x38;
	[tilespmem:$0x18300] =	vst v63  }
0x110: {  	_ =	swait.ge [sflag:s15], $0x8000  }
0x111: {  	s2 =	sld [smem:$0x7CB]  }
0x112: {  	[sflag:s15] =	ssyncset.done $0x0  }
0x113: {  	[sflag:s15] =	ssyncadd.s32 $0xFFFF8000  }
0x114: {  	[hbm4b:s2+s3] =	stream.linear.scatter [tilespmem:s10], [sflag:$0x5], $0x8000, $0x38;
	[tilespmem:$0x18300] =	vst v63  }
0x115: {  	_ =	swait.ge [sflag:s16], $0x8000  }
0x116: {  	[sflag:s16] =	ssyncset.done $0x0  }
0x117: {  	[sflag:s16] =	ssyncadd.s32 $0xFFFF8000  }
0x118: {  	_ =	swait.ge [sflag:s19], $0x8000  }
0x119: {  	[sflag:s19] =	ssyncset.done $0x0  }
0x11a: {  	[sflag:s19] =	ssyncadd.s32 $0xFFFF8000  }
0x11b: {  	_ =	swait.ge [sflag:s21], $0x8000  }
0x11c: {  	s2 =	sld [smem:$0x7CC]  }
0x11d: {  	[sflag:s21] =	ssyncset.done $0x0  }
0x11e: {  	[sflag:s21] =	ssyncadd.s32 $0xFFFF8000  }
0x11f: {  	[tilespmem:s3], [sflag:$0x7] =	stream.linear.gather [hbm4b:s2+s3], $0x100, $0x38;
	[tilespmem:$0x18300] =	vst v63  }
0x120: {  	_ =	swait.ge [sflag:s5], $0x100  }
0x121: {  	[sflag:s5] =	ssyncset.done $0x0  }
0x122: {  	s2 =	sld [smem:$0x7CD];
	[sflag:s5] =	ssyncadd.s32 $0xFFFFFF00  }
0x123: {  	[tilespmem:s8], [sflag:$0x1] =	stream.indirect.gather [hbm4b:s4+s7], $0x80, s3, s7, $0xb8;
	[tilespmem:$0x18300] =	vst v63  }
0x124: {  	[smem:$0x7CE] =	sst s4  }
0x125: {  	[tilespmem:s7], [sflag:$0x7] =	stream.linear.gather [hbm4b:s2+s3], $0x100, $0x38;
	[tilespmem:$0x18300] =	vst v63  }
0x126: {  	_ =	swait.ge [sflag:s5], $0x100  }
0x127: {  	[sflag:s5] =	ssyncset.done $0x0  }
0x128: {  	[smem:$0x7CF] =	sst s6;
	[sflag:s5] =	ssyncadd.s32 $0xFFFFFF00  }
0x129: {  	[tilespmem:s10], [sflag:$0x2] =	stream.indirect.gather [hbm4b:s6+s7], $0x80, s7, s7, $0xb8;
	[tilespmem:$0x18300] =	vst v63  }
0x12a: {  	_ =	swait.ge [sflag:s11], $0x8000  }
0x12b: {  	s2 =	sld [smem:$0x7D0]  }
0x12c: {  	[sflag:s11] =	ssyncset.done $0x0  }
0x12d: {  	s6 =	sld [smem:$0x7D1];
	[sflag:s11] =	ssyncadd.s32 $0xFFFF8000  }
0x12e: {  	[hbm4b:s2+s3] =	stream.linear.scatter [tilespmem:s8], [sflag:$0x4], $0x8000, $0x38;
	[tilespmem:$0x18300] =	vst v63  }
0x12f: {  	_ = 	snop  }
0x130: {  	[tilespmem:s12], [sflag:$0x7] =	stream.linear.gather [hbm4b:s6+s3], $0x100, $0x38;
	[tilespmem:$0x18300] =	vst v63  }
0x131: {  	_ =	swait.ge [sflag:s5], $0x100  }
0x132: {  	[sflag:s5] =	ssyncset.done $0x0  }
0x133: {  	[smem:$0x7D2] =	sst s9;
	[sflag:s5] =	ssyncadd.s32 $0xFFFFFF00  }
0x134: {  	[tilespmem:s14], [sflag:$0x3] =	stream.indirect.gather [hbm4b:s9+s7], $0x80, s12, s7, $0xb8;
	[tilespmem:$0x18300] =	vst v63  }
0x135: {  	_ =	swait.ge [sflag:s15], $0x8000  }
0x136: {  	s9 =	sld [smem:$0x7D3]  }
0x137: {  	[sflag:s15] =	ssyncset.done $0x0  }
0x138: {  	[sflag:s15] =	ssyncadd.s32 $0xFFFF8000  }
0x139: {  	[hbm4b:s9+s3] =	stream.linear.scatter [tilespmem:s10], [sflag:$0x5], $0x8000, $0x38;
	[tilespmem:$0x18300] =	vst v63  }
0x13a: {  	_ =	swait.ge [sflag:s16], $0x8000  }
0x13b: {  	s4 =	sld [smem:$0x7D4]  }
0x13c: {  	[sflag:s16] =	ssyncset.done $0x0  }
0x13d: {  	[sflag:s16] =	ssyncadd.s32 $0xFFFF8000  }
0x13e: {  	[tilespmem:s3], [sflag:$0x7] =	stream.linear.gather [hbm4b:s4+s3], $0x100, $0x38;
	[tilespmem:$0x18300] =	vst v63  }
0x13f: {  	_ =	swait.ge [sflag:s5], $0x100  }
0x140: {  	[sflag:s5] =	ssyncset.done $0x0  }
0x141: {  	[smem:$0x7D5] =	sst s13;
	[sflag:s5] =	ssyncadd.s32 $0xFFFFFF00  }
0x142: {  	[tilespmem:s8], [sflag:$0x1] =	stream.indirect.gather [hbm4b:s13+s7], $0x80, s3, s7, $0xb8;
	[tilespmem:$0x18300] =	vst v63  }
0x143: {  	_ =	swait.ge [sflag:s18], $0x8000  }
0x144: {  	s6 =	sld [smem:$0x7D6]  }
0x145: {  	[sflag:s18] =	ssyncset.done $0x0  }
0x146: {  	[sflag:s18] =	ssyncadd.s32 $0xFFFF8000  }
0x147: {  	[hbm4b:s6+s3] =	stream.linear.scatter [tilespmem:s14], [sflag:$0x6], $0x8000, $0x38;
	[tilespmem:$0x18300] =	vst v63  }
0x148: {  	_ =	swait.ge [sflag:s19], $0x8000  }
0x149: {  	s9 =	sld [smem:$0x7D7]  }
0x14a: {  	[sflag:s19] =	ssyncset.done $0x0  }
0x14b: {  	[sflag:s19] =	ssyncadd.s32 $0xFFFF8000  }
0x14c: {  	[tilespmem:s7], [sflag:$0x7] =	stream.linear.gather [hbm4b:s9+s3], $0x100, $0x38;
	[tilespmem:$0x18300] =	vst v63  }
0x14d: {  	_ =	swait.ge [sflag:s5], $0x100  }
0x14e: {  	[sflag:s5] =	ssyncset.done $0x0  }
0x14f: {  	[smem:$0x7D8] =	sst s17;
	[sflag:s5] =	ssyncadd.s32 $0xFFFFFF00  }
0x150: {  	[tilespmem:s10], [sflag:$0x2] =	stream.indirect.gather [hbm4b:s17+s7], $0x80, s7, s7, $0xb8;
	[tilespmem:$0x18300] =	vst v63  }
0x151: {  	_ =	swait.ge [sflag:s11], $0x8000  }
0x152: {  	s13 =	sld [smem:$0x7D9]  }
0x153: {  	[sflag:s11] =	ssyncset.done $0x0  }
0x154: {  	[sflag:s11] =	ssyncadd.s32 $0xFFFF8000  }
0x155: {  	[hbm4b:s13+s3] =	stream.linear.scatter [tilespmem:s8], [sflag:$0x4], $0x8000, $0x38;
	[tilespmem:$0x18300] =	vst v63  }
0x156: {  	_ =	swait.ge [sflag:s21], $0x8000  }
0x157: {  	s17 =	sld [smem:$0x7DA]  }
0x158: {  	[sflag:s21] =	ssyncset.done $0x0  }
0x159: {  	[sflag:s21] =	ssyncadd.s32 $0xFFFF8000  }
0x15a: {  	[tilespmem:s12], [sflag:$0x7] =	stream.linear.gather [hbm4b:s17+s3], $0x100, $0x38;
	[tilespmem:$0x18300] =	vst v63  }
0x15b: {  	_ =	swait.ge [sflag:s5], $0x100  }
0x15c: {  	[sflag:s5] =	ssyncset.done $0x0  }
0x15d: {  	[smem:$0x7DB] =	sst s20;
	[sflag:s5] =	ssyncadd.s32 $0xFFFFFF00  }
0x15e: {  	[tilespmem:s14], [sflag:$0x3] =	stream.indirect.gather [hbm4b:s20+s7], $0x80, s12, s7, $0xb8;
	[tilespmem:$0x18300] =	vst v63  }
0x15f: {  	_ =	swait.ge [sflag:s15], $0x8000  }
0x160: {  	s20 =	sld [smem:$0x7DC]  }
0x161: {  	[sflag:s15] =	ssyncset.done $0x0  }
0x162: {  	[sflag:s15] =	ssyncadd.s32 $0xFFFF8000  }
0x163: {  	[hbm4b:s20+s3] =	stream.linear.scatter [tilespmem:s10], [sflag:$0x5], $0x8000, $0x38;
	[tilespmem:$0x18300] =	vst v63  }
0x164: {  	_ =	swait.ge [sflag:s16], $0x8000  }
0x165: {  	s4 =	sld [smem:$0x7DD]  }
0x166: {  	[sflag:s16] =	ssyncset.done $0x0  }
0x167: {  	[sflag:s16] =	ssyncadd.s32 $0xFFFF8000  }
0x168: {  	[tilespmem:s3], [sflag:$0x7] =	stream.linear.gather [hbm4b:s4+s3], $0x100, $0x38;
	[tilespmem:$0x18300] =	vst v63  }
0x169: {  	_ =	swait.ge [sflag:s5], $0x100  }
0x16a: {  	[sflag:s5] =	ssyncset.done $0x0  }
0x16b: {  	[smem:$0x7DE] =	sst s22;
	[sflag:s5] =	ssyncadd.s32 $0xFFFFFF00  }
0x16c: {  	[tilespmem:s8], [sflag:$0x1] =	stream.indirect.gather [hbm4b:s22+s7], $0x80, s3, s7, $0xb8;
	[tilespmem:$0x18300] =	vst v63  }
0x16d: {  	_ =	swait.ge [sflag:s18], $0x8000  }
0x16e: {  	s6 =	sld [smem:$0x7DF]  }
0x16f: {  	[sflag:s18] =	ssyncset.done $0x0  }
0x170: {  	[sflag:s18] =	ssyncadd.s32 $0xFFFF8000  }
0x171: {  	[hbm4b:s6+s3] =	stream.linear.scatter [tilespmem:s14], [sflag:$0x6], $0x8000, $0x38;
	[tilespmem:$0x18300] =	vst v63  }
0x172: {  	_ =	swait.ge [sflag:s19], $0x8000  }
0x173: {  	s9 =	sld [smem:$0x7E0]  }
0x174: {  	[sflag:s19] =	ssyncset.done $0x0  }
0x175: {  	[sflag:s19] =	ssyncadd.s32 $0xFFFF8000  }
0x176: {  	[tilespmem:s7], [sflag:$0x7] =	stream.linear.gather [hbm4b:s9+s3], $0x100, $0x38;
	[tilespmem:$0x18300] =	vst v63  }
0x177: {  	_ =	swait.ge [sflag:s5], $0x100  }
0x178: {  	[sflag:s5] =	ssyncset.done $0x0  }
0x179: {  	[smem:$0x7E1] =	sst s23;
	[sflag:s5] =	ssyncadd.s32 $0xFFFFFF00  }
0x17a: {  	[tilespmem:s10], [sflag:$0x2] =	stream.indirect.gather [hbm4b:s23+s7], $0x80, s7, s7, $0xb8;
	[tilespmem:$0x18300] =	vst v63  }
0x17b: {  	_ =	swait.ge [sflag:s11], $0x8000  }
0x17c: {  	s13 =	sld [smem:$0x7E2]  }
0x17d: {  	[sflag:s11] =	ssyncset.done $0x0  }
0x17e: {  	[sflag:s11] =	ssyncadd.s32 $0xFFFF8000  }
0x17f: {  	[hbm4b:s13+s3] =	stream.linear.scatter [tilespmem:s8], [sflag:$0x4], $0x8000, $0x38;
	[tilespmem:$0x18300] =	vst v63  }
0x180: {  	_ =	swait.ge [sflag:s21], $0x8000  }
0x181: {  	s17 =	sld [smem:$0x7E3]  }
0x182: {  	[sflag:s21] =	ssyncset.done $0x0  }
0x183: {  	[sflag:s21] =	ssyncadd.s32 $0xFFFF8000  }
0x184: {  	[tilespmem:s12], [sflag:$0x7] =	stream.linear.gather [hbm4b:s17+s3], $0x100, $0x38;
	[tilespmem:$0x18300] =	vst v63  }
0x185: {  	_ =	swait.ge [sflag:s5], $0x100  }
0x186: {  	[sflag:s5] =	ssyncset.done $0x0  }
0x187: {  	[smem:$0x7E4] =	sst s24;
	[sflag:s5] =	ssyncadd.s32 $0xFFFFFF00  }
0x188: {  	[tilespmem:s14], [sflag:$0x3] =	stream.indirect.gather [hbm4b:s24+s7], $0x80, s12, s7, $0xb8;
	[tilespmem:$0x18300] =	vst v63  }
0x189: {  	_ =	swait.ge [sflag:s15], $0x8000  }
0x18a: {  	s20 =	sld [smem:$0x7E5]  }
0x18b: {  	[sflag:s15] =	ssyncset.done $0x0  }
0x18c: {  	[sflag:s15] =	ssyncadd.s32 $0xFFFF8000  }
0x18d: {  	[hbm4b:s20+s3] =	stream.linear.scatter [tilespmem:s10], [sflag:$0x5], $0x8000, $0x38;
	[tilespmem:$0x18300] =	vst v63  }
0x18e: {  	_ =	swait.ge [sflag:s16], $0x8000  }
0x18f: {  	s22 =	sld [smem:$0x7E6]  }
0x190: {  	[sflag:s16] =	ssyncset.done $0x0  }
0x191: {  	[sflag:s16] =	ssyncadd.s32 $0xFFFF8000  }
0x192: {  	[tilespmem:s3], [sflag:$0x7] =	stream.linear.gather [hbm4b:s22+s3], $0x100, $0x38;
	[tilespmem:$0x18300] =	vst v63  }
0x193: {  	_ =	swait.ge [sflag:s5], $0x100  }
0x194: {  	[sflag:s5] =	ssyncset.done $0x0  }
0x195: {  	[smem:$0x7E7] =	sst s25;
	[sflag:s5] =	ssyncadd.s32 $0xFFFFFF00  }
0x196: {  	[tilespmem:s8], [sflag:$0x1] =	stream.indirect.gather [hbm4b:s25+s7], $0x80, s3, s7, $0xb8;
	[tilespmem:$0x18300] =	vst v63  }
0x197: {  	_ =	swait.ge [sflag:s18], $0x8000  }
0x198: {  	s23 =	sld [smem:$0x7E8]  }
0x199: {  	[sflag:s18] =	ssyncset.done $0x0  }
0x19a: {  	[sflag:s18] =	ssyncadd.s32 $0xFFFF8000  }
0x19b: {  	[hbm4b:s23+s3] =	stream.linear.scatter [tilespmem:s14], [sflag:$0x6], $0x8000, $0x38;
	[tilespmem:$0x18300] =	vst v63  }
0x19c: {  	_ =	swait.ge [sflag:s19], $0x8000  }
0x19d: {  	s24 =	sld [smem:$0x7E9]  }
0x19e: {  	[sflag:s19] =	ssyncset.done $0x0  }
0x19f: {  	[sflag:s19] =	ssyncadd.s32 $0xFFFF8000  }
0x1a0: {  	[tilespmem:s7], [sflag:$0x7] =	stream.linear.gather [hbm4b:s24+s3], $0x100, $0x38;
	[tilespmem:$0x18300] =	vst v63  }
0x1a1: {  	_ =	swait.ge [sflag:s5], $0x100  }
0x1a2: {  	[sflag:s5] =	ssyncset.done $0x0  }
0x1a3: {  	[smem:$0x7EA] =	sst s26;
	[sflag:s5] =	ssyncadd.s32 $0xFFFFFF00  }
0x1a4: {  	[tilespmem:s10], [sflag:$0x2] =	stream.indirect.gather [hbm4b:s26+s7], $0x80, s7, s7, $0xb8;
	[tilespmem:$0x18300] =	vst v63  }
0x1a5: {  	_ =	swait.ge [sflag:s11], $0x8000  }
0x1a6: {  	s25 =	sld [smem:$0x7EB]  }
0x1a7: {  	[sflag:s11] =	ssyncset.done $0x0  }
0x1a8: {  	[sflag:s11] =	ssyncadd.s32 $0xFFFF8000  }
0x1a9: {  	[hbm4b:s25+s3] =	stream.linear.scatter [tilespmem:s8], [sflag:$0x4], $0x8000, $0x38;
	[tilespmem:$0x18300] =	vst v63  }
0x1aa: {  	_ =	swait.ge [sflag:s21], $0x8000  }
0x1ab: {  	s26 =	sld [smem:$0x7EC]  }
0x1ac: {  	[sflag:s21] =	ssyncset.done $0x0  }
0x1ad: {  	[sflag:s21] =	ssyncadd.s32 $0xFFFF8000  }
0x1ae: {  	[tilespmem:s12], [sflag:$0x7] =	stream.linear.gather [hbm4b:s26+s3], $0x100, $0x38;
	[tilespmem:$0x18300] =	vst v63  }
0x1af: {  	_ =	swait.ge [sflag:s5], $0x100  }
0x1b0: {  	[sflag:s5] =	ssyncset.done $0x0  }
0x1b1: {  	[smem:$0x7ED] =	sst s28;
	[sflag:s5] =	ssyncadd.s32 $0xFFFFFF00  }
0x1b2: {  	[tilespmem:s14], [sflag:$0x3] =	stream.indirect.gather [hbm4b:s28+s7], $0x80, s12, s7, $0xb8;
	[tilespmem:$0x18300] =	vst v63  }
0x1b3: {  	_ =	swait.ge [sflag:s15], $0x8000  }
0x1b4: {  	s4 =	sld [smem:$0x7EE]  }
0x1b5: {  	[sflag:s15] =	ssyncset.done $0x0  }
0x1b6: {  	[sflag:s15] =	ssyncadd.s32 $0xFFFF8000  }
0x1b7: {  	[hbm4b:s4+s3] =	stream.linear.scatter [tilespmem:s10], [sflag:$0x5], $0x8000, $0x38;
	[tilespmem:$0x18300] =	vst v63  }
0x1b8: {  	_ =	swait.ge [sflag:s16], $0x8000  }
0x1b9: {  	s6 =	sld [smem:$0x7EF]  }
0x1ba: {  	[sflag:s16] =	ssyncset.done $0x0  }
0x1bb: {  	[sflag:s16] =	ssyncadd.s32 $0xFFFF8000  }
0x1bc: {  	[tilespmem:s3], [sflag:$0x7] =	stream.linear.gather [hbm4b:s6+s3], $0x100, $0x38;
	[tilespmem:$0x18300] =	vst v63  }
0x1bd: {  	_ =	swait.ge [sflag:s5], $0x100  }
0x1be: {  	[sflag:s5] =	ssyncset.done $0x0  }
0x1bf: {  	[smem:$0x7F0] =	sst s29;
	[sflag:s5] =	ssyncadd.s32 $0xFFFFFF00  }
0x1c0: {  	[tilespmem:s8], [sflag:$0x1] =	stream.indirect.gather [hbm4b:s29+s7], $0x80, s3, s7, $0xb8;
	[tilespmem:$0x18300] =	vst v63  }
0x1c1: {  	_ =	swait.ge [sflag:s18], $0x8000  }
0x1c2: {  	s9 =	sld [smem:$0x7F1]  }
0x1c3: {  	[sflag:s18] =	ssyncset.done $0x0  }
0x1c4: {  	[sflag:s18] =	ssyncadd.s32 $0xFFFF8000  }
0x1c5: {  	[hbm4b:s9+s3] =	stream.linear.scatter [tilespmem:s14], [sflag:$0x6], $0x8000, $0x38;
	[tilespmem:$0x18300] =	vst v63  }
0x1c6: {  	_ =	swait.ge [sflag:s19], $0x8000  }
0x1c7: {  	s13 =	sld [smem:$0x7F2]  }
0x1c8: {  	[sflag:s19] =	ssyncset.done $0x0  }
0x1c9: {  	[sflag:s19] =	ssyncadd.s32 $0xFFFF8000  }
0x1ca: {  	[tilespmem:s7], [sflag:$0x7] =	stream.linear.gather [hbm4b:s13+s3], $0x100, $0x38;
	[tilespmem:$0x18300] =	vst v63  }
0x1cb: {  	_ =	swait.ge [sflag:s5], $0x100  }
0x1cc: {  	[sflag:s5] =	ssyncset.done $0x0  }
0x1cd: {  	[smem:$0x7F3] =	sst s30;
	[sflag:s5] =	ssyncadd.s32 $0xFFFFFF00  }
0x1ce: {  	[tilespmem:s10], [sflag:$0x2] =	stream.indirect.gather [hbm4b:s30+s7], $0x80, s7, s7, $0xb8;
	[tilespmem:$0x18300] =	vst v63  }
0x1cf: {  	_ =	swait.ge [sflag:s11], $0x8000  }
0x1d0: {  	s17 =	sld [smem:$0x7F4]  }
0x1d1: {  	[sflag:s11] =	ssyncset.done $0x0  }
0x1d2: {  	[sflag:s11] =	ssyncadd.s32 $0xFFFF8000  }
0x1d3: {  	[hbm4b:s17+s3] =	stream.linear.scatter [tilespmem:s8], [sflag:$0x4], $0x8000, $0x38;
	[tilespmem:$0x18300] =	vst v63  }
0x1d4: {  	_ =	swait.ge [sflag:s21], $0x8000  }
0x1d5: {  	s20 =	sld [smem:$0x7F5]  }
0x1d6: {  	[sflag:s21] =	ssyncset.done $0x0  }
0x1d7: {  	[sflag:s21] =	ssyncadd.s32 $0xFFFF8000  }
0x1d8: {  	[tilespmem:s12], [sflag:$0x7] =	stream.linear.gather [hbm4b:s20+s3], $0x100, $0x38;
	[tilespmem:$0x18300] =	vst v63  }
0x1d9: {  	_ =	swait.ge [sflag:s5], $0x100  }
0x1da: {  	[sflag:s5] =	ssyncset.done $0x0  }
0x1db: {  	[sflag:s5] =	ssyncadd.s32 $0xFFFFFF00  }
0x1dc: {  	s22 =	rddreg [dreg:$0x1]  }
0x1dd: {  	[tilespmem:s14], [sflag:$0x3] =	stream.indirect.gather [hbm4b:s22+s7], $0x80, s12, s7, $0xb8;
	[tilespmem:$0x18300] =	vst v63  }
0x1de: {  	_ =	swait.ge [sflag:s15], $0x8000  }
0x1df: {  	s23 =	sld [smem:$0x7F6]  }
0x1e0: {  	[sflag:s15] =	ssyncset.done $0x0  }
0x1e1: {  	[sflag:s15] =	ssyncadd.s32 $0xFFFF8000  }
0x1e2: {  	[hbm4b:s23+s3] =	stream.linear.scatter [tilespmem:s10], [sflag:$0x5], $0x8000, $0x38;
	[tilespmem:$0x18300] =	vst v63  }
0x1e3: {  	_ =	swait.ge [sflag:s16], $0x8000  }
0x1e4: {  	s24 =	sld [smem:$0x7F7]  }
0x1e5: {  	[sflag:s16] =	ssyncset.done $0x0  }
0x1e6: {  	[sflag:s16] =	ssyncadd.s32 $0xFFFF8000  }
0x1e7: {  	[tilespmem:s3], [sflag:$0x7] =	stream.linear.gather [hbm4b:s24+s3], $0x100, $0x38;
	[tilespmem:$0x18300] =	vst v63  }
0x1e8: {  	_ =	swait.ge [sflag:s5], $0x100  }
0x1e9: {  	[sflag:s5] =	ssyncset.done $0x0  }
0x1ea: {  	[smem:$0x7F8] =	sst s1;
	[sflag:s5] =	ssyncadd.s32 $0xFFFFFF00  }
0x1eb: {  	[tilespmem:s8], [sflag:$0x1] =	stream.indirect.gather [hbm4b:s1+s7], $0x80, s3, s7, $0xb8;
	[tilespmem:$0x18300] =	vst v63  }
0x1ec: {  	_ =	swait.ge [sflag:s18], $0x8000  }
0x1ed: {  	s25 =	sld [smem:$0x7F9]  }
0x1ee: {  	[sflag:s18] =	ssyncset.done $0x0  }
0x1ef: {  	[sflag:s18] =	ssyncadd.s32 $0xFFFF8000  }
0x1f0: {  	[hbm4b:s25+s3] =	stream.linear.scatter [tilespmem:s14], [sflag:$0x6], $0x8000, $0x38;
	[tilespmem:$0x18300] =	vst v63  }
0x1f1: {  	_ =	swait.ge [sflag:s19], $0x8000  }
0x1f2: {  	s26 =	sld [smem:$0x7FA]  }
0x1f3: {  	[sflag:s19] =	ssyncset.done $0x0  }
0x1f4: {  	[sflag:s19] =	ssyncadd.s32 $0xFFFF8000  }
0x1f5: {  	[tilespmem:s7], [sflag:$0x7] =	stream.linear.gather [hbm4b:s26+s3], $0x100, $0x38;
	[tilespmem:$0x18300] =	vst v63  }
0x1f6: {  	_ =	swait.ge [sflag:s5], $0x100  }
0x1f7: {  	[sflag:s5] =	ssyncset.done $0x0  }
0x1f8: {  	[smem:$0x7FB] =	sst s0;
	[sflag:s5] =	ssyncadd.s32 $0xFFFFFF00  }
0x1f9: {  	[tilespmem:s10], [sflag:$0x2] =	stream.indirect.gather [hbm4b:s0+s7], $0x80, s7, s7, $0xb8;
	[tilespmem:$0x18300] =	vst v63  }
0x1fa: {  	_ =	swait.ge [sflag:s11], $0x8000  }
0x1fb: {  	s28 =	sld [smem:$0x7FC]  }
0x1fc: {  	[sflag:s11] =	ssyncset.done $0x0  }
0x1fd: {  	[sflag:s11] =	ssyncadd.s32 $0xFFFF8000  }
0x1fe: {  	[hbm4b:s28+s3] =	stream.linear.scatter [tilespmem:s8], [sflag:$0x4], $0x8000, $0x38;
	[tilespmem:$0x18300] =	vst v63  }
0x1ff: {  	_ =	swait.ge [sflag:s15], $0x8000  }
0x200: {  	s29 =	sld [smem:$0x7FD]  }
0x201: {  	s30 =	ssub.s32 $0x2, s31;
	[sflag:s15] =	ssyncset.done $0x0  }
0x202: {  	s31 =	sshrl.u32 s30, $0x1;
	[sflag:s15] =	ssyncadd.s32 $0xFFFF8000  }
0x203: {  	[hbm4b:s29+s3] =	stream.linear.scatter [tilespmem:s10], [sflag:$0x5], $0x8000, $0x38;
	[tilespmem:$0x18300] =	vst v63  }
0x204: {  	s2 =	ssub.s32 s30, s31;
	_ =	swait.ge [sflag:s16], $0x8000  }
0x205: {  	s2 =	smax.u32 s2, $0x1;
	[sflag:s16] =	ssyncset.done $0x0  }
0x206: {  	p0 =	sne.s32 s2, $0x1;
	[sflag:s16] =	ssyncadd.s32 $0xFFFF8000  }
.Ltmp0:
0x207: {  	_ =	swait.ge [sflag:s19], $0x8000;
	(pc) =	sbr.rel @!p0 .LBB2_2-.Ltmp0, $4  }
0x208: {  	[sflag:s19] =	ssyncset.done $0x0  }
0x209: {  	[sflag:s19] =	ssyncadd.s32 $0xFFFF8000  }
0x20a: {  	_ =	swait.ge [sflag:s21], $0x8000  }
0x20b: {  	s2 =	sadd.s32 $0xFFFFFFFF, s2;
	[sflag:s21] =	ssyncset.done $0x0  }
.LBB2_1:
0x20c: {  	s4 =	sld [smem:$0x7C7];
	_ =	sdelay $0x1  }
0x20d: {  	[sflag:s21] =	ssyncadd.s32 $0xFFFF8000  }
0x20e: {  	[tilespmem:s3], [sflag:$0x7] =	stream.linear.gather [hbm4b:s4+s3], $0x100, $0x38;
	[tilespmem:$0x18300] =	vst v63  }
0x20f: {  	_ =	swait.ge [sflag:s5], $0x100  }
0x210: {  	s13 =	sld [smem:$0x7CE]  }
0x211: {  	[sflag:s5] =	ssyncset.done $0x0  }
0x212: {  	[sflag:s5] =	ssyncadd.s32 $0xFFFFFF00  }
0x213: {  	[tilespmem:s8], [sflag:$0x1] =	stream.indirect.gather [hbm4b:s13+s7], $0x80, s3, s7, $0xb8;
	[tilespmem:$0x18300] =	vst v63  }
0x214: {  	s31 =	rddreg [dreg:$0x3]  }
0x215: {  	[tilespmem:s7], [sflag:$0x7] =	stream.linear.gather [hbm4b:s31+s3], $0x100, $0x38;
	[tilespmem:$0x18300] =	vst v63  }
0x216: {  	_ =	swait.ge [sflag:s5], $0x100  }
0x217: {  	s17 =	sld [smem:$0x7CF]  }
0x218: {  	[sflag:s5] =	ssyncset.done $0x0  }
0x219: {  	[sflag:s5] =	ssyncadd.s32 $0xFFFFFF00  }
0x21a: {  	[tilespmem:s10], [sflag:$0x2] =	stream.indirect.gather [hbm4b:s17+s7], $0x80, s7, s7, $0xb8;
	[tilespmem:$0x18300] =	vst v63  }
0x21b: {  	_ =	swait.ge [sflag:s11], $0x8000  }
0x21c: {  	[sflag:s11] =	ssyncset.done $0x0  }
0x21d: {  	s0 =	rddreg [dreg:$0x4];
	[sflag:s11] =	ssyncadd.s32 $0xFFFF8000  }
0x21e: {  	[hbm4b:s0+s3] =	stream.linear.scatter [tilespmem:s8], [sflag:$0x4], $0x8000, $0x38;
	[tilespmem:$0x18300] =	vst v63  }
0x21f: {  	s6 =	rddreg [dreg:$0x5]  }
0x220: {  	[tilespmem:s12], [sflag:$0x7] =	stream.linear.gather [hbm4b:s6+s3], $0x100, $0x38;
	[tilespmem:$0x18300] =	vst v63  }
0x221: {  	_ =	swait.ge [sflag:s5], $0x100  }
0x222: {  	s20 =	sld [smem:$0x7D2]  }
0x223: {  	[sflag:s5] =	ssyncset.done $0x0  }
0x224: {  	[sflag:s5] =	ssyncadd.s32 $0xFFFFFF00  }
0x225: {  	[tilespmem:s14], [sflag:$0x3] =	stream.indirect.gather [hbm4b:s20+s7], $0x80, s12, s7, $0xb8;
	[tilespmem:$0x18300] =	vst v63  }
0x226: {  	_ =	swait.ge [sflag:s15], $0x8000  }
0x227: {  	[sflag:s15] =	ssyncset.done $0x0  }
0x228: {  	s1 =	rddreg [dreg:$0x6];
	[sflag:s15] =	ssyncadd.s32 $0xFFFF8000  }
0x229: {  	[hbm4b:s1+s3] =	stream.linear.scatter [tilespmem:s10], [sflag:$0x5], $0x8000, $0x38;
	[tilespmem:$0x18300] =	vst v63  }
0x22a: {  	_ =	swait.ge [sflag:s16], $0x8000  }
0x22b: {  	[sflag:s16] =	ssyncset.done $0x0  }
0x22c: {  	s6 =	rddreg [dreg:$0x7];
	[sflag:s16] =	ssyncadd.s32 $0xFFFF8000  }
0x22d: {  	[tilespmem:s3], [sflag:$0x7] =	stream.linear.gather [hbm4b:s6+s3], $0x100, $0x38;
	[tilespmem:$0x18300] =	vst v63  }
0x22e: {  	_ =	swait.ge [sflag:s5], $0x100  }
0x22f: {  	s22 =	sld [smem:$0x7D5]  }
0x230: {  	[sflag:s5] =	ssyncset.done $0x0  }
0x231: {  	[sflag:s5] =	ssyncadd.s32 $0xFFFFFF00  }
0x232: {  	[tilespmem:s8], [sflag:$0x1] =	stream.indirect.gather [hbm4b:s22+s7], $0x80, s3, s7, $0xb8;
	[tilespmem:$0x18300] =	vst v63  }
0x233: {  	_ =	swait.ge [sflag:s18], $0x8000  }
0x234: {  	[sflag:s18] =	ssyncset.done $0x0  }
0x235: {  	s9 =	rddreg [dreg:$0x8];
	[sflag:s18] =	ssyncadd.s32 $0xFFFF8000  }
0x236: {  	[hbm4b:s9+s3] =	stream.linear.scatter [tilespmem:s14], [sflag:$0x6], $0x8000, $0x38;
	[tilespmem:$0x18300] =	vst v63  }
0x237: {  	_ =	swait.ge [sflag:s19], $0x8000  }
0x238: {  	[sflag:s19] =	ssyncset.done $0x0  }
0x239: {  	s23 =	rddreg [dreg:$0x9];
	[sflag:s19] =	ssyncadd.s32 $0xFFFF8000  }
0x23a: {  	[tilespmem:s7], [sflag:$0x7] =	stream.linear.gather [hbm4b:s23+s3], $0x100, $0x38;
	[tilespmem:$0x18300] =	vst v63  }
0x23b: {  	_ =	swait.ge [sflag:s5], $0x100  }
0x23c: {  	s23 =	sld [smem:$0x7D8]  }
0x23d: {  	[sflag:s5] =	ssyncset.done $0x0  }
0x23e: {  	[sflag:s5] =	ssyncadd.s32 $0xFFFFFF00  }
0x23f: {  	[tilespmem:s10], [sflag:$0x2] =	stream.indirect.gather [hbm4b:s23+s7], $0x80, s7, s7, $0xb8;
	[tilespmem:$0x18300] =	vst v63  }
0x240: {  	_ =	swait.ge [sflag:s11], $0x8000  }
0x241: {  	[sflag:s11] =	ssyncset.done $0x0  }
0x242: {  	s24 =	rddreg [dreg:$0xa];
	[sflag:s11] =	ssyncadd.s32 $0xFFFF8000  }
0x243: {  	[hbm4b:s24+s3] =	stream.linear.scatter [tilespmem:s8], [sflag:$0x4], $0x8000, $0x38;
	[tilespmem:$0x18300] =	vst v63  }
0x244: {  	_ =	swait.ge [sflag:s21], $0x8000  }
0x245: {  	[sflag:s21] =	ssyncset.done $0x0  }
0x246: {  	s25 =	rddreg [dreg:$0xb];
	[sflag:s21] =	ssyncadd.s32 $0xFFFF8000  }
0x247: {  	[tilespmem:s12], [sflag:$0x7] =	stream.linear.gather [hbm4b:s25+s3], $0x100, $0x38;
	[tilespmem:$0x18300] =	vst v63  }
0x248: {  	_ =	swait.ge [sflag:s5], $0x100  }
0x249: {  	s24 =	sld [smem:$0x7DB]  }
0x24a: {  	[sflag:s5] =	ssyncset.done $0x0  }
0x24b: {  	[sflag:s5] =	ssyncadd.s32 $0xFFFFFF00  }
0x24c: {  	[tilespmem:s14], [sflag:$0x3] =	stream.indirect.gather [hbm4b:s24+s7], $0x80, s12, s7, $0xb8;
	[tilespmem:$0x18300] =	vst v63  }
0x24d: {  	_ =	swait.ge [sflag:s15], $0x8000  }
0x24e: {  	[sflag:s15] =	ssyncset.done $0x0  }
0x24f: {  	s26 =	rddreg [dreg:$0xc];
	[sflag:s15] =	ssyncadd.s32 $0xFFFF8000  }
0x250: {  	[hbm4b:s26+s3] =	stream.linear.scatter [tilespmem:s10], [sflag:$0x5], $0x8000, $0x38;
	[tilespmem:$0x18300] =	vst v63  }
0x251: {  	_ =	swait.ge [sflag:s16], $0x8000  }
0x252: {  	[sflag:s16] =	ssyncset.done $0x0  }
0x253: {  	s28 =	rddreg [dreg:$0xd];
	[sflag:s16] =	ssyncadd.s32 $0xFFFF8000  }
0x254: {  	[tilespmem:s3], [sflag:$0x7] =	stream.linear.gather [hbm4b:s28+s3], $0x100, $0x38;
	[tilespmem:$0x18300] =	vst v63  }
0x255: {  	_ =	swait.ge [sflag:s5], $0x100  }
0x256: {  	s25 =	sld [smem:$0x7DE]  }
0x257: {  	[sflag:s5] =	ssyncset.done $0x0  }
0x258: {  	[sflag:s5] =	ssyncadd.s32 $0xFFFFFF00  }
0x259: {  	[tilespmem:s8], [sflag:$0x1] =	stream.indirect.gather [hbm4b:s25+s7], $0x80, s3, s7, $0xb8;
	[tilespmem:$0x18300] =	vst v63  }
0x25a: {  	_ =	swait.ge [sflag:s18], $0x8000  }
0x25b: {  	[sflag:s18] =	ssyncset.done $0x0  }
0x25c: {  	s29 =	rddreg [dreg:$0xe];
	[sflag:s18] =	ssyncadd.s32 $0xFFFF8000  }
0x25d: {  	[hbm4b:s29+s3] =	stream.linear.scatter [tilespmem:s14], [sflag:$0x6], $0x8000, $0x38;
	[tilespmem:$0x18300] =	vst v63  }
0x25e: {  	_ =	swait.ge [sflag:s19], $0x8000  }
0x25f: {  	[sflag:s19] =	ssyncset.done $0x0  }
0x260: {  	s30 =	rddreg [dreg:$0xf];
	[sflag:s19] =	ssyncadd.s32 $0xFFFF8000  }
0x261: {  	[tilespmem:s7], [sflag:$0x7] =	stream.linear.gather [hbm4b:s30+s3], $0x100, $0x38;
	[tilespmem:$0x18300] =	vst v63  }
0x262: {  	_ =	swait.ge [sflag:s5], $0x100  }
0x263: {  	s26 =	sld [smem:$0x7E1]  }
0x264: {  	[sflag:s5] =	ssyncset.done $0x0  }
0x265: {  	[sflag:s5] =	ssyncadd.s32 $0xFFFFFF00  }
0x266: {  	[tilespmem:s10], [sflag:$0x2] =	stream.indirect.gather [hbm4b:s26+s7], $0x80, s7, s7, $0xb8;
	[tilespmem:$0x18300] =	vst v63  }
0x267: {  	_ =	swait.ge [sflag:s11], $0x8000  }
0x268: {  	[sflag:s11] =	ssyncset.done $0x0  }
0x269: {  	s31 =	rddreg [dreg:$0x10];
	[sflag:s11] =	ssyncadd.s32 $0xFFFF8000  }
0x26a: {  	[hbm4b:s31+s3] =	stream.linear.scatter [tilespmem:s8], [sflag:$0x4], $0x8000, $0x38;
	[tilespmem:$0x18300] =	vst v63  }
0x26b: {  	_ =	swait.ge [sflag:s21], $0x8000  }
0x26c: {  	[sflag:s21] =	ssyncset.done $0x0  }
0x26d: {  	s0 =	rddreg [dreg:$0x11];
	[sflag:s21] =	ssyncadd.s32 $0xFFFF8000  }
0x26e: {  	[tilespmem:s12], [sflag:$0x7] =	stream.linear.gather [hbm4b:s0+s3], $0x100, $0x38;
	[tilespmem:$0x18300] =	vst v63  }
0x26f: {  	_ =	swait.ge [sflag:s5], $0x100  }
0x270: {  	s28 =	sld [smem:$0x7E4]  }
0x271: {  	[sflag:s5] =	ssyncset.done $0x0  }
0x272: {  	[sflag:s5] =	ssyncadd.s32 $0xFFFFFF00  }
0x273: {  	[tilespmem:s14], [sflag:$0x3] =	stream.indirect.gather [hbm4b:s28+s7], $0x80, s12, s7, $0xb8;
	[tilespmem:$0x18300] =	vst v63  }
0x274: {  	_ =	swait.ge [sflag:s15], $0x8000  }
0x275: {  	[sflag:s15] =	ssyncset.done $0x0  }
0x276: {  	s1 =	rddreg [dreg:$0x12];
	[sflag:s15] =	ssyncadd.s32 $0xFFFF8000  }
0x277: {  	[hbm4b:s1+s3] =	stream.linear.scatter [tilespmem:s10], [sflag:$0x5], $0x8000, $0x38;
	[tilespmem:$0x18300] =	vst v63  }
0x278: {  	_ =	swait.ge [sflag:s16], $0x8000  }
0x279: {  	[sflag:s16] =	ssyncset.done $0x0  }
0x27a: {  	s6 =	rddreg [dreg:$0x13];
	[sflag:s16] =	ssyncadd.s32 $0xFFFF8000  }
0x27b: {  	[tilespmem:s3], [sflag:$0x7] =	stream.linear.gather [hbm4b:s6+s3], $0x100, $0x38;
	[tilespmem:$0x18300] =	vst v63  }
0x27c: {  	_ =	swait.ge [sflag:s5], $0x100  }
0x27d: {  	s29 =	sld [smem:$0x7E7]  }
0x27e: {  	[sflag:s5] =	ssyncset.done $0x0  }
0x27f: {  	[sflag:s5] =	ssyncadd.s32 $0xFFFFFF00  }
0x280: {  	[tilespmem:s8], [sflag:$0x1] =	stream.indirect.gather [hbm4b:s29+s7], $0x80, s3, s7, $0xb8;
	[tilespmem:$0x18300] =	vst v63  }
0x281: {  	_ =	swait.ge [sflag:s18], $0x8000  }
0x282: {  	[sflag:s18] =	ssyncset.done $0x0  }
0x283: {  	s9 =	rddreg [dreg:$0x14];
	[sflag:s18] =	ssyncadd.s32 $0xFFFF8000  }
0x284: {  	[hbm4b:s9+s3] =	stream.linear.scatter [tilespmem:s14], [sflag:$0x6], $0x8000, $0x38;
	[tilespmem:$0x18300] =	vst v63  }
0x285: {  	_ =	swait.ge [sflag:s19], $0x8000  }
0x286: {  	[sflag:s19] =	ssyncset.done $0x0  }
0x287: {  	s30 =	rddreg [dreg:$0x15];
	[sflag:s19] =	ssyncadd.s32 $0xFFFF8000  }
0x288: {  	[tilespmem:s7], [sflag:$0x7] =	stream.linear.gather [hbm4b:s30+s3], $0x100, $0x38;
	[tilespmem:$0x18300] =	vst v63  }
0x289: {  	_ =	swait.ge [sflag:s5], $0x100  }
0x28a: {  	s30 =	sld [smem:$0x7EA]  }
0x28b: {  	[sflag:s5] =	ssyncset.done $0x0  }
0x28c: {  	[sflag:s5] =	ssyncadd.s32 $0xFFFFFF00  }
0x28d: {  	[tilespmem:s10], [sflag:$0x2] =	stream.indirect.gather [hbm4b:s30+s7], $0x80, s7, s7, $0xb8;
	[tilespmem:$0x18300] =	vst v63  }
0x28e: {  	_ =	swait.ge [sflag:s11], $0x8000  }
0x28f: {  	[sflag:s11] =	ssyncset.done $0x0  }
0x290: {  	s31 =	rddreg [dreg:$0x16];
	[sflag:s11] =	ssyncadd.s32 $0xFFFF8000  }
0x291: {  	[hbm4b:s31+s3] =	stream.linear.scatter [tilespmem:s8], [sflag:$0x4], $0x8000, $0x38;
	[tilespmem:$0x18300] =	vst v63  }
0x292: {  	_ =	swait.ge [sflag:s21], $0x8000  }
0x293: {  	[sflag:s21] =	ssyncset.done $0x0  }
0x294: {  	s0 =	rddreg [dreg:$0x17];
	[sflag:s21] =	ssyncadd.s32 $0xFFFF8000  }
0x295: {  	[tilespmem:s12], [sflag:$0x7] =	stream.linear.gather [hbm4b:s0+s3], $0x100, $0x38;
	[tilespmem:$0x18300] =	vst v63  }
0x296: {  	_ =	swait.ge [sflag:s5], $0x100  }
0x297: {  	s31 =	sld [smem:$0x7ED]  }
0x298: {  	[sflag:s5] =	ssyncset.done $0x0  }
0x299: {  	[sflag:s5] =	ssyncadd.s32 $0xFFFFFF00  }
0x29a: {  	[tilespmem:s14], [sflag:$0x3] =	stream.indirect.gather [hbm4b:s31+s7], $0x80, s12, s7, $0xb8;
	[tilespmem:$0x18300] =	vst v63  }
0x29b: {  	_ =	swait.ge [sflag:s15], $0x8000  }
0x29c: {  	[sflag:s15] =	ssyncset.done $0x0  }
0x29d: {  	s1 =	rddreg [dreg:$0x18];
	[sflag:s15] =	ssyncadd.s32 $0xFFFF8000  }
0x29e: {  	[hbm4b:s1+s3] =	stream.linear.scatter [tilespmem:s10], [sflag:$0x5], $0x8000, $0x38;
	[tilespmem:$0x18300] =	vst v63  }
0x29f: {  	_ =	swait.ge [sflag:s16], $0x8000  }
0x2a0: {  	[sflag:s16] =	ssyncset.done $0x0  }
0x2a1: {  	s6 =	rddreg [dreg:$0x19];
	[sflag:s16] =	ssyncadd.s32 $0xFFFF8000  }
0x2a2: {  	[tilespmem:s3], [sflag:$0x7] =	stream.linear.gather [hbm4b:s6+s3], $0x100, $0x38;
	[tilespmem:$0x18300] =	vst v63  }
0x2a3: {  	_ =	swait.ge [sflag:s5], $0x100  }
0x2a4: {  	s1 =	sld [smem:$0x7F0]  }
0x2a5: {  	[sflag:s5] =	ssyncset.done $0x0  }
0x2a6: {  	[sflag:s5] =	ssyncadd.s32 $0xFFFFFF00  }
0x2a7: {  	[tilespmem:s8], [sflag:$0x1] =	stream.indirect.gather [hbm4b:s1+s7], $0x80, s3, s7, $0xb8;
	[tilespmem:$0x18300] =	vst v63  }
0x2a8: {  	_ =	swait.ge [sflag:s18], $0x8000  }
0x2a9: {  	[sflag:s18] =	ssyncset.done $0x0  }
0x2aa: {  	s9 =	rddreg [dreg:$0x1a];
	[sflag:s18] =	ssyncadd.s32 $0xFFFF8000  }
0x2ab: {  	[hbm4b:s9+s3] =	stream.linear.scatter [tilespmem:s14], [sflag:$0x6], $0x8000, $0x38;
	[tilespmem:$0x18300] =	vst v63  }
0x2ac: {  	_ =	swait.ge [sflag:s19], $0x8000  }
0x2ad: {  	[sflag:s19] =	ssyncset.done $0x0  }
0x2ae: {  	s0 =	rddreg [dreg:$0x1b];
	[sflag:s19] =	ssyncadd.s32 $0xFFFF8000  }
0x2af: {  	[tilespmem:s7], [sflag:$0x7] =	stream.linear.gather [hbm4b:s0+s3], $0x100, $0x38;
	[tilespmem:$0x18300] =	vst v63  }
0x2b0: {  	_ =	swait.ge [sflag:s5], $0x100  }
0x2b1: {  	s0 =	sld [smem:$0x7F3]  }
0x2b2: {  	[sflag:s5] =	ssyncset.done $0x0  }
0x2b3: {  	[sflag:s5] =	ssyncadd.s32 $0xFFFFFF00  }
0x2b4: {  	[tilespmem:s10], [sflag:$0x2] =	stream.indirect.gather [hbm4b:s0+s7], $0x80, s7, s7, $0xb8;
	[tilespmem:$0x18300] =	vst v63  }
0x2b5: {  	_ =	swait.ge [sflag:s11], $0x8000  }
0x2b6: {  	[sflag:s11] =	ssyncset.done $0x0  }
0x2b7: {  	s6 =	rddreg [dreg:$0x1c];
	[sflag:s11] =	ssyncadd.s32 $0xFFFF8000  }
0x2b8: {  	[hbm4b:s6+s3] =	stream.linear.scatter [tilespmem:s8], [sflag:$0x4], $0x8000, $0x38;
	[tilespmem:$0x18300] =	vst v63  }
0x2b9: {  	_ =	swait.ge [sflag:s21], $0x8000  }
0x2ba: {  	[sflag:s21] =	ssyncset.done $0x0  }
0x2bb: {  	s9 =	rddreg [dreg:$0x1d];
	[sflag:s21] =	ssyncadd.s32 $0xFFFF8000  }
0x2bc: {  	[tilespmem:s12], [sflag:$0x7] =	stream.linear.gather [hbm4b:s9+s3], $0x100, $0x38;
	[tilespmem:$0x18300] =	vst v63  }
0x2bd: {  	_ =	swait.ge [sflag:s5], $0x100  }
0x2be: {  	[sflag:s5] =	ssyncset.done $0x0  }
0x2bf: {  	[sflag:s5] =	ssyncadd.s32 $0xFFFFFF00  }
0x2c0: {  	s9 =	rddreg [dreg:$0x1]  }
0x2c1: {  	[tilespmem:s14], [sflag:$0x3] =	stream.indirect.gather [hbm4b:s9+s7], $0x80, s12, s7, $0xb8;
	[tilespmem:$0x18300] =	vst v63  }
0x2c2: {  	_ =	swait.ge [sflag:s15], $0x8000  }
0x2c3: {  	[sflag:s15] =	ssyncset.done $0x0  }
0x2c4: {  	s6 =	rddreg [dreg:$0x1e];
	[sflag:s15] =	ssyncadd.s32 $0xFFFF8000  }
0x2c5: {  	[hbm4b:s6+s3] =	stream.linear.scatter [tilespmem:s10], [sflag:$0x5], $0x8000, $0x38;
	[tilespmem:$0x18300] =	vst v63  }
0x2c6: {  	_ =	swait.ge [sflag:s16], $0x8000  }
0x2c7: {  	[sflag:s16] =	ssyncset.done $0x0  }
0x2c8: {  	s9 =	rddreg [dreg:$0x1f];
	[sflag:s16] =	ssyncadd.s32 $0xFFFF8000  }
0x2c9: {  	[tilespmem:s3], [sflag:$0x7] =	stream.linear.gather [hbm4b:s9+s3], $0x100, $0x38;
	[tilespmem:$0x18300] =	vst v63  }
0x2ca: {  	_ =	swait.ge [sflag:s5], $0x100  }
0x2cb: {  	s9 =	sld [smem:$0x7F8]  }
0x2cc: {  	[sflag:s5] =	ssyncset.done $0x0  }
0x2cd: {  	[sflag:s5] =	ssyncadd.s32 $0xFFFFFF00  }
0x2ce: {  	[tilespmem:s8], [sflag:$0x1] =	stream.indirect.gather [hbm4b:s9+s7], $0x80, s3, s7, $0xb8;
	[tilespmem:$0x18300] =	vst v63  }
0x2cf: {  	_ =	swait.ge [sflag:s18], $0x8000  }
0x2d0: {  	s6 =	sld [smem:$0x7C8]  }
0x2d1: {  	[sflag:s18] =	ssyncset.done $0x0  }
0x2d2: {  	[sflag:s18] =	ssyncadd.s32 $0xFFFF8000  }
0x2d3: {  	[hbm4b:s6+s3] =	stream.linear.scatter [tilespmem:s14], [sflag:$0x6], $0x8000, $0x38;
	[tilespmem:$0x18300] =	vst v63  }
0x2d4: {  	_ =	swait.ge [sflag:s19], $0x8000  }
0x2d5: {  	s6 =	sld [smem:$0x7C9]  }
0x2d6: {  	[sflag:s19] =	ssyncset.done $0x0  }
0x2d7: {  	[sflag:s19] =	ssyncadd.s32 $0xFFFF8000  }
0x2d8: {  	[tilespmem:s7], [sflag:$0x7] =	stream.linear.gather [hbm4b:s6+s3], $0x100, $0x38;
	[tilespmem:$0x18300] =	vst v63  }
0x2d9: {  	_ =	swait.ge [sflag:s5], $0x100  }
0x2da: {  	s6 =	sld [smem:$0x7FB]  }
0x2db: {  	[sflag:s5] =	ssyncset.done $0x0  }
0x2dc: {  	[sflag:s5] =	ssyncadd.s32 $0xFFFFFF00  }
0x2dd: {  	[tilespmem:s10], [sflag:$0x2] =	stream.indirect.gather [hbm4b:s6+s7], $0x80, s7, s7, $0xb8;
	[tilespmem:$0x18300] =	vst v63  }
0x2de: {  	_ =	swait.ge [sflag:s11], $0x8000  }
0x2df: {  	s6 =	sld [smem:$0x7CA]  }
0x2e0: {  	[sflag:s11] =	ssyncset.done $0x0  }
0x2e1: {  	[sflag:s11] =	ssyncadd.s32 $0xFFFF8000  }
0x2e2: {  	[hbm4b:s6+s3] =	stream.linear.scatter [tilespmem:s8], [sflag:$0x4], $0x8000, $0x38;
	[tilespmem:$0x18300] =	vst v63  }
0x2e3: {  	_ =	swait.ge [sflag:s15], $0x8000  }
0x2e4: {  	s6 =	sld [smem:$0x7CB]  }
0x2e5: {  	[sflag:s15] =	ssyncset.done $0x0  }
0x2e6: {  	[sflag:s15] =	ssyncadd.s32 $0xFFFF8000  }
0x2e7: {  	[hbm4b:s6+s3] =	stream.linear.scatter [tilespmem:s10], [sflag:$0x5], $0x8000, $0x38;
	[tilespmem:$0x18300] =	vst v63  }
0x2e8: {  	_ =	swait.ge [sflag:s16], $0x8000  }
0x2e9: {  	[sflag:s16] =	ssyncset.done $0x0  }
0x2ea: {  	[sflag:s16] =	ssyncadd.s32 $0xFFFF8000  }
0x2eb: {  	_ =	swait.ge [sflag:s19], $0x8000  }
0x2ec: {  	[sflag:s19] =	ssyncset.done $0x0  }
0x2ed: {  	[sflag:s19] =	ssyncadd.s32 $0xFFFF8000  }
0x2ee: {  	_ =	swait.ge [sflag:s21], $0x8000  }
0x2ef: {  	s6 =	sld [smem:$0x7CC]  }
0x2f0: {  	[sflag:s21] =	ssyncset.done $0x0  }
0x2f1: {  	[sflag:s21] =	ssyncadd.s32 $0xFFFF8000  }
0x2f2: {  	[tilespmem:s3], [sflag:$0x7] =	stream.linear.gather [hbm4b:s6+s3], $0x100, $0x38;
	[tilespmem:$0x18300] =	vst v63  }
0x2f3: {  	_ =	swait.ge [sflag:s5], $0x100  }
0x2f4: {  	[sflag:s5] =	ssyncset.done $0x0  }
0x2f5: {  	s6 =	sld [smem:$0x7CD];
	[sflag:s5] =	ssyncadd.s32 $0xFFFFFF00  }
0x2f6: {  	[tilespmem:s8], [sflag:$0x1] =	stream.indirect.gather [hbm4b:s13+s7], $0x80, s3, s7, $0xb8;
	[tilespmem:$0x18300] =	vst v63  }
0x2f7: {  	_ = 	snop  }
0x2f8: {  	[tilespmem:s7], [sflag:$0x7] =	stream.linear.gather [hbm4b:s6+s3], $0x100, $0x38;
	[tilespmem:$0x18300] =	vst v63  }
0x2f9: {  	_ =	swait.ge [sflag:s5], $0x100  }
0x2fa: {  	[sflag:s5] =	ssyncset.done $0x0  }
0x2fb: {  	[sflag:s5] =	ssyncadd.s32 $0xFFFFFF00  }
0x2fc: {  	[tilespmem:s10], [sflag:$0x2] =	stream.indirect.gather [hbm4b:s17+s7], $0x80, s7, s7, $0xb8;
	[tilespmem:$0x18300] =	vst v63  }
0x2fd: {  	_ =	swait.ge [sflag:s11], $0x8000  }
0x2fe: {  	s13 =	sld [smem:$0x7D0]  }
0x2ff: {  	[sflag:s11] =	ssyncset.done $0x0  }
0x300: {  	s17 =	sld [smem:$0x7D1];
	[sflag:s11] =	ssyncadd.s32 $0xFFFF8000  }
0x301: {  	[hbm4b:s13+s3] =	stream.linear.scatter [tilespmem:s8], [sflag:$0x4], $0x8000, $0x38;
	[tilespmem:$0x18300] =	vst v63  }
0x302: {  	_ = 	snop  }
0x303: {  	[tilespmem:s12], [sflag:$0x7] =	stream.linear.gather [hbm4b:s17+s3], $0x100, $0x38;
	[tilespmem:$0x18300] =	vst v63  }
0x304: {  	_ =	swait.ge [sflag:s5], $0x100  }
0x305: {  	[sflag:s5] =	ssyncset.done $0x0  }
0x306: {  	[sflag:s5] =	ssyncadd.s32 $0xFFFFFF00  }
0x307: {  	[tilespmem:s14], [sflag:$0x3] =	stream.indirect.gather [hbm4b:s20+s7], $0x80, s12, s7, $0xb8;
	[tilespmem:$0x18300] =	vst v63  }
0x308: {  	_ =	swait.ge [sflag:s15], $0x8000  }
0x309: {  	s6 =	sld [smem:$0x7D3]  }
0x30a: {  	[sflag:s15] =	ssyncset.done $0x0  }
0x30b: {  	[sflag:s15] =	ssyncadd.s32 $0xFFFF8000  }
0x30c: {  	[hbm4b:s6+s3] =	stream.linear.scatter [tilespmem:s10], [sflag:$0x5], $0x8000, $0x38;
	[tilespmem:$0x18300] =	vst v63  }
0x30d: {  	_ =	swait.ge [sflag:s16], $0x8000  }
0x30e: {  	s13 =	sld [smem:$0x7D4]  }
0x30f: {  	[sflag:s16] =	ssyncset.done $0x0  }
0x310: {  	[sflag:s16] =	ssyncadd.s32 $0xFFFF8000  }
0x311: {  	[tilespmem:s3], [sflag:$0x7] =	stream.linear.gather [hbm4b:s13+s3], $0x100, $0x38;
	[tilespmem:$0x18300] =	vst v63  }
0x312: {  	_ =	swait.ge [sflag:s5], $0x100  }
0x313: {  	[sflag:s5] =	ssyncset.done $0x0  }
0x314: {  	[sflag:s5] =	ssyncadd.s32 $0xFFFFFF00  }
0x315: {  	[tilespmem:s8], [sflag:$0x1] =	stream.indirect.gather [hbm4b:s22+s7], $0x80, s3, s7, $0xb8;
	[tilespmem:$0x18300] =	vst v63  }
0x316: {  	_ =	swait.ge [sflag:s18], $0x8000  }
0x317: {  	s17 =	sld [smem:$0x7D6]  }
0x318: {  	[sflag:s18] =	ssyncset.done $0x0  }
0x319: {  	[sflag:s18] =	ssyncadd.s32 $0xFFFF8000  }
0x31a: {  	[hbm4b:s17+s3] =	stream.linear.scatter [tilespmem:s14], [sflag:$0x6], $0x8000, $0x38;
	[tilespmem:$0x18300] =	vst v63  }
0x31b: {  	_ =	swait.ge [sflag:s19], $0x8000  }
0x31c: {  	s20 =	sld [smem:$0x7D7]  }
0x31d: {  	[sflag:s19] =	ssyncset.done $0x0  }
0x31e: {  	[sflag:s19] =	ssyncadd.s32 $0xFFFF8000  }
0x31f: {  	[tilespmem:s7], [sflag:$0x7] =	stream.linear.gather [hbm4b:s20+s3], $0x100, $0x38;
	[tilespmem:$0x18300] =	vst v63  }
0x320: {  	_ =	swait.ge [sflag:s5], $0x100  }
0x321: {  	[sflag:s5] =	ssyncset.done $0x0  }
0x322: {  	[sflag:s5] =	ssyncadd.s32 $0xFFFFFF00  }
0x323: {  	[tilespmem:s10], [sflag:$0x2] =	stream.indirect.gather [hbm4b:s23+s7], $0x80, s7, s7, $0xb8;
	[tilespmem:$0x18300] =	vst v63  }
0x324: {  	_ =	swait.ge [sflag:s11], $0x8000  }
0x325: {  	s22 =	sld [smem:$0x7D9]  }
0x326: {  	[sflag:s11] =	ssyncset.done $0x0  }
0x327: {  	[sflag:s11] =	ssyncadd.s32 $0xFFFF8000  }
0x328: {  	[hbm4b:s22+s3] =	stream.linear.scatter [tilespmem:s8], [sflag:$0x4], $0x8000, $0x38;
	[tilespmem:$0x18300] =	vst v63  }
0x329: {  	_ =	swait.ge [sflag:s21], $0x8000  }
0x32a: {  	s23 =	sld [smem:$0x7DA]  }
0x32b: {  	[sflag:s21] =	ssyncset.done $0x0  }
0x32c: {  	[sflag:s21] =	ssyncadd.s32 $0xFFFF8000  }
0x32d: {  	[tilespmem:s12], [sflag:$0x7] =	stream.linear.gather [hbm4b:s23+s3], $0x100, $0x38;
	[tilespmem:$0x18300] =	vst v63  }
0x32e: {  	_ =	swait.ge [sflag:s5], $0x100  }
0x32f: {  	[sflag:s5] =	ssyncset.done $0x0  }
0x330: {  	[sflag:s5] =	ssyncadd.s32 $0xFFFFFF00  }
0x331: {  	[tilespmem:s14], [sflag:$0x3] =	stream.indirect.gather [hbm4b:s24+s7], $0x80, s12, s7, $0xb8;
	[tilespmem:$0x18300] =	vst v63  }
0x332: {  	_ =	swait.ge [sflag:s15], $0x8000  }
0x333: {  	s6 =	sld [smem:$0x7DC]  }
0x334: {  	[sflag:s15] =	ssyncset.done $0x0  }
0x335: {  	[sflag:s15] =	ssyncadd.s32 $0xFFFF8000  }
0x336: {  	[hbm4b:s6+s3] =	stream.linear.scatter [tilespmem:s10], [sflag:$0x5], $0x8000, $0x38;
	[tilespmem:$0x18300] =	vst v63  }
0x337: {  	_ =	swait.ge [sflag:s16], $0x8000  }
0x338: {  	s13 =	sld [smem:$0x7DD]  }
0x339: {  	[sflag:s16] =	ssyncset.done $0x0  }
0x33a: {  	[sflag:s16] =	ssyncadd.s32 $0xFFFF8000  }
0x33b: {  	[tilespmem:s3], [sflag:$0x7] =	stream.linear.gather [hbm4b:s13+s3], $0x100, $0x38;
	[tilespmem:$0x18300] =	vst v63  }
0x33c: {  	_ =	swait.ge [sflag:s5], $0x100  }
0x33d: {  	[sflag:s5] =	ssyncset.done $0x0  }
0x33e: {  	[sflag:s5] =	ssyncadd.s32 $0xFFFFFF00  }
0x33f: {  	[tilespmem:s8], [sflag:$0x1] =	stream.indirect.gather [hbm4b:s25+s7], $0x80, s3, s7, $0xb8;
	[tilespmem:$0x18300] =	vst v63  }
0x340: {  	_ =	swait.ge [sflag:s18], $0x8000  }
0x341: {  	s17 =	sld [smem:$0x7DF]  }
0x342: {  	[sflag:s18] =	ssyncset.done $0x0  }
0x343: {  	[sflag:s18] =	ssyncadd.s32 $0xFFFF8000  }
0x344: {  	[hbm4b:s17+s3] =	stream.linear.scatter [tilespmem:s14], [sflag:$0x6], $0x8000, $0x38;
	[tilespmem:$0x18300] =	vst v63  }
0x345: {  	_ =	swait.ge [sflag:s19], $0x8000  }
0x346: {  	s20 =	sld [smem:$0x7E0]  }
0x347: {  	[sflag:s19] =	ssyncset.done $0x0  }
0x348: {  	[sflag:s19] =	ssyncadd.s32 $0xFFFF8000  }
0x349: {  	[tilespmem:s7], [sflag:$0x7] =	stream.linear.gather [hbm4b:s20+s3], $0x100, $0x38;
	[tilespmem:$0x18300] =	vst v63  }
0x34a: {  	_ =	swait.ge [sflag:s5], $0x100  }
0x34b: {  	[sflag:s5] =	ssyncset.done $0x0  }
0x34c: {  	[sflag:s5] =	ssyncadd.s32 $0xFFFFFF00  }
0x34d: {  	[tilespmem:s10], [sflag:$0x2] =	stream.indirect.gather [hbm4b:s26+s7], $0x80, s7, s7, $0xb8;
	[tilespmem:$0x18300] =	vst v63  }
0x34e: {  	_ =	swait.ge [sflag:s11], $0x8000  }
0x34f: {  	s22 =	sld [smem:$0x7E2]  }
0x350: {  	[sflag:s11] =	ssyncset.done $0x0  }
0x351: {  	[sflag:s11] =	ssyncadd.s32 $0xFFFF8000  }
0x352: {  	[hbm4b:s22+s3] =	stream.linear.scatter [tilespmem:s8], [sflag:$0x4], $0x8000, $0x38;
	[tilespmem:$0x18300] =	vst v63  }
0x353: {  	_ =	swait.ge [sflag:s21], $0x8000  }
0x354: {  	s23 =	sld [smem:$0x7E3]  }
0x355: {  	[sflag:s21] =	ssyncset.done $0x0  }
0x356: {  	[sflag:s21] =	ssyncadd.s32 $0xFFFF8000  }
0x357: {  	[tilespmem:s12], [sflag:$0x7] =	stream.linear.gather [hbm4b:s23+s3], $0x100, $0x38;
	[tilespmem:$0x18300] =	vst v63  }
0x358: {  	_ =	swait.ge [sflag:s5], $0x100  }
0x359: {  	[sflag:s5] =	ssyncset.done $0x0  }
0x35a: {  	[sflag:s5] =	ssyncadd.s32 $0xFFFFFF00  }
0x35b: {  	[tilespmem:s14], [sflag:$0x3] =	stream.indirect.gather [hbm4b:s28+s7], $0x80, s12, s7, $0xb8;
	[tilespmem:$0x18300] =	vst v63  }
0x35c: {  	_ =	swait.ge [sflag:s15], $0x8000  }
0x35d: {  	s24 =	sld [smem:$0x7E5]  }
0x35e: {  	[sflag:s15] =	ssyncset.done $0x0  }
0x35f: {  	[sflag:s15] =	ssyncadd.s32 $0xFFFF8000  }
0x360: {  	[hbm4b:s24+s3] =	stream.linear.scatter [tilespmem:s10], [sflag:$0x5], $0x8000, $0x38;
	[tilespmem:$0x18300] =	vst v63  }
0x361: {  	_ =	swait.ge [sflag:s16], $0x8000  }
0x362: {  	s25 =	sld [smem:$0x7E6]  }
0x363: {  	[sflag:s16] =	ssyncset.done $0x0  }
0x364: {  	[sflag:s16] =	ssyncadd.s32 $0xFFFF8000  }
0x365: {  	[tilespmem:s3], [sflag:$0x7] =	stream.linear.gather [hbm4b:s25+s3], $0x100, $0x38;
	[tilespmem:$0x18300] =	vst v63  }
0x366: {  	_ =	swait.ge [sflag:s5], $0x100  }
0x367: {  	[sflag:s5] =	ssyncset.done $0x0  }
0x368: {  	[sflag:s5] =	ssyncadd.s32 $0xFFFFFF00  }
0x369: {  	[tilespmem:s8], [sflag:$0x1] =	stream.indirect.gather [hbm4b:s29+s7], $0x80, s3, s7, $0xb8;
	[tilespmem:$0x18300] =	vst v63  }
0x36a: {  	_ =	swait.ge [sflag:s18], $0x8000  }
0x36b: {  	s26 =	sld [smem:$0x7E8]  }
0x36c: {  	[sflag:s18] =	ssyncset.done $0x0  }
0x36d: {  	[sflag:s18] =	ssyncadd.s32 $0xFFFF8000  }
0x36e: {  	[hbm4b:s26+s3] =	stream.linear.scatter [tilespmem:s14], [sflag:$0x6], $0x8000, $0x38;
	[tilespmem:$0x18300] =	vst v63  }
0x36f: {  	_ =	swait.ge [sflag:s19], $0x8000  }
0x370: {  	s28 =	sld [smem:$0x7E9]  }
0x371: {  	[sflag:s19] =	ssyncset.done $0x0  }
0x372: {  	[sflag:s19] =	ssyncadd.s32 $0xFFFF8000  }
0x373: {  	[tilespmem:s7], [sflag:$0x7] =	stream.linear.gather [hbm4b:s28+s3], $0x100, $0x38;
	[tilespmem:$0x18300] =	vst v63  }
0x374: {  	_ =	swait.ge [sflag:s5], $0x100  }
0x375: {  	[sflag:s5] =	ssyncset.done $0x0  }
0x376: {  	[sflag:s5] =	ssyncadd.s32 $0xFFFFFF00  }
0x377: {  	[tilespmem:s10], [sflag:$0x2] =	stream.indirect.gather [hbm4b:s30+s7], $0x80, s7, s7, $0xb8;
	[tilespmem:$0x18300] =	vst v63  }
0x378: {  	_ =	swait.ge [sflag:s11], $0x8000  }
0x379: {  	s29 =	sld [smem:$0x7EB]  }
0x37a: {  	[sflag:s11] =	ssyncset.done $0x0  }
0x37b: {  	[sflag:s11] =	ssyncadd.s32 $0xFFFF8000  }
0x37c: {  	[hbm4b:s29+s3] =	stream.linear.scatter [tilespmem:s8], [sflag:$0x4], $0x8000, $0x38;
	[tilespmem:$0x18300] =	vst v63  }
0x37d: {  	_ =	swait.ge [sflag:s21], $0x8000  }
0x37e: {  	s30 =	sld [smem:$0x7EC]  }
0x37f: {  	[sflag:s21] =	ssyncset.done $0x0  }
0x380: {  	[sflag:s21] =	ssyncadd.s32 $0xFFFF8000  }
0x381: {  	[tilespmem:s12], [sflag:$0x7] =	stream.linear.gather [hbm4b:s30+s3], $0x100, $0x38;
	[tilespmem:$0x18300] =	vst v63  }
0x382: {  	_ =	swait.ge [sflag:s5], $0x100  }
0x383: {  	[sflag:s5] =	ssyncset.done $0x0  }
0x384: {  	[sflag:s5] =	ssyncadd.s32 $0xFFFFFF00  }
0x385: {  	[tilespmem:s14], [sflag:$0x3] =	stream.indirect.gather [hbm4b:s31+s7], $0x80, s12, s7, $0xb8;
	[tilespmem:$0x18300] =	vst v63  }
0x386: {  	_ =	swait.ge [sflag:s15], $0x8000  }
0x387: {  	s31 =	sld [smem:$0x7EE]  }
0x388: {  	[sflag:s15] =	ssyncset.done $0x0  }
0x389: {  	[sflag:s15] =	ssyncadd.s32 $0xFFFF8000  }
0x38a: {  	[hbm4b:s31+s3] =	stream.linear.scatter [tilespmem:s10], [sflag:$0x5], $0x8000, $0x38;
	[tilespmem:$0x18300] =	vst v63  }
0x38b: {  	_ =	swait.ge [sflag:s16], $0x8000  }
0x38c: {  	s6 =	sld [smem:$0x7EF]  }
0x38d: {  	[sflag:s16] =	ssyncset.done $0x0  }
0x38e: {  	[sflag:s16] =	ssyncadd.s32 $0xFFFF8000  }
0x38f: {  	[tilespmem:s3], [sflag:$0x7] =	stream.linear.gather [hbm4b:s6+s3], $0x100, $0x38;
	[tilespmem:$0x18300] =	vst v63  }
0x390: {  	_ =	swait.ge [sflag:s5], $0x100  }
0x391: {  	[sflag:s5] =	ssyncset.done $0x0  }
0x392: {  	[sflag:s5] =	ssyncadd.s32 $0xFFFFFF00  }
0x393: {  	[tilespmem:s8], [sflag:$0x1] =	stream.indirect.gather [hbm4b:s1+s7], $0x80, s3, s7, $0xb8;
	[tilespmem:$0x18300] =	vst v63  }
0x394: {  	_ =	swait.ge [sflag:s18], $0x8000  }
0x395: {  	s13 =	sld [smem:$0x7F1]  }
0x396: {  	[sflag:s18] =	ssyncset.done $0x0  }
0x397: {  	[sflag:s18] =	ssyncadd.s32 $0xFFFF8000  }
0x398: {  	[hbm4b:s13+s3] =	stream.linear.scatter [tilespmem:s14], [sflag:$0x6], $0x8000, $0x38;
	[tilespmem:$0x18300] =	vst v63  }
0x399: {  	_ =	swait.ge [sflag:s19], $0x8000  }
0x39a: {  	s17 =	sld [smem:$0x7F2]  }
0x39b: {  	[sflag:s19] =	ssyncset.done $0x0  }
0x39c: {  	[sflag:s19] =	ssyncadd.s32 $0xFFFF8000  }
0x39d: {  	[tilespmem:s7], [sflag:$0x7] =	stream.linear.gather [hbm4b:s17+s3], $0x100, $0x38;
	[tilespmem:$0x18300] =	vst v63  }
0x39e: {  	_ =	swait.ge [sflag:s5], $0x100  }
0x39f: {  	[sflag:s5] =	ssyncset.done $0x0  }
0x3a0: {  	[sflag:s5] =	ssyncadd.s32 $0xFFFFFF00  }
0x3a1: {  	[tilespmem:s10], [sflag:$0x2] =	stream.indirect.gather [hbm4b:s0+s7], $0x80, s7, s7, $0xb8;
	[tilespmem:$0x18300] =	vst v63  }
0x3a2: {  	_ =	swait.ge [sflag:s11], $0x8000  }
0x3a3: {  	s20 =	sld [smem:$0x7F4]  }
0x3a4: {  	[sflag:s11] =	ssyncset.done $0x0  }
0x3a5: {  	[sflag:s11] =	ssyncadd.s32 $0xFFFF8000  }
0x3a6: {  	[hbm4b:s20+s3] =	stream.linear.scatter [tilespmem:s8], [sflag:$0x4], $0x8000, $0x38;
	[tilespmem:$0x18300] =	vst v63  }
0x3a7: {  	_ =	swait.ge [sflag:s21], $0x8000  }
0x3a8: {  	s22 =	sld [smem:$0x7F5]  }
0x3a9: {  	[sflag:s21] =	ssyncset.done $0x0  }
0x3aa: {  	[sflag:s21] =	ssyncadd.s32 $0xFFFF8000  }
0x3ab: {  	[tilespmem:s12], [sflag:$0x7] =	stream.linear.gather [hbm4b:s22+s3], $0x100, $0x38;
	[tilespmem:$0x18300] =	vst v63  }
0x3ac: {  	_ =	swait.ge [sflag:s5], $0x100  }
0x3ad: {  	[sflag:s5] =	ssyncset.done $0x0  }
0x3ae: {  	[sflag:s5] =	ssyncadd.s32 $0xFFFFFF00  }
0x3af: {  	s23 =	rddreg [dreg:$0x1]  }
0x3b0: {  	[tilespmem:s14], [sflag:$0x3] =	stream.indirect.gather [hbm4b:s23+s7], $0x80, s12, s7, $0xb8;
	[tilespmem:$0x18300] =	vst v63  }
0x3b1: {  	_ =	swait.ge [sflag:s15], $0x8000  }
0x3b2: {  	s24 =	sld [smem:$0x7F6]  }
0x3b3: {  	[sflag:s15] =	ssyncset.done $0x0  }
0x3b4: {  	[sflag:s15] =	ssyncadd.s32 $0xFFFF8000  }
0x3b5: {  	[hbm4b:s24+s3] =	stream.linear.scatter [tilespmem:s10], [sflag:$0x5], $0x8000, $0x38;
	[tilespmem:$0x18300] =	vst v63  }
0x3b6: {  	_ =	swait.ge [sflag:s16], $0x8000  }
0x3b7: {  	s25 =	sld [smem:$0x7F7]  }
0x3b8: {  	[sflag:s16] =	ssyncset.done $0x0  }
0x3b9: {  	[sflag:s16] =	ssyncadd.s32 $0xFFFF8000  }
0x3ba: {  	[tilespmem:s3], [sflag:$0x7] =	stream.linear.gather [hbm4b:s25+s3], $0x100, $0x38;
	[tilespmem:$0x18300] =	vst v63  }
0x3bb: {  	_ =	swait.ge [sflag:s5], $0x100  }
0x3bc: {  	[sflag:s5] =	ssyncset.done $0x0  }
0x3bd: {  	[sflag:s5] =	ssyncadd.s32 $0xFFFFFF00  }
0x3be: {  	[tilespmem:s8], [sflag:$0x1] =	stream.indirect.gather [hbm4b:s9+s7], $0x80, s3, s7, $0xb8;
	[tilespmem:$0x18300] =	vst v63  }
0x3bf: {  	_ =	swait.ge [sflag:s18], $0x8000  }
0x3c0: {  	s26 =	sld [smem:$0x7F9]  }
0x3c1: {  	[sflag:s18] =	ssyncset.done $0x0  }
0x3c2: {  	[sflag:s18] =	ssyncadd.s32 $0xFFFF8000  }
0x3c3: {  	[hbm4b:s26+s3] =	stream.linear.scatter [tilespmem:s14], [sflag:$0x6], $0x8000, $0x38;
	[tilespmem:$0x18300] =	vst v63  }
0x3c4: {  	_ =	swait.ge [sflag:s19], $0x8000  }
0x3c5: {  	s28 =	sld [smem:$0x7FA]  }
0x3c6: {  	[sflag:s19] =	ssyncset.done $0x0  }
0x3c7: {  	[sflag:s19] =	ssyncadd.s32 $0xFFFF8000  }
0x3c8: {  	[tilespmem:s7], [sflag:$0x7] =	stream.linear.gather [hbm4b:s28+s3], $0x100, $0x38;
	[tilespmem:$0x18300] =	vst v63  }
0x3c9: {  	_ =	swait.ge [sflag:s5], $0x100  }
0x3ca: {  	s29 =	sld [smem:$0x7FB]  }
0x3cb: {  	[sflag:s5] =	ssyncset.done $0x0  }
0x3cc: {  	[sflag:s5] =	ssyncadd.s32 $0xFFFFFF00  }
0x3cd: {  	[tilespmem:s10], [sflag:$0x2] =	stream.indirect.gather [hbm4b:s29+s7], $0x80, s7, s7, $0xb8;
	[tilespmem:$0x18300] =	vst v63  }
0x3ce: {  	_ =	swait.ge [sflag:s11], $0x8000  }
0x3cf: {  	s30 =	sld [smem:$0x7FC]  }
0x3d0: {  	[sflag:s11] =	ssyncset.done $0x0  }
0x3d1: {  	[sflag:s11] =	ssyncadd.s32 $0xFFFF8000  }
0x3d2: {  	[hbm4b:s30+s3] =	stream.linear.scatter [tilespmem:s8], [sflag:$0x4], $0x8000, $0x38;
	[tilespmem:$0x18300] =	vst v63  }
0x3d3: {  	_ =	swait.ge [sflag:s15], $0x8000  }
0x3d4: {  	s31 =	sld [smem:$0x7FD]  }
0x3d5: {  	[sflag:s15] =	ssyncset.done $0x0  }
0x3d6: {  	[sflag:s15] =	ssyncadd.s32 $0xFFFF8000  }
0x3d7: {  	[hbm4b:s31+s3] =	stream.linear.scatter [tilespmem:s10], [sflag:$0x5], $0x8000, $0x38;
	[tilespmem:$0x18300] =	vst v63  }
0x3d8: {  	_ =	swait.ge [sflag:s16], $0x8000  }
0x3d9: {  	[sflag:s16] =	ssyncset.done $0x0  }
0x3da: {  	p0 =	sne.s32 s2, $0x1;
	[sflag:s16] =	ssyncadd.s32 $0xFFFF8000  }
.Ltmp1:
0x3db: {  	_ =	swait.ge [sflag:s19], $0x8000;
	(pc) =	sbr.rel @p0 .LBB2_1-.Ltmp1, $4  }
0x3dc: {  	[sflag:s19] =	ssyncset.done $0x0  }
0x3dd: {  	[sflag:s19] =	ssyncadd.s32 $0xFFFF8000  }
0x3de: {  	_ =	swait.ge [sflag:s21], $0x8000  }
0x3df: {  	s2 =	sadd.s32 $0xFFFFFFFF, s2;
	[sflag:s21] =	ssyncset.done $0x0  }
.LBB2_2:
0x3e0: {  	[sflag:s21] =	ssyncadd.s32 $0xFFFF8000  }
0x3e1: {  	_ =	sfence.sel $0x180000  }
0x3e2: {  	[bflag:$0x0] =	sbarrier.arrive $0xFFFF  }
0x3e3: {  	_ =	strace $0x90000047  }
0x3e4: {  	s0 =	stileid.u32;
	[bflag:$0x2] =	sbarrier.arrive $0xFFFF  }
0x3e5: {  	p0 =	sne.s32 s0, $0x0;
	s0 =	rddreg [dreg:$0x2]  }
0x3e6: {  	s0 =	sadd.s32 @!p0 $0x100000, s0  }
0x3e7: {  	[sflag:s0] =	ssyncadd.tile.s32 @!p0 $0x1;
	_ =	shalt  }
.Lfunc_end2:
_tile_overlayer_lowered:
.L_overlay_start_2:
0x3e8: {  	(tag) =	ssettag $0x2  }
0x3e9: {  	s0 =	rddreg [dreg:$0x0];
	s2 =	stileid.u32  }
0x3ea: {  	s1 =	rddreg [dreg:$0x1];
	p0 =	sne.s32 s2, $0x0  }
0x3eb: {  	s3 =	rddreg [dreg:$0x2];
	[bflag:$0x3] =	sbarrier.arrive $0xFFFF;
	s2 =	simm.s32 @!p0 $0x1C07  }
0x3ec: {  	[timem:s3], [sflag:s2] =	dma.local @!p0 [hbm:s0], s1  }
0x3ed: {  	s0 =	simm.s32 @!p0 $0x7  }
0x3ee: {  	_ =	swait.ge @!p0 [sflag:s0], s1  }
0x3ef: {  	s1 =	ssub.s32 @!p0 $0x0, s1;
	[sflag:s0] =	ssyncset.done @!p0 $0x0  }
0x3f0: {  	[sflag:s0] =	ssyncadd.s32 @!p0 s1  }
0x3f1: {  	[bflag:$0x3] =	sbarrier.arrive $0xFFFF  }
0x3f2: {  	_ =	shalt  }

</sc_bundles>
